<compile_context>
chip_gen: v7x
topology: tpu7x:2x2x1
jax: 0.10.2.dev20260603
libtpu: 0.0.44.dev20260713+nightly
codegen_flags: <defaults>
</compile_context>

<pallas_src>
import jax
import jax.numpy as jnp
from jax import lax
from jax.experimental import pallas as pl
from jax.experimental.pallas import tpu as pltpu
from jax.experimental.pallas import tpu_sc as plsc

_NUM_CORES = 2
_NUM_SUBCORES = 16
_NW = _NUM_CORES * _NUM_SUBCORES
_B, _V = 4096, 102
_D = 64
_BPW = _B // _NW
_L = 16
_NJB = _BPW // _L


def _sc_body(idx_hbm, table_hbm, out_hbm, idx_v, table_v, bufs, ssems):
    wid = lax.axis_index("s") * _NUM_CORES + lax.axis_index("c")
    bcol = wid * _BPW

    pltpu.sync_copy(idx_hbm.at[:, pl.ds(bcol, _BPW)], idx_v)
    pltpu.sync_copy(table_hbm, table_v)

    iota = lax.iota(jnp.int32, _L)

    def compute_block(v, buf):
        for jb in range(_NJB):
            lanes = jb * _L + iota
            iv = idx_v[v, pl.ds(jb * _L, _L)]

            @plsc.parallel_loop(0, _D, step=1, unroll=16)
            def dloop(d):
                col = plsc.load_gather(table_v, [iv + d * _V])
                buf[d, pl.ds(jb * _L, _L)] = col

    def out_slice(v):
        return out_hbm.at[v, :, pl.ds(bcol, _BPW)]

    def store(v, b):
        pltpu.async_copy(bufs[b], out_slice(v), ssems[b])

    def wait_store(v, b):
        pltpu.make_async_copy(bufs[b], out_slice(v), ssems[b]).wait()

    for b in (0, 1):
        compute_block(jnp.int32(b), bufs[b])
        store(b, b)

    def body(p, carry):
        for b in (0, 1):
            v = p * 2 + b
            wait_store(v - 2, b)
            compute_block(v, bufs[b])
            store(v, b)
        return carry

    lax.fori_loop(1, _V // 2, body, 0)

    wait_store(_V - 2, 0)
    wait_store(_V - 1, 1)


@jax.jit
def _lookup(indices, table_flat):
    mesh = plsc.VectorSubcoreMesh(core_axis_name="c", subcore_axis_name="s")
    f = pl.kernel(
        _sc_body,
        out_type=jax.ShapeDtypeStruct((_V, _D, _B), jnp.float32),
        mesh=mesh,
        scratch_types=[
            pltpu.VMEM((_V, _BPW), jnp.int32),
            pltpu.VMEM((_V * _D,), jnp.float32),
            [pltpu.VMEM((_D, _BPW), jnp.float32) for _ in range(2)],
            [pltpu.SemaphoreType.DMA for _ in range(2)],
        ],
        compiler_params=pltpu.CompilerParams(
            use_tc_tiling_on_sc=True, needs_layout_passes=False
        ),
    )
    return f(indices, table_flat)


def kernel(indices, table):
    out_t = _lookup(indices.T, table.T.reshape(_V * _D))
    return out_t.transpose(2, 0, 1)

# --- scband reference (transcript-rebuilt; emitter-appended) ---
"""Pipeline reference for scband-graph-rep-24644522344844 (READ-ONLY COPY).

The authoritative reference and input builder live on the scoring server;
editing this copy changes nothing except your own understanding.
"""

import jax, jax.numpy as jnp
import numpy as np

NUM_G_NODES = 6
PRED_HORIZON = 16
EMBD_DIM = 128
G_STATE_DIM = 64
VOCAB = NUM_G_NODES * (PRED_HORIZON + 1)  # 102
EMB_DIM = EMBD_DIM - G_STATE_DIM  # 64
BATCH = 4096


def setup_inputs(seed: int = 0) -> dict:
    key = jax.random.key(seed)
    k1, k2 = jax.random.split(key)
    # gripper_emdb indices: one lookup per (batch, time-step, gripper-node)
    indices = jax.random.randint(k1, (BATCH, VOCAB), 0, VOCAB, dtype=jnp.int32)
    # learned parameter: gripper_embds embedding table
    table = jax.random.normal(k2, (VOCAB, EMB_DIM), dtype=jnp.float32) * 0.02
    return {"indices": indices, "table": table}


def reference(indices, table):
    # Faithful core of GraphRep's gripper node featurization:
    # nn.Embedding lookup gripper_embds(gripper_emdb) -> [B, T*N, embd_dim - g_state_dim]
    return jnp.take(table, indices, axis=0)

if __name__ == "__main__":
    import jax
    _d = setup_inputs()
    print(jax.jit(kernel)(*tuple(_d.values())))

</pallas_src>

<mosaic_0001>
#map = affine_map<(d0, d1) -> (0, 0)>
#map1 = affine_map<(d0, d1) -> (0)>
#map2 = affine_map<(d0, d1) -> (0, 0, 0)>
module attributes {stable_mosaic.version = 14 : i64} {
  func.func @_sc_body(%arg0: i32, %arg1: i32, %arg2: memref<102x4096xi32, #tpu.memory_space<hbm>>, %arg3: memref<6528xf32, #tpu.memory_space<hbm>>, %arg4: memref<102x64x4096xf32, #tpu.memory_space<hbm>>, %arg5: memref<102x128xi32, #tpu.memory_space<vmem>>, %arg6: memref<6528xf32, #tpu.memory_space<vmem>>, %arg7: memref<64x128xf32, #tpu.memory_space<vmem>>, %arg8: memref<64x128xf32, #tpu.memory_space<vmem>>, %arg9: memref<!tpu.dma_semaphore, #tpu.memory_space<semaphore_mem>>, %arg10: memref<!tpu.dma_semaphore, #tpu.memory_space<semaphore_mem>>) attributes {dimension_semantics = [#tpu.dimension_semantics<core_parallel>, #tpu.dimension_semantics<subcore_parallel>], iteration_bounds = array<i64: 2, 16>, scalar_prefetch = 0 : i64, scratch_operands = 6 : i64, tpu.core_type = #tpu.core_type<sc_vector_subcore>, window_params = [{transform_indices = #map}, {transform_indices = #map1}, {transform_indices = #map2}]} {
    %mul3A = arith.constant 2 : i32
    %mul3A_0 = arith.muli %arg1, %mul3A : i32
    %add3A = arith.addi %mul3A_0, %arg0 : i32
    %mul3A_1 = arith.constant 128 : i32
    %mul3A_2 = arith.muli %add3A, %mul3A_1 : i32
    "tpu.region"() ({
      %run_scoped3A = tpu.sem_alloc : memref<!tpu.dma_semaphore, #tpu.memory_space<semaphore_mem>>
      %dma_start3A_192 = arith.constant 0 : i32
      %dma_start3A_193 = tpu.memref_slice %arg2[%dma_start3A_192, %mul3A_2] : memref<102x4096xi32, #tpu.memory_space<hbm>> -> memref<102x128xi32, #tpu.memory_space<hbm>>
      %dma_start3A_194 = arith.constant 0 : i32
      %dma_start3A_195 = tpu.memref_slice %arg2[%dma_start3A_194, %mul3A_2] : memref<102x4096xi32, #tpu.memory_space<hbm>> -> memref<102x128xi32, #tpu.memory_space<hbm>>
      tpu.enqueue_dma source(%dma_start3A_195 : memref<102x128xi32, #tpu.memory_space<hbm>>) target(%arg5 : memref<102x128xi32, #tpu.memory_space<vmem>>) target_semaphore(%run_scoped3A : memref<!tpu.dma_semaphore, #tpu.memory_space<semaphore_mem>>)
      %dma_wait3A_196 = arith.constant 0 : i32
      %dma_wait3A_197 = tpu.memref_slice %arg2[%dma_wait3A_196, %mul3A_2] : memref<102x4096xi32, #tpu.memory_space<hbm>> -> memref<102x128xi32, #tpu.memory_space<hbm>>
      %dma_wait3A_198 = arith.constant 0 : i32
      %dma_wait3A_199 = tpu.memref_slice %arg2[%dma_wait3A_198, %mul3A_2] : memref<102x4096xi32, #tpu.memory_space<hbm>> -> memref<102x128xi32, #tpu.memory_space<hbm>>
      tpu.wait_dma2 semaphore(%run_scoped3A : memref<!tpu.dma_semaphore, #tpu.memory_space<semaphore_mem>>) src(%dma_wait3A_199 : memref<102x128xi32, #tpu.memory_space<hbm>>) dst(%arg5 : memref<102x128xi32, #tpu.memory_space<vmem>>)
      tpu.yield
    }) : () -> ()
    "tpu.region"() ({
      %run_scoped3A = tpu.sem_alloc : memref<!tpu.dma_semaphore, #tpu.memory_space<semaphore_mem>>
      tpu.enqueue_dma source(%arg3 : memref<6528xf32, #tpu.memory_space<hbm>>) target(%arg6 : memref<6528xf32, #tpu.memory_space<vmem>>) target_semaphore(%run_scoped3A : memref<!tpu.dma_semaphore, #tpu.memory_space<semaphore_mem>>)
      tpu.wait_dma2 semaphore(%run_scoped3A : memref<!tpu.dma_semaphore, #tpu.memory_space<semaphore_mem>>) src(%arg3 : memref<6528xf32, #tpu.memory_space<hbm>>) dst(%arg6 : memref<6528xf32, #tpu.memory_space<vmem>>)
      tpu.yield
    }) : () -> ()
    %iota3A = tpu.iota {dimensions = array<i32: 0>} : vector<16xi32>
    %add3A_3 = arith.constant 0 : i32
    %add3A_4 = vector.broadcast %add3A_3 : i32 to vector<16xi32>
    %add3A_5 = arith.addi %add3A_4, %iota3A : vector<16xi32>
    %get3A = arith.constant 0 : i32
    %get3A_6 = arith.index_cast %get3A : i32 to index
    %get3A_7 = arith.constant 0 : index
    %get3A_8 = tpu.vector_load %arg5[%get3A_6, %get3A_7] {strides = array<i32>} : memref<102x128xi32, #tpu.memory_space<vmem>>, vector<16xi32>,
    %parallel_loop3A = arith.constant 0 : i32
    %parallel_loop3A_9 = arith.constant 64 : i32
    %parallel_loop3A_10 = arith.constant 1 : i32
    scf.for %parallel_loop3A_192 = %parallel_loop3A to %parallel_loop3A_9 step %parallel_loop3A_10  : i32 {
      %parallel_loop3A_193 = arith.constant 102 : i32
      %parallel_loop3A_194 = arith.muli %parallel_loop3A_192, %parallel_loop3A_193 : i32
      %parallel_loop3A_195 = vector.broadcast %parallel_loop3A_194 : i32 to vector<16xi32>
      %parallel_loop3A_196 = arith.addi %get3A_8, %parallel_loop3A_195 : vector<16xi32>
      %parallel_loop3A_197 = tpu.vector_load_idx %arg6[%parallel_loop3A_196] : memref<6528xf32, #tpu.memory_space<vmem>>[vector<16xi32>], vector<16xf32>,
      %parallel_loop3A_198 = arith.index_cast %parallel_loop3A_192 : i32 to index
      %parallel_loop3A_199 = arith.constant 0 : index
      %parallel_loop3A_200 = tpu.vector_load %arg7[%parallel_loop3A_198, %parallel_loop3A_199] {strides = array<i32>} : memref<64x128xf32, #tpu.memory_space<vmem>>, vector<16xf32>,
      tpu.vector_store %arg7[%parallel_loop3A_198, %parallel_loop3A_199], %parallel_loop3A_197 {strides = array<i32>} : memref<64x128xf32, #tpu.memory_space<vmem>>, vector<16xf32>,
    } {sc.loop_unroll_factor = 16 : i64, sc.parallel_access}
    %add3A_11 = arith.constant 16 : i32
    %add3A_12 = vector.broadcast %add3A_11 : i32 to vector<16xi32>
    %add3A_13 = arith.addi %add3A_12, %iota3A : vector<16xi32>
    %get3A_14 = arith.constant 0 : i32
    %get3A_15 = arith.index_cast %get3A_14 : i32 to index
    %get3A_16 = arith.constant 16 : index
    %get3A_17 = tpu.vector_load %arg5[%get3A_15, %get3A_16] {strides = array<i32>} : memref<102x128xi32, #tpu.memory_space<vmem>>, vector<16xi32>,
    %parallel_loop3A_18 = arith.constant 0 : i32
    %parallel_loop3A_19 = arith.constant 64 : i32
    %parallel_loop3A_20 = arith.constant 1 : i32
    scf.for %parallel_loop3A_192 = %parallel_loop3A_18 to %parallel_loop3A_19 step %parallel_loop3A_20  : i32 {
      %parallel_loop3A_193 = arith.constant 102 : i32
      %parallel_loop3A_194 = arith.muli %parallel_loop3A_192, %parallel_loop3A_193 : i32
      %parallel_loop3A_195 = vector.broadcast %parallel_loop3A_194 : i32 to vector<16xi32>
      %parallel_loop3A_196 = arith.addi %get3A_17, %parallel_loop3A_195 : vector<16xi32>
      %parallel_loop3A_197 = tpu.vector_load_idx %arg6[%parallel_loop3A_196] : memref<6528xf32, #tpu.memory_space<vmem>>[vector<16xi32>], vector<16xf32>,
      %parallel_loop3A_198 = arith.index_cast %parallel_loop3A_192 : i32 to index
      %parallel_loop3A_199 = arith.constant 16 : index
      %parallel_loop3A_200 = tpu.vector_load %arg7[%parallel_loop3A_198, %parallel_loop3A_199] {strides = array<i32>} : memref<64x128xf32, #tpu.memory_space<vmem>>, vector<16xf32>,
      tpu.vector_store %arg7[%parallel_loop3A_198, %parallel_loop3A_199], %parallel_loop3A_197 {strides = array<i32>} : memref<64x128xf32, #tpu.memory_space<vmem>>, vector<16xf32>,
    } {sc.loop_unroll_factor = 16 : i64, sc.parallel_access}
    %add3A_21 = arith.constant 32 : i32
    %add3A_22 = vector.broadcast %add3A_21 : i32 to vector<16xi32>
    %add3A_23 = arith.addi %add3A_22, %iota3A : vector<16xi32>
    %get3A_24 = arith.constant 0 : i32
    %get3A_25 = arith.index_cast %get3A_24 : i32 to index
    %get3A_26 = arith.constant 32 : index
    %get3A_27 = tpu.vector_load %arg5[%get3A_25, %get3A_26] {strides = array<i32>} : memref<102x128xi32, #tpu.memory_space<vmem>>, vector<16xi32>,
    %parallel_loop3A_28 = arith.constant 0 : i32
    %parallel_loop3A_29 = arith.constant 64 : i32
    %parallel_loop3A_30 = arith.constant 1 : i32
    scf.for %parallel_loop3A_192 = %parallel_loop3A_28 to %parallel_loop3A_29 step %parallel_loop3A_30  : i32 {
      %parallel_loop3A_193 = arith.constant 102 : i32
      %parallel_loop3A_194 = arith.muli %parallel_loop3A_192, %parallel_loop3A_193 : i32
      %parallel_loop3A_195 = vector.broadcast %parallel_loop3A_194 : i32 to vector<16xi32>
      %parallel_loop3A_196 = arith.addi %get3A_27, %parallel_loop3A_195 : vector<16xi32>
      %parallel_loop3A_197 = tpu.vector_load_idx %arg6[%parallel_loop3A_196] : memref<6528xf32, #tpu.memory_space<vmem>>[vector<16xi32>], vector<16xf32>,
      %parallel_loop3A_198 = arith.index_cast %parallel_loop3A_192 : i32 to index
      %parallel_loop3A_199 = arith.constant 32 : index
      %parallel_loop3A_200 = tpu.vector_load %arg7[%parallel_loop3A_198, %parallel_loop3A_199] {strides = array<i32>} : memref<64x128xf32, #tpu.memory_space<vmem>>, vector<16xf32>,
      tpu.vector_store %arg7[%parallel_loop3A_198, %parallel_loop3A_199], %parallel_loop3A_197 {strides = array<i32>} : memref<64x128xf32, #tpu.memory_space<vmem>>, vector<16xf32>,
    } {sc.loop_unroll_factor = 16 : i64, sc.parallel_access}
    %add3A_31 = arith.constant 48 : i32
    %add3A_32 = vector.broadcast %add3A_31 : i32 to vector<16xi32>
    %add3A_33 = arith.addi %add3A_32, %iota3A : vector<16xi32>
    %get3A_34 = arith.constant 0 : i32
    %get3A_35 = arith.index_cast %get3A_34 : i32 to index
    %get3A_36 = arith.constant 48 : index
    %get3A_37 = tpu.vector_load %arg5[%get3A_35, %get3A_36] {strides = array<i32>} : memref<102x128xi32, #tpu.memory_space<vmem>>, vector<16xi32>,
    %parallel_loop3A_38 = arith.constant 0 : i32
    %parallel_loop3A_39 = arith.constant 64 : i32
    %parallel_loop3A_40 = arith.constant 1 : i32
    scf.for %parallel_loop3A_192 = %parallel_loop3A_38 to %parallel_loop3A_39 step %parallel_loop3A_40  : i32 {
      %parallel_loop3A_193 = arith.constant 102 : i32
      %parallel_loop3A_194 = arith.muli %parallel_loop3A_192, %parallel_loop3A_193 : i32
      %parallel_loop3A_195 = vector.broadcast %parallel_loop3A_194 : i32 to vector<16xi32>
      %parallel_loop3A_196 = arith.addi %get3A_37, %parallel_loop3A_195 : vector<16xi32>
      %parallel_loop3A_197 = tpu.vector_load_idx %arg6[%parallel_loop3A_196] : memref<6528xf32, #tpu.memory_space<vmem>>[vector<16xi32>], vector<16xf32>,
      %parallel_loop3A_198 = arith.index_cast %parallel_loop3A_192 : i32 to index
      %parallel_loop3A_199 = arith.constant 48 : index
      %parallel_loop3A_200 = tpu.vector_load %arg7[%parallel_loop3A_198, %parallel_loop3A_199] {strides = array<i32>} : memref<64x128xf32, #tpu.memory_space<vmem>>, vector<16xf32>,
      tpu.vector_store %arg7[%parallel_loop3A_198, %parallel_loop3A_199], %parallel_loop3A_197 {strides = array<i32>} : memref<64x128xf32, #tpu.memory_space<vmem>>, vector<16xf32>,
    } {sc.loop_unroll_factor = 16 : i64, sc.parallel_access}
    %add3A_41 = arith.constant 64 : i32
    %add3A_42 = vector.broadcast %add3A_41 : i32 to vector<16xi32>
    %add3A_43 = arith.addi %add3A_42, %iota3A : vector<16xi32>
    %get3A_44 = arith.constant 0 : i32
    %get3A_45 = arith.index_cast %get3A_44 : i32 to index
    %get3A_46 = arith.constant 64 : index
    %get3A_47 = tpu.vector_load %arg5[%get3A_45, %get3A_46] {strides = array<i32>} : memref<102x128xi32, #tpu.memory_space<vmem>>, vector<16xi32>,
    %parallel_loop3A_48 = arith.constant 0 : i32
    %parallel_loop3A_49 = arith.constant 64 : i32
    %parallel_loop3A_50 = arith.constant 1 : i32
    scf.for %parallel_loop3A_192 = %parallel_loop3A_48 to %parallel_loop3A_49 step %parallel_loop3A_50  : i32 {
      %parallel_loop3A_193 = arith.constant 102 : i32
      %parallel_loop3A_194 = arith.muli %parallel_loop3A_192, %parallel_loop3A_193 : i32
      %parallel_loop3A_195 = vector.broadcast %parallel_loop3A_194 : i32 to vector<16xi32>
      %parallel_loop3A_196 = arith.addi %get3A_47, %parallel_loop3A_195 : vector<16xi32>
      %parallel_loop3A_197 = tpu.vector_load_idx %arg6[%parallel_loop3A_196] : memref<6528xf32, #tpu.memory_space<vmem>>[vector<16xi32>], vector<16xf32>,
      %parallel_loop3A_198 = arith.index_cast %parallel_loop3A_192 : i32 to index
      %parallel_loop3A_199 = arith.constant 64 : index
      %parallel_loop3A_200 = tpu.vector_load %arg7[%parallel_loop3A_198, %parallel_loop3A_199] {strides = array<i32>} : memref<64x128xf32, #tpu.memory_space<vmem>>, vector<16xf32>,
      tpu.vector_store %arg7[%parallel_loop3A_198, %parallel_loop3A_199], %parallel_loop3A_197 {strides = array<i32>} : memref<64x128xf32, #tpu.memory_space<vmem>>, vector<16xf32>,
    } {sc.loop_unroll_factor = 16 : i64, sc.parallel_access}
    %add3A_51 = arith.constant 80 : i32
    %add3A_52 = vector.broadcast %add3A_51 : i32 to vector<16xi32>
    %add3A_53 = arith.addi %add3A_52, %iota3A : vector<16xi32>
    %get3A_54 = arith.constant 0 : i32
    %get3A_55 = arith.index_cast %get3A_54 : i32 to index
    %get3A_56 = arith.constant 80 : index
    %get3A_57 = tpu.vector_load %arg5[%get3A_55, %get3A_56] {strides = array<i32>} : memref<102x128xi32, #tpu.memory_space<vmem>>, vector<16xi32>,
    %parallel_loop3A_58 = arith.constant 0 : i32
    %parallel_loop3A_59 = arith.constant 64 : i32
    %parallel_loop3A_60 = arith.constant 1 : i32
    scf.for %parallel_loop3A_192 = %parallel_loop3A_58 to %parallel_loop3A_59 step %parallel_loop3A_60  : i32 {
      %parallel_loop3A_193 = arith.constant 102 : i32
      %parallel_loop3A_194 = arith.muli %parallel_loop3A_192, %parallel_loop3A_193 : i32
      %parallel_loop3A_195 = vector.broadcast %parallel_loop3A_194 : i32 to vector<16xi32>
      %parallel_loop3A_196 = arith.addi %get3A_57, %parallel_loop3A_195 : vector<16xi32>
      %parallel_loop3A_197 = tpu.vector_load_idx %arg6[%parallel_loop3A_196] : memref<6528xf32, #tpu.memory_space<vmem>>[vector<16xi32>], vector<16xf32>,
      %parallel_loop3A_198 = arith.index_cast %parallel_loop3A_192 : i32 to index
      %parallel_loop3A_199 = arith.constant 80 : index
      %parallel_loop3A_200 = tpu.vector_load %arg7[%parallel_loop3A_198, %parallel_loop3A_199] {strides = array<i32>} : memref<64x128xf32, #tpu.memory_space<vmem>>, vector<16xf32>,
      tpu.vector_store %arg7[%parallel_loop3A_198, %parallel_loop3A_199], %parallel_loop3A_197 {strides = array<i32>} : memref<64x128xf32, #tpu.memory_space<vmem>>, vector<16xf32>,
    } {sc.loop_unroll_factor = 16 : i64, sc.parallel_access}
    %add3A_61 = arith.constant 96 : i32
    %add3A_62 = vector.broadcast %add3A_61 : i32 to vector<16xi32>
    %add3A_63 = arith.addi %add3A_62, %iota3A : vector<16xi32>
    %get3A_64 = arith.constant 0 : i32
    %get3A_65 = arith.index_cast %get3A_64 : i32 to index
    %get3A_66 = arith.constant 96 : index
    %get3A_67 = tpu.vector_load %arg5[%get3A_65, %get3A_66] {strides = array<i32>} : memref<102x128xi32, #tpu.memory_space<vmem>>, vector<16xi32>,
    %parallel_loop3A_68 = arith.constant 0 : i32
    %parallel_loop3A_69 = arith.constant 64 : i32
    %parallel_loop3A_70 = arith.constant 1 : i32
    scf.for %parallel_loop3A_192 = %parallel_loop3A_68 to %parallel_loop3A_69 step %parallel_loop3A_70  : i32 {
      %parallel_loop3A_193 = arith.constant 102 : i32
      %parallel_loop3A_194 = arith.muli %parallel_loop3A_192, %parallel_loop3A_193 : i32
      %parallel_loop3A_195 = vector.broadcast %parallel_loop3A_194 : i32 to vector<16xi32>
      %parallel_loop3A_196 = arith.addi %get3A_67, %parallel_loop3A_195 : vector<16xi32>
      %parallel_loop3A_197 = tpu.vector_load_idx %arg6[%parallel_loop3A_196] : memref<6528xf32, #tpu.memory_space<vmem>>[vector<16xi32>], vector<16xf32>,
      %parallel_loop3A_198 = arith.index_cast %parallel_loop3A_192 : i32 to index
      %parallel_loop3A_199 = arith.constant 96 : index
      %parallel_loop3A_200 = tpu.vector_load %arg7[%parallel_loop3A_198, %parallel_loop3A_199] {strides = array<i32>} : memref<64x128xf32, #tpu.memory_space<vmem>>, vector<16xf32>,
      tpu.vector_store %arg7[%parallel_loop3A_198, %parallel_loop3A_199], %parallel_loop3A_197 {strides = array<i32>} : memref<64x128xf32, #tpu.memory_space<vmem>>, vector<16xf32>,
    } {sc.loop_unroll_factor = 16 : i64, sc.parallel_access}
    %add3A_71 = arith.constant 112 : i32
    %add3A_72 = vector.broadcast %add3A_71 : i32 to vector<16xi32>
    %add3A_73 = arith.addi %add3A_72, %iota3A : vector<16xi32>
    %get3A_74 = arith.constant 0 : i32
    %get3A_75 = arith.index_cast %get3A_74 : i32 to index
    %get3A_76 = arith.constant 112 : index
    %get3A_77 = tpu.vector_load %arg5[%get3A_75, %get3A_76] {strides = array<i32>} : memref<102x128xi32, #tpu.memory_space<vmem>>, vector<16xi32>,
    %parallel_loop3A_78 = arith.constant 0 : i32
    %parallel_loop3A_79 = arith.constant 64 : i32
    %parallel_loop3A_80 = arith.constant 1 : i32
    scf.for %parallel_loop3A_192 = %parallel_loop3A_78 to %parallel_loop3A_79 step %parallel_loop3A_80  : i32 {
      %parallel_loop3A_193 = arith.constant 102 : i32
      %parallel_loop3A_194 = arith.muli %parallel_loop3A_192, %parallel_loop3A_193 : i32
      %parallel_loop3A_195 = vector.broadcast %parallel_loop3A_194 : i32 to vector<16xi32>
      %parallel_loop3A_196 = arith.addi %get3A_77, %parallel_loop3A_195 : vector<16xi32>
      %parallel_loop3A_197 = tpu.vector_load_idx %arg6[%parallel_loop3A_196] : memref<6528xf32, #tpu.memory_space<vmem>>[vector<16xi32>], vector<16xf32>,
      %parallel_loop3A_198 = arith.index_cast %parallel_loop3A_192 : i32 to index
      %parallel_loop3A_199 = arith.constant 112 : index
      %parallel_loop3A_200 = tpu.vector_load %arg7[%parallel_loop3A_198, %parallel_loop3A_199] {strides = array<i32>} : memref<64x128xf32, #tpu.memory_space<vmem>>, vector<16xf32>,
      tpu.vector_store %arg7[%parallel_loop3A_198, %parallel_loop3A_199], %parallel_loop3A_197 {strides = array<i32>} : memref<64x128xf32, #tpu.memory_space<vmem>>, vector<16xf32>,
    } {sc.loop_unroll_factor = 16 : i64, sc.parallel_access}
    %dma_start3A = arith.constant 0 : i32
    %dma_start3A_81 = arith.constant 0 : i32
    %dma_start3A_82 = tpu.memref_slice %arg4[%dma_start3A, %dma_start3A_81, %mul3A_2] : memref<102x64x4096xf32, #tpu.memory_space<hbm>> -> memref<1x64x128xf32, #tpu.memory_space<hbm>>
    %dma_start3A_83 = tpu.memref_squeeze %dma_start3A_82 : memref<1x64x128xf32, #tpu.memory_space<hbm>> -> memref<64x128xf32, #tpu.memory_space<hbm>>
    %dma_start3A_84 = arith.constant 0 : i32
    %dma_start3A_85 = tpu.memref_slice %arg4[%dma_start3A, %dma_start3A_84, %mul3A_2] : memref<102x64x4096xf32, #tpu.memory_space<hbm>> -> memref<1x64x128xf32, #tpu.memory_space<hbm>>
    %dma_start3A_86 = tpu.memref_squeeze %dma_start3A_85 : memref<1x64x128xf32, #tpu.memory_space<hbm>> -> memref<64x128xf32, #tpu.memory_space<hbm>>
    tpu.enqueue_dma source(%arg7 : memref<64x128xf32, #tpu.memory_space<vmem>>) target(%dma_start3A_86 : memref<64x128xf32, #tpu.memory_space<hbm>>) target_semaphore(%arg9 : memref<!tpu.dma_semaphore, #tpu.memory_space<semaphore_mem>>)
    %add3A_87 = arith.constant 0 : i32
    %add3A_88 = vector.broadcast %add3A_87 : i32 to vector<16xi32>
    %add3A_89 = arith.addi %add3A_88, %iota3A : vector<16xi32>
    %get3A_90 = arith.constant 1 : i32
    %get3A_91 = arith.index_cast %get3A_90 : i32 to index
    %get3A_92 = arith.constant 0 : index
    %get3A_93 = tpu.vector_load %arg5[%get3A_91, %get3A_92] {strides = array<i32>} : memref<102x128xi32, #tpu.memory_space<vmem>>, vector<16xi32>,
    %parallel_loop3A_94 = arith.constant 0 : i32
    %parallel_loop3A_95 = arith.constant 64 : i32
    %parallel_loop3A_96 = arith.constant 1 : i32
    scf.for %parallel_loop3A_192 = %parallel_loop3A_94 to %parallel_loop3A_95 step %parallel_loop3A_96  : i32 {
      %parallel_loop3A_193 = arith.constant 102 : i32
      %parallel_loop3A_194 = arith.muli %parallel_loop3A_192, %parallel_loop3A_193 : i32
      %parallel_loop3A_195 = vector.broadcast %parallel_loop3A_194 : i32 to vector<16xi32>
      %parallel_loop3A_196 = arith.addi %get3A_93, %parallel_loop3A_195 : vector<16xi32>
      %parallel_loop3A_197 = tpu.vector_load_idx %arg6[%parallel_loop3A_196] : memref<6528xf32, #tpu.memory_space<vmem>>[vector<16xi32>], vector<16xf32>,
      %parallel_loop3A_198 = arith.index_cast %parallel_loop3A_192 : i32 to index
      %parallel_loop3A_199 = arith.constant 0 : index
      %parallel_loop3A_200 = tpu.vector_load %arg8[%parallel_loop3A_198, %parallel_loop3A_199] {strides = array<i32>} : memref<64x128xf32, #tpu.memory_space<vmem>>, vector<16xf32>,
      tpu.vector_store %arg8[%parallel_loop3A_198, %parallel_loop3A_199], %parallel_loop3A_197 {strides = array<i32>} : memref<64x128xf32, #tpu.memory_space<vmem>>, vector<16xf32>,
    } {sc.loop_unroll_factor = 16 : i64, sc.parallel_access}
    %add3A_97 = arith.constant 16 : i32
    %add3A_98 = vector.broadcast %add3A_97 : i32 to vector<16xi32>
    %add3A_99 = arith.addi %add3A_98, %iota3A : vector<16xi32>
    %get3A_100 = arith.constant 1 : i32
    %get3A_101 = arith.index_cast %get3A_100 : i32 to index
    %get3A_102 = arith.constant 16 : index
    %get3A_103 = tpu.vector_load %arg5[%get3A_101, %get3A_102] {strides = array<i32>} : memref<102x128xi32, #tpu.memory_space<vmem>>, vector<16xi32>,
    %parallel_loop3A_104 = arith.constant 0 : i32
    %parallel_loop3A_105 = arith.constant 64 : i32
    %parallel_loop3A_106 = arith.constant 1 : i32
    scf.for %parallel_loop3A_192 = %parallel_loop3A_104 to %parallel_loop3A_105 step %parallel_loop3A_106  : i32 {
      %parallel_loop3A_193 = arith.constant 102 : i32
      %parallel_loop3A_194 = arith.muli %parallel_loop3A_192, %parallel_loop3A_193 : i32
      %parallel_loop3A_195 = vector.broadcast %parallel_loop3A_194 : i32 to vector<16xi32>
      %parallel_loop3A_196 = arith.addi %get3A_103, %parallel_loop3A_195 : vector<16xi32>
      %parallel_loop3A_197 = tpu.vector_load_idx %arg6[%parallel_loop3A_196] : memref<6528xf32, #tpu.memory_space<vmem>>[vector<16xi32>], vector<16xf32>,
      %parallel_loop3A_198 = arith.index_cast %parallel_loop3A_192 : i32 to index
      %parallel_loop3A_199 = arith.constant 16 : index
      %parallel_loop3A_200 = tpu.vector_load %arg8[%parallel_loop3A_198, %parallel_loop3A_199] {strides = array<i32>} : memref<64x128xf32, #tpu.memory_space<vmem>>, vector<16xf32>,
      tpu.vector_store %arg8[%parallel_loop3A_198, %parallel_loop3A_199], %parallel_loop3A_197 {strides = array<i32>} : memref<64x128xf32, #tpu.memory_space<vmem>>, vector<16xf32>,
    } {sc.loop_unroll_factor = 16 : i64, sc.parallel_access}
    %add3A_107 = arith.constant 32 : i32
    %add3A_108 = vector.broadcast %add3A_107 : i32 to vector<16xi32>
    %add3A_109 = arith.addi %add3A_108, %iota3A : vector<16xi32>
    %get3A_110 = arith.constant 1 : i32
    %get3A_111 = arith.index_cast %get3A_110 : i32 to index
    %get3A_112 = arith.constant 32 : index
    %get3A_113 = tpu.vector_load %arg5[%get3A_111, %get3A_112] {strides = array<i32>} : memref<102x128xi32, #tpu.memory_space<vmem>>, vector<16xi32>,
    %parallel_loop3A_114 = arith.constant 0 : i32
    %parallel_loop3A_115 = arith.constant 64 : i32
    %parallel_loop3A_116 = arith.constant 1 : i32
    scf.for %parallel_loop3A_192 = %parallel_loop3A_114 to %parallel_loop3A_115 step %parallel_loop3A_116  : i32 {
      %parallel_loop3A_193 = arith.constant 102 : i32
      %parallel_loop3A_194 = arith.muli %parallel_loop3A_192, %parallel_loop3A_193 : i32
      %parallel_loop3A_195 = vector.broadcast %parallel_loop3A_194 : i32 to vector<16xi32>
      %parallel_loop3A_196 = arith.addi %get3A_113, %parallel_loop3A_195 : vector<16xi32>
      %parallel_loop3A_197 = tpu.vector_load_idx %arg6[%parallel_loop3A_196] : memref<6528xf32, #tpu.memory_space<vmem>>[vector<16xi32>], vector<16xf32>,
      %parallel_loop3A_198 = arith.index_cast %parallel_loop3A_192 : i32 to index
      %parallel_loop3A_199 = arith.constant 32 : index
      %parallel_loop3A_200 = tpu.vector_load %arg8[%parallel_loop3A_198, %parallel_loop3A_199] {strides = array<i32>} : memref<64x128xf32, #tpu.memory_space<vmem>>, vector<16xf32>,
      tpu.vector_store %arg8[%parallel_loop3A_198, %parallel_loop3A_199], %parallel_loop3A_197 {strides = array<i32>} : memref<64x128xf32, #tpu.memory_space<vmem>>, vector<16xf32>,
    } {sc.loop_unroll_factor = 16 : i64, sc.parallel_access}
    %add3A_117 = arith.constant 48 : i32
    %add3A_118 = vector.broadcast %add3A_117 : i32 to vector<16xi32>
    %add3A_119 = arith.addi %add3A_118, %iota3A : vector<16xi32>
    %get3A_120 = arith.constant 1 : i32
    %get3A_121 = arith.index_cast %get3A_120 : i32 to index
    %get3A_122 = arith.constant 48 : index
    %get3A_123 = tpu.vector_load %arg5[%get3A_121, %get3A_122] {strides = array<i32>} : memref<102x128xi32, #tpu.memory_space<vmem>>, vector<16xi32>,
    %parallel_loop3A_124 = arith.constant 0 : i32
    %parallel_loop3A_125 = arith.constant 64 : i32
    %parallel_loop3A_126 = arith.constant 1 : i32
    scf.for %parallel_loop3A_192 = %parallel_loop3A_124 to %parallel_loop3A_125 step %parallel_loop3A_126  : i32 {
      %parallel_loop3A_193 = arith.constant 102 : i32
      %parallel_loop3A_194 = arith.muli %parallel_loop3A_192, %parallel_loop3A_193 : i32
      %parallel_loop3A_195 = vector.broadcast %parallel_loop3A_194 : i32 to vector<16xi32>
      %parallel_loop3A_196 = arith.addi %get3A_123, %parallel_loop3A_195 : vector<16xi32>
      %parallel_loop3A_197 = tpu.vector_load_idx %arg6[%parallel_loop3A_196] : memref<6528xf32, #tpu.memory_space<vmem>>[vector<16xi32>], vector<16xf32>,
      %parallel_loop3A_198 = arith.index_cast %parallel_loop3A_192 : i32 to index
      %parallel_loop3A_199 = arith.constant 48 : index
      %parallel_loop3A_200 = tpu.vector_load %arg8[%parallel_loop3A_198, %parallel_loop3A_199] {strides = array<i32>} : memref<64x128xf32, #tpu.memory_space<vmem>>, vector<16xf32>,
      tpu.vector_store %arg8[%parallel_loop3A_198, %parallel_loop3A_199], %parallel_loop3A_197 {strides = array<i32>} : memref<64x128xf32, #tpu.memory_space<vmem>>, vector<16xf32>,
    } {sc.loop_unroll_factor = 16 : i64, sc.parallel_access}
    %add3A_127 = arith.constant 64 : i32
    %add3A_128 = vector.broadcast %add3A_127 : i32 to vector<16xi32>
    %add3A_129 = arith.addi %add3A_128, %iota3A : vector<16xi32>
    %get3A_130 = arith.constant 1 : i32
    %get3A_131 = arith.index_cast %get3A_130 : i32 to index
    %get3A_132 = arith.constant 64 : index
    %get3A_133 = tpu.vector_load %arg5[%get3A_131, %get3A_132] {strides = array<i32>} : memref<102x128xi32, #tpu.memory_space<vmem>>, vector<16xi32>,
    %parallel_loop3A_134 = arith.constant 0 : i32
    %parallel_loop3A_135 = arith.constant 64 : i32
    %parallel_loop3A_136 = arith.constant 1 : i32
    scf.for %parallel_loop3A_192 = %parallel_loop3A_134 to %parallel_loop3A_135 step %parallel_loop3A_136  : i32 {
      %parallel_loop3A_193 = arith.constant 102 : i32
      %parallel_loop3A_194 = arith.muli %parallel_loop3A_192, %parallel_loop3A_193 : i32
      %parallel_loop3A_195 = vector.broadcast %parallel_loop3A_194 : i32 to vector<16xi32>
      %parallel_loop3A_196 = arith.addi %get3A_133, %parallel_loop3A_195 : vector<16xi32>
      %parallel_loop3A_197 = tpu.vector_load_idx %arg6[%parallel_loop3A_196] : memref<6528xf32, #tpu.memory_space<vmem>>[vector<16xi32>], vector<16xf32>,
      %parallel_loop3A_198 = arith.index_cast %parallel_loop3A_192 : i32 to index
      %parallel_loop3A_199 = arith.constant 64 : index
      %parallel_loop3A_200 = tpu.vector_load %arg8[%parallel_loop3A_198, %parallel_loop3A_199] {strides = array<i32>} : memref<64x128xf32, #tpu.memory_space<vmem>>, vector<16xf32>,
      tpu.vector_store %arg8[%parallel_loop3A_198, %parallel_loop3A_199], %parallel_loop3A_197 {strides = array<i32>} : memref<64x128xf32, #tpu.memory_space<vmem>>, vector<16xf32>,
    } {sc.loop_unroll_factor = 16 : i64, sc.parallel_access}
    %add3A_137 = arith.constant 80 : i32
    %add3A_138 = vector.broadcast %add3A_137 : i32 to vector<16xi32>
    %add3A_139 = arith.addi %add3A_138, %iota3A : vector<16xi32>
    %get3A_140 = arith.constant 1 : i32
    %get3A_141 = arith.index_cast %get3A_140 : i32 to index
    %get3A_142 = arith.constant 80 : index
    %get3A_143 = tpu.vector_load %arg5[%get3A_141, %get3A_142] {strides = array<i32>} : memref<102x128xi32, #tpu.memory_space<vmem>>, vector<16xi32>,
    %parallel_loop3A_144 = arith.constant 0 : i32
    %parallel_loop3A_145 = arith.constant 64 : i32
    %parallel_loop3A_146 = arith.constant 1 : i32
    scf.for %parallel_loop3A_192 = %parallel_loop3A_144 to %parallel_loop3A_145 step %parallel_loop3A_146  : i32 {
      %parallel_loop3A_193 = arith.constant 102 : i32
      %parallel_loop3A_194 = arith.muli %parallel_loop3A_192, %parallel_loop3A_193 : i32
      %parallel_loop3A_195 = vector.broadcast %parallel_loop3A_194 : i32 to vector<16xi32>
      %parallel_loop3A_196 = arith.addi %get3A_143, %parallel_loop3A_195 : vector<16xi32>
      %parallel_loop3A_197 = tpu.vector_load_idx %arg6[%parallel_loop3A_196] : memref<6528xf32, #tpu.memory_space<vmem>>[vector<16xi32>], vector<16xf32>,
      %parallel_loop3A_198 = arith.index_cast %parallel_loop3A_192 : i32 to index
      %parallel_loop3A_199 = arith.constant 80 : index
      %parallel_loop3A_200 = tpu.vector_load %arg8[%parallel_loop3A_198, %parallel_loop3A_199] {strides = array<i32>} : memref<64x128xf32, #tpu.memory_space<vmem>>, vector<16xf32>,
      tpu.vector_store %arg8[%parallel_loop3A_198, %parallel_loop3A_199], %parallel_loop3A_197 {strides = array<i32>} : memref<64x128xf32, #tpu.memory_space<vmem>>, vector<16xf32>,
    } {sc.loop_unroll_factor = 16 : i64, sc.parallel_access}
    %add3A_147 = arith.constant 96 : i32
    %add3A_148 = vector.broadcast %add3A_147 : i32 to vector<16xi32>
    %add3A_149 = arith.addi %add3A_148, %iota3A : vector<16xi32>
    %get3A_150 = arith.constant 1 : i32
    %get3A_151 = arith.index_cast %get3A_150 : i32 to index
    %get3A_152 = arith.constant 96 : index
    %get3A_153 = tpu.vector_load %arg5[%get3A_151, %get3A_152] {strides = array<i32>} : memref<102x128xi32, #tpu.memory_space<vmem>>, vector<16xi32>,
    %parallel_loop3A_154 = arith.constant 0 : i32
    %parallel_loop3A_155 = arith.constant 64 : i32
    %parallel_loop3A_156 = arith.constant 1 : i32
    scf.for %parallel_loop3A_192 = %parallel_loop3A_154 to %parallel_loop3A_155 step %parallel_loop3A_156  : i32 {
      %parallel_loop3A_193 = arith.constant 102 : i32
      %parallel_loop3A_194 = arith.muli %parallel_loop3A_192, %parallel_loop3A_193 : i32
      %parallel_loop3A_195 = vector.broadcast %parallel_loop3A_194 : i32 to vector<16xi32>
      %parallel_loop3A_196 = arith.addi %get3A_153, %parallel_loop3A_195 : vector<16xi32>
      %parallel_loop3A_197 = tpu.vector_load_idx %arg6[%parallel_loop3A_196] : memref<6528xf32, #tpu.memory_space<vmem>>[vector<16xi32>], vector<16xf32>,
      %parallel_loop3A_198 = arith.index_cast %parallel_loop3A_192 : i32 to index
      %parallel_loop3A_199 = arith.constant 96 : index
      %parallel_loop3A_200 = tpu.vector_load %arg8[%parallel_loop3A_198, %parallel_loop3A_199] {strides = array<i32>} : memref<64x128xf32, #tpu.memory_space<vmem>>, vector<16xf32>,
      tpu.vector_store %arg8[%parallel_loop3A_198, %parallel_loop3A_199], %parallel_loop3A_197 {strides = array<i32>} : memref<64x128xf32, #tpu.memory_space<vmem>>, vector<16xf32>,
    } {sc.loop_unroll_factor = 16 : i64, sc.parallel_access}
    %add3A_157 = arith.constant 112 : i32
    %add3A_158 = vector.broadcast %add3A_157 : i32 to vector<16xi32>
    %add3A_159 = arith.addi %add3A_158, %iota3A : vector<16xi32>
    %get3A_160 = arith.constant 1 : i32
    %get3A_161 = arith.index_cast %get3A_160 : i32 to index
    %get3A_162 = arith.constant 112 : index
    %get3A_163 = tpu.vector_load %arg5[%get3A_161, %get3A_162] {strides = array<i32>} : memref<102x128xi32, #tpu.memory_space<vmem>>, vector<16xi32>,
    %parallel_loop3A_164 = arith.constant 0 : i32
    %parallel_loop3A_165 = arith.constant 64 : i32
    %parallel_loop3A_166 = arith.constant 1 : i32
    scf.for %parallel_loop3A_192 = %parallel_loop3A_164 to %parallel_loop3A_165 step %parallel_loop3A_166  : i32 {
      %parallel_loop3A_193 = arith.constant 102 : i32
      %parallel_loop3A_194 = arith.muli %parallel_loop3A_192, %parallel_loop3A_193 : i32
      %parallel_loop3A_195 = vector.broadcast %parallel_loop3A_194 : i32 to vector<16xi32>
      %parallel_loop3A_196 = arith.addi %get3A_163, %parallel_loop3A_195 : vector<16xi32>
      %parallel_loop3A_197 = tpu.vector_load_idx %arg6[%parallel_loop3A_196] : memref<6528xf32, #tpu.memory_space<vmem>>[vector<16xi32>], vector<16xf32>,
      %parallel_loop3A_198 = arith.index_cast %parallel_loop3A_192 : i32 to index
      %parallel_loop3A_199 = arith.constant 112 : index
      %parallel_loop3A_200 = tpu.vector_load %arg8[%parallel_loop3A_198, %parallel_loop3A_199] {strides = array<i32>} : memref<64x128xf32, #tpu.memory_space<vmem>>, vector<16xf32>,
      tpu.vector_store %arg8[%parallel_loop3A_198, %parallel_loop3A_199], %parallel_loop3A_197 {strides = array<i32>} : memref<64x128xf32, #tpu.memory_space<vmem>>, vector<16xf32>,
    } {sc.loop_unroll_factor = 16 : i64, sc.parallel_access}
    %dma_start3A_167 = arith.constant 1 : i32
    %dma_start3A_168 = arith.constant 0 : i32
    %dma_start3A_169 = tpu.memref_slice %arg4[%dma_start3A_167, %dma_start3A_168, %mul3A_2] : memref<102x64x4096xf32, #tpu.memory_space<hbm>> -> memref<1x64x128xf32, #tpu.memory_space<hbm>>
    %dma_start3A_170 = tpu.memref_squeeze %dma_start3A_169 : memref<1x64x128xf32, #tpu.memory_space<hbm>> -> memref<64x128xf32, #tpu.memory_space<hbm>>
    %dma_start3A_171 = arith.constant 0 : i32
    %dma_start3A_172 = tpu.memref_slice %arg4[%dma_start3A_167, %dma_start3A_171, %mul3A_2] : memref<102x64x4096xf32, #tpu.memory_space<hbm>> -> memref<1x64x128xf32, #tpu.memory_space<hbm>>
    %dma_start3A_173 = tpu.memref_squeeze %dma_start3A_172 : memref<1x64x128xf32, #tpu.memory_space<hbm>> -> memref<64x128xf32, #tpu.memory_space<hbm>>
    tpu.enqueue_dma source(%arg8 : memref<64x128xf32, #tpu.memory_space<vmem>>) target(%dma_start3A_173 : memref<64x128xf32, #tpu.memory_space<hbm>>) target_semaphore(%arg10 : memref<!tpu.dma_semaphore, #tpu.memory_space<semaphore_mem>>)
    %scan3A = arith.constant 0 : i32
    %scan3A_174 = arith.constant 1 : i32
    %scan3A_175 = arith.constant 50 : i32
    %scan3A_176 = arith.addi %scan3A_174, %scan3A_175 : i32
    %scan3A_177 = arith.constant 1 : i32
    scf.for %scan3A_192 = %scan3A_174 to %scan3A_176 step %scan3A_177  : i32 {
      %mul3A_193 = arith.constant 2 : i32
      %mul3A_194 = arith.muli %scan3A_192, %mul3A_193 : i32
      %add3A_195 = arith.constant 0 : i32
      %add3A_196 = arith.addi %mul3A_194, %add3A_195 : i32
      %sub3A = arith.constant 2 : i32
      %sub3A_197 = arith.subi %add3A_196, %sub3A : i32
      %dma_wait3A_198 = arith.constant 0 : i32
      %dma_wait3A_199 = tpu.memref_slice %arg4[%sub3A_197, %dma_wait3A_198, %mul3A_2] : memref<102x64x4096xf32, #tpu.memory_space<hbm>> -> memref<1x64x128xf32, #tpu.memory_space<hbm>>
      %dma_wait3A_200 = tpu.memref_squeeze %dma_wait3A_199 : memref<1x64x128xf32, #tpu.memory_space<hbm>> -> memref<64x128xf32, #tpu.memory_space<hbm>>
      %dma_wait3A_201 = arith.constant 0 : i32
      %dma_wait3A_202 = tpu.memref_slice %arg4[%sub3A_197, %dma_wait3A_201, %mul3A_2] : memref<102x64x4096xf32, #tpu.memory_space<hbm>> -> memref<1x64x128xf32, #tpu.memory_space<hbm>>
      %dma_wait3A_203 = tpu.memref_squeeze %dma_wait3A_202 : memref<1x64x128xf32, #tpu.memory_space<hbm>> -> memref<64x128xf32, #tpu.memory_space<hbm>>
      tpu.wait_dma2 semaphore(%arg9 : memref<!tpu.dma_semaphore, #tpu.memory_space<semaphore_mem>>) src(%arg7 : memref<64x128xf32, #tpu.memory_space<vmem>>) dst(%dma_wait3A_203 : memref<64x128xf32, #tpu.memory_space<hbm>>)
      %add3A_204 = arith.constant 0 : i32
      %add3A_205 = vector.broadcast %add3A_204 : i32 to vector<16xi32>
      %add3A_206 = arith.addi %add3A_205, %iota3A : vector<16xi32>
      %get3A_207 = arith.index_cast %add3A_196 : i32 to index
      %get3A_208 = arith.constant 0 : index
      %get3A_209 = tpu.vector_load %arg5[%get3A_207, %get3A_208] {strides = array<i32>} : memref<102x128xi32, #tpu.memory_space<vmem>>, vector<16xi32>,
      %parallel_loop3A_210 = arith.constant 0 : i32
      %parallel_loop3A_211 = arith.constant 64 : i32
      %parallel_loop3A_212 = arith.constant 1 : i32
      scf.for %parallel_loop3A_372 = %parallel_loop3A_210 to %parallel_loop3A_211 step %parallel_loop3A_212  : i32 {
        %parallel_loop3A_373 = arith.constant 102 : i32
        %parallel_loop3A_374 = arith.muli %parallel_loop3A_372, %parallel_loop3A_373 : i32
        %parallel_loop3A_375 = vector.broadcast %parallel_loop3A_374 : i32 to vector<16xi32>
        %parallel_loop3A_376 = arith.addi %get3A_209, %parallel_loop3A_375 : vector<16xi32>
        %parallel_loop3A_377 = tpu.vector_load_idx %arg6[%parallel_loop3A_376] : memref<6528xf32, #tpu.memory_space<vmem>>[vector<16xi32>], vector<16xf32>,
        %parallel_loop3A_378 = arith.index_cast %parallel_loop3A_372 : i32 to index
        %parallel_loop3A_379 = arith.constant 0 : index
        %parallel_loop3A_380 = tpu.vector_load %arg7[%parallel_loop3A_378, %parallel_loop3A_379] {strides = array<i32>} : memref<64x128xf32, #tpu.memory_space<vmem>>, vector<16xf32>,
        tpu.vector_store %arg7[%parallel_loop3A_378, %parallel_loop3A_379], %parallel_loop3A_377 {strides = array<i32>} : memref<64x128xf32, #tpu.memory_space<vmem>>, vector<16xf32>,
      } {sc.loop_unroll_factor = 16 : i64, sc.parallel_access}
      %add3A_213 = arith.constant 16 : i32
      %add3A_214 = vector.broadcast %add3A_213 : i32 to vector<16xi32>
      %add3A_215 = arith.addi %add3A_214, %iota3A : vector<16xi32>
      %get3A_216 = arith.index_cast %add3A_196 : i32 to index
      %get3A_217 = arith.constant 16 : index
      %get3A_218 = tpu.vector_load %arg5[%get3A_216, %get3A_217] {strides = array<i32>} : memref<102x128xi32, #tpu.memory_space<vmem>>, vector<16xi32>,
      %parallel_loop3A_219 = arith.constant 0 : i32
      %parallel_loop3A_220 = arith.constant 64 : i32
      %parallel_loop3A_221 = arith.constant 1 : i32
      scf.for %parallel_loop3A_372 = %parallel_loop3A_219 to %parallel_loop3A_220 step %parallel_loop3A_221  : i32 {
        %parallel_loop3A_373 = arith.constant 102 : i32
        %parallel_loop3A_374 = arith.muli %parallel_loop3A_372, %parallel_loop3A_373 : i32
        %parallel_loop3A_375 = vector.broadcast %parallel_loop3A_374 : i32 to vector<16xi32>
        %parallel_loop3A_376 = arith.addi %get3A_218, %parallel_loop3A_375 : vector<16xi32>
        %parallel_loop3A_377 = tpu.vector_load_idx %arg6[%parallel_loop3A_376] : memref<6528xf32, #tpu.memory_space<vmem>>[vector<16xi32>], vector<16xf32>,
        %parallel_loop3A_378 = arith.index_cast %parallel_loop3A_372 : i32 to index
        %parallel_loop3A_379 = arith.constant 16 : index
        %parallel_loop3A_380 = tpu.vector_load %arg7[%parallel_loop3A_378, %parallel_loop3A_379] {strides = array<i32>} : memref<64x128xf32, #tpu.memory_space<vmem>>, vector<16xf32>,
        tpu.vector_store %arg7[%parallel_loop3A_378, %parallel_loop3A_379], %parallel_loop3A_377 {strides = array<i32>} : memref<64x128xf32, #tpu.memory_space<vmem>>, vector<16xf32>,
      } {sc.loop_unroll_factor = 16 : i64, sc.parallel_access}
      %add3A_222 = arith.constant 32 : i32
      %add3A_223 = vector.broadcast %add3A_222 : i32 to vector<16xi32>
      %add3A_224 = arith.addi %add3A_223, %iota3A : vector<16xi32>
      %get3A_225 = arith.index_cast %add3A_196 : i32 to index
      %get3A_226 = arith.constant 32 : index
      %get3A_227 = tpu.vector_load %arg5[%get3A_225, %get3A_226] {strides = array<i32>} : memref<102x128xi32, #tpu.memory_space<vmem>>, vector<16xi32>,
      %parallel_loop3A_228 = arith.constant 0 : i32
      %parallel_loop3A_229 = arith.constant 64 : i32
      %parallel_loop3A_230 = arith.constant 1 : i32
      scf.for %parallel_loop3A_372 = %parallel_loop3A_228 to %parallel_loop3A_229 step %parallel_loop3A_230  : i32 {
        %parallel_loop3A_373 = arith.constant 102 : i32
        %parallel_loop3A_374 = arith.muli %parallel_loop3A_372, %parallel_loop3A_373 : i32
        %parallel_loop3A_375 = vector.broadcast %parallel_loop3A_374 : i32 to vector<16xi32>
        %parallel_loop3A_376 = arith.addi %get3A_227, %parallel_loop3A_375 : vector<16xi32>
        %parallel_loop3A_377 = tpu.vector_load_idx %arg6[%parallel_loop3A_376] : memref<6528xf32, #tpu.memory_space<vmem>>[vector<16xi32>], vector<16xf32>,
        %parallel_loop3A_378 = arith.index_cast %parallel_loop3A_372 : i32 to index
        %parallel_loop3A_379 = arith.constant 32 : index
        %parallel_loop3A_380 = tpu.vector_load %arg7[%parallel_loop3A_378, %parallel_loop3A_379] {strides = array<i32>} : memref<64x128xf32, #tpu.memory_space<vmem>>, vector<16xf32>,
        tpu.vector_store %arg7[%parallel_loop3A_378, %parallel_loop3A_379], %parallel_loop3A_377 {strides = array<i32>} : memref<64x128xf32, #tpu.memory_space<vmem>>, vector<16xf32>,
      } {sc.loop_unroll_factor = 16 : i64, sc.parallel_access}
      %add3A_231 = arith.constant 48 : i32
      %add3A_232 = vector.broadcast %add3A_231 : i32 to vector<16xi32>
      %add3A_233 = arith.addi %add3A_232, %iota3A : vector<16xi32>
      %get3A_234 = arith.index_cast %add3A_196 : i32 to index
      %get3A_235 = arith.constant 48 : index
      %get3A_236 = tpu.vector_load %arg5[%get3A_234, %get3A_235] {strides = array<i32>} : memref<102x128xi32, #tpu.memory_space<vmem>>, vector<16xi32>,
      %parallel_loop3A_237 = arith.constant 0 : i32
      %parallel_loop3A_238 = arith.constant 64 : i32
      %parallel_loop3A_239 = arith.constant 1 : i32
      scf.for %parallel_loop3A_372 = %parallel_loop3A_237 to %parallel_loop3A_238 step %parallel_loop3A_239  : i32 {
        %parallel_loop3A_373 = arith.constant 102 : i32
        %parallel_loop3A_374 = arith.muli %parallel_loop3A_372, %parallel_loop3A_373 : i32
        %parallel_loop3A_375 = vector.broadcast %parallel_loop3A_374 : i32 to vector<16xi32>
        %parallel_loop3A_376 = arith.addi %get3A_236, %parallel_loop3A_375 : vector<16xi32>
        %parallel_loop3A_377 = tpu.vector_load_idx %arg6[%parallel_loop3A_376] : memref<6528xf32, #tpu.memory_space<vmem>>[vector<16xi32>], vector<16xf32>,
        %parallel_loop3A_378 = arith.index_cast %parallel_loop3A_372 : i32 to index
        %parallel_loop3A_379 = arith.constant 48 : index
        %parallel_loop3A_380 = tpu.vector_load %arg7[%parallel_loop3A_378, %parallel_loop3A_379] {strides = array<i32>} : memref<64x128xf32, #tpu.memory_space<vmem>>, vector<16xf32>,
        tpu.vector_store %arg7[%parallel_loop3A_378, %parallel_loop3A_379], %parallel_loop3A_377 {strides = array<i32>} : memref<64x128xf32, #tpu.memory_space<vmem>>, vector<16xf32>,
      } {sc.loop_unroll_factor = 16 : i64, sc.parallel_access}
      %add3A_240 = arith.constant 64 : i32
      %add3A_241 = vector.broadcast %add3A_240 : i32 to vector<16xi32>
      %add3A_242 = arith.addi %add3A_241, %iota3A : vector<16xi32>
      %get3A_243 = arith.index_cast %add3A_196 : i32 to index
      %get3A_244 = arith.constant 64 : index
      %get3A_245 = tpu.vector_load %arg5[%get3A_243, %get3A_244] {strides = array<i32>} : memref<102x128xi32, #tpu.memory_space<vmem>>, vector<16xi32>,
      %parallel_loop3A_246 = arith.constant 0 : i32
      %parallel_loop3A_247 = arith.constant 64 : i32
      %parallel_loop3A_248 = arith.constant 1 : i32
      scf.for %parallel_loop3A_372 = %parallel_loop3A_246 to %parallel_loop3A_247 step %parallel_loop3A_248  : i32 {
        %parallel_loop3A_373 = arith.constant 102 : i32
        %parallel_loop3A_374 = arith.muli %parallel_loop3A_372, %parallel_loop3A_373 : i32
        %parallel_loop3A_375 = vector.broadcast %parallel_loop3A_374 : i32 to vector<16xi32>
        %parallel_loop3A_376 = arith.addi %get3A_245, %parallel_loop3A_375 : vector<16xi32>
        %parallel_loop3A_377 = tpu.vector_load_idx %arg6[%parallel_loop3A_376] : memref<6528xf32, #tpu.memory_space<vmem>>[vector<16xi32>], vector<16xf32>,
        %parallel_loop3A_378 = arith.index_cast %parallel_loop3A_372 : i32 to index
        %parallel_loop3A_379 = arith.constant 64 : index
        %parallel_loop3A_380 = tpu.vector_load %arg7[%parallel_loop3A_378, %parallel_loop3A_379] {strides = array<i32>} : memref<64x128xf32, #tpu.memory_space<vmem>>, vector<16xf32>,
        tpu.vector_store %arg7[%parallel_loop3A_378, %parallel_loop3A_379], %parallel_loop3A_377 {strides = array<i32>} : memref<64x128xf32, #tpu.memory_space<vmem>>, vector<16xf32>,
      } {sc.loop_unroll_factor = 16 : i64, sc.parallel_access}
      %add3A_249 = arith.constant 80 : i32
      %add3A_250 = vector.broadcast %add3A_249 : i32 to vector<16xi32>
      %add3A_251 = arith.addi %add3A_250, %iota3A : vector<16xi32>
      %get3A_252 = arith.index_cast %add3A_196 : i32 to index
      %get3A_253 = arith.constant 80 : index
      %get3A_254 = tpu.vector_load %arg5[%get3A_252, %get3A_253] {strides = array<i32>} : memref<102x128xi32, #tpu.memory_space<vmem>>, vector<16xi32>,
      %parallel_loop3A_255 = arith.constant 0 : i32
      %parallel_loop3A_256 = arith.constant 64 : i32
      %parallel_loop3A_257 = arith.constant 1 : i32
      scf.for %parallel_loop3A_372 = %parallel_loop3A_255 to %parallel_loop3A_256 step %parallel_loop3A_257  : i32 {
        %parallel_loop3A_373 = arith.constant 102 : i32
        %parallel_loop3A_374 = arith.muli %parallel_loop3A_372, %parallel_loop3A_373 : i32
        %parallel_loop3A_375 = vector.broadcast %parallel_loop3A_374 : i32 to vector<16xi32>
        %parallel_loop3A_376 = arith.addi %get3A_254, %parallel_loop3A_375 : vector<16xi32>
        %parallel_loop3A_377 = tpu.vector_load_idx %arg6[%parallel_loop3A_376] : memref<6528xf32, #tpu.memory_space<vmem>>[vector<16xi32>], vector<16xf32>,
        %parallel_loop3A_378 = arith.index_cast %parallel_loop3A_372 : i32 to index
        %parallel_loop3A_379 = arith.constant 80 : index
        %parallel_loop3A_380 = tpu.vector_load %arg7[%parallel_loop3A_378, %parallel_loop3A_379] {strides = array<i32>} : memref<64x128xf32, #tpu.memory_space<vmem>>, vector<16xf32>,
        tpu.vector_store %arg7[%parallel_loop3A_378, %parallel_loop3A_379], %parallel_loop3A_377 {strides = array<i32>} : memref<64x128xf32, #tpu.memory_space<vmem>>, vector<16xf32>,
      } {sc.loop_unroll_factor = 16 : i64, sc.parallel_access}
      %add3A_258 = arith.constant 96 : i32
      %add3A_259 = vector.broadcast %add3A_258 : i32 to vector<16xi32>
      %add3A_260 = arith.addi %add3A_259, %iota3A : vector<16xi32>
      %get3A_261 = arith.index_cast %add3A_196 : i32 to index
      %get3A_262 = arith.constant 96 : index
      %get3A_263 = tpu.vector_load %arg5[%get3A_261, %get3A_262] {strides = array<i32>} : memref<102x128xi32, #tpu.memory_space<vmem>>, vector<16xi32>,
      %parallel_loop3A_264 = arith.constant 0 : i32
      %parallel_loop3A_265 = arith.constant 64 : i32
      %parallel_loop3A_266 = arith.constant 1 : i32
      scf.for %parallel_loop3A_372 = %parallel_loop3A_264 to %parallel_loop3A_265 step %parallel_loop3A_266  : i32 {
        %parallel_loop3A_373 = arith.constant 102 : i32
        %parallel_loop3A_374 = arith.muli %parallel_loop3A_372, %parallel_loop3A_373 : i32
        %parallel_loop3A_375 = vector.broadcast %parallel_loop3A_374 : i32 to vector<16xi32>
        %parallel_loop3A_376 = arith.addi %get3A_263, %parallel_loop3A_375 : vector<16xi32>
        %parallel_loop3A_377 = tpu.vector_load_idx %arg6[%parallel_loop3A_376] : memref<6528xf32, #tpu.memory_space<vmem>>[vector<16xi32>], vector<16xf32>,
        %parallel_loop3A_378 = arith.index_cast %parallel_loop3A_372 : i32 to index
        %parallel_loop3A_379 = arith.constant 96 : index
        %parallel_loop3A_380 = tpu.vector_load %arg7[%parallel_loop3A_378, %parallel_loop3A_379] {strides = array<i32>} : memref<64x128xf32, #tpu.memory_space<vmem>>, vector<16xf32>,
        tpu.vector_store %arg7[%parallel_loop3A_378, %parallel_loop3A_379], %parallel_loop3A_377 {strides = array<i32>} : memref<64x128xf32, #tpu.memory_space<vmem>>, vector<16xf32>,
      } {sc.loop_unroll_factor = 16 : i64, sc.parallel_access}
      %add3A_267 = arith.constant 112 : i32
      %add3A_268 = vector.broadcast %add3A_267 : i32 to vector<16xi32>
      %add3A_269 = arith.addi %add3A_268, %iota3A : vector<16xi32>
      %get3A_270 = arith.index_cast %add3A_196 : i32 to index
      %get3A_271 = arith.constant 112 : index
      %get3A_272 = tpu.vector_load %arg5[%get3A_270, %get3A_271] {strides = array<i32>} : memref<102x128xi32, #tpu.memory_space<vmem>>, vector<16xi32>,
      %parallel_loop3A_273 = arith.constant 0 : i32
      %parallel_loop3A_274 = arith.constant 64 : i32
      %parallel_loop3A_275 = arith.constant 1 : i32
      scf.for %parallel_loop3A_372 = %parallel_loop3A_273 to %parallel_loop3A_274 step %parallel_loop3A_275  : i32 {
        %parallel_loop3A_373 = arith.constant 102 : i32
        %parallel_loop3A_374 = arith.muli %parallel_loop3A_372, %parallel_loop3A_373 : i32
        %parallel_loop3A_375 = vector.broadcast %parallel_loop3A_374 : i32 to vector<16xi32>
        %parallel_loop3A_376 = arith.addi %get3A_272, %parallel_loop3A_375 : vector<16xi32>
        %parallel_loop3A_377 = tpu.vector_load_idx %arg6[%parallel_loop3A_376] : memref<6528xf32, #tpu.memory_space<vmem>>[vector<16xi32>], vector<16xf32>,
        %parallel_loop3A_378 = arith.index_cast %parallel_loop3A_372 : i32 to index
        %parallel_loop3A_379 = arith.constant 112 : index
        %parallel_loop3A_380 = tpu.vector_load %arg7[%parallel_loop3A_378, %parallel_loop3A_379] {strides = array<i32>} : memref<64x128xf32, #tpu.memory_space<vmem>>, vector<16xf32>,
        tpu.vector_store %arg7[%parallel_loop3A_378, %parallel_loop3A_379], %parallel_loop3A_377 {strides = array<i32>} : memref<64x128xf32, #tpu.memory_space<vmem>>, vector<16xf32>,
      } {sc.loop_unroll_factor = 16 : i64, sc.parallel_access}
      %dma_start3A_276 = arith.constant 0 : i32
      %dma_start3A_277 = tpu.memref_slice %arg4[%add3A_196, %dma_start3A_276, %mul3A_2] : memref<102x64x4096xf32, #tpu.memory_space<hbm>> -> memref<1x64x128xf32, #tpu.memory_space<hbm>>
      %dma_start3A_278 = tpu.memref_squeeze %dma_start3A_277 : memref<1x64x128xf32, #tpu.memory_space<hbm>> -> memref<64x128xf32, #tpu.memory_space<hbm>>
      %dma_start3A_279 = arith.constant 0 : i32
      %dma_start3A_280 = tpu.memref_slice %arg4[%add3A_196, %dma_start3A_279, %mul3A_2] : memref<102x64x4096xf32, #tpu.memory_space<hbm>> -> memref<1x64x128xf32, #tpu.memory_space<hbm>>
      %dma_start3A_281 = tpu.memref_squeeze %dma_start3A_280 : memref<1x64x128xf32, #tpu.memory_space<hbm>> -> memref<64x128xf32, #tpu.memory_space<hbm>>
      tpu.enqueue_dma source(%arg7 : memref<64x128xf32, #tpu.memory_space<vmem>>) target(%dma_start3A_281 : memref<64x128xf32, #tpu.memory_space<hbm>>) target_semaphore(%arg9 : memref<!tpu.dma_semaphore, #tpu.memory_space<semaphore_mem>>)
      %mul3A_282 = arith.constant 2 : i32
      %mul3A_283 = arith.muli %scan3A_192, %mul3A_282 : i32
      %add3A_284 = arith.constant 1 : i32
      %add3A_285 = arith.addi %mul3A_283, %add3A_284 : i32
      %sub3A_286 = arith.constant 2 : i32
      %sub3A_287 = arith.subi %add3A_285, %sub3A_286 : i32
      %dma_wait3A_288 = arith.constant 0 : i32
      %dma_wait3A_289 = tpu.memref_slice %arg4[%sub3A_287, %dma_wait3A_288, %mul3A_2] : memref<102x64x4096xf32, #tpu.memory_space<hbm>> -> memref<1x64x128xf32, #tpu.memory_space<hbm>>
      %dma_wait3A_290 = tpu.memref_squeeze %dma_wait3A_289 : memref<1x64x128xf32, #tpu.memory_space<hbm>> -> memref<64x128xf32, #tpu.memory_space<hbm>>
      %dma_wait3A_291 = arith.constant 0 : i32
      %dma_wait3A_292 = tpu.memref_slice %arg4[%sub3A_287, %dma_wait3A_291, %mul3A_2] : memref<102x64x4096xf32, #tpu.memory_space<hbm>> -> memref<1x64x128xf32, #tpu.memory_space<hbm>>
      %dma_wait3A_293 = tpu.memref_squeeze %dma_wait3A_292 : memref<1x64x128xf32, #tpu.memory_space<hbm>> -> memref<64x128xf32, #tpu.memory_space<hbm>>
      tpu.wait_dma2 semaphore(%arg10 : memref<!tpu.dma_semaphore, #tpu.memory_space<semaphore_mem>>) src(%arg8 : memref<64x128xf32, #tpu.memory_space<vmem>>) dst(%dma_wait3A_293 : memref<64x128xf32, #tpu.memory_space<hbm>>)
      %add3A_294 = arith.constant 0 : i32
      %add3A_295 = vector.broadcast %add3A_294 : i32 to vector<16xi32>
      %add3A_296 = arith.addi %add3A_295, %iota3A : vector<16xi32>
      %get3A_297 = arith.index_cast %add3A_285 : i32 to index
      %get3A_298 = arith.constant 0 : index
      %get3A_299 = tpu.vector_load %arg5[%get3A_297, %get3A_298] {strides = array<i32>} : memref<102x128xi32, #tpu.memory_space<vmem>>, vector<16xi32>,
      %parallel_loop3A_300 = arith.constant 0 : i32
      %parallel_loop3A_301 = arith.constant 64 : i32
      %parallel_loop3A_302 = arith.constant 1 : i32
      scf.for %parallel_loop3A_372 = %parallel_loop3A_300 to %parallel_loop3A_301 step %parallel_loop3A_302  : i32 {
        %parallel_loop3A_373 = arith.constant 102 : i32
        %parallel_loop3A_374 = arith.muli %parallel_loop3A_372, %parallel_loop3A_373 : i32
        %parallel_loop3A_375 = vector.broadcast %parallel_loop3A_374 : i32 to vector<16xi32>
        %parallel_loop3A_376 = arith.addi %get3A_299, %parallel_loop3A_375 : vector<16xi32>
        %parallel_loop3A_377 = tpu.vector_load_idx %arg6[%parallel_loop3A_376] : memref<6528xf32, #tpu.memory_space<vmem>>[vector<16xi32>], vector<16xf32>,
        %parallel_loop3A_378 = arith.index_cast %parallel_loop3A_372 : i32 to index
        %parallel_loop3A_379 = arith.constant 0 : index
        %parallel_loop3A_380 = tpu.vector_load %arg8[%parallel_loop3A_378, %parallel_loop3A_379] {strides = array<i32>} : memref<64x128xf32, #tpu.memory_space<vmem>>, vector<16xf32>,
        tpu.vector_store %arg8[%parallel_loop3A_378, %parallel_loop3A_379], %parallel_loop3A_377 {strides = array<i32>} : memref<64x128xf32, #tpu.memory_space<vmem>>, vector<16xf32>,
      } {sc.loop_unroll_factor = 16 : i64, sc.parallel_access}
      %add3A_303 = arith.constant 16 : i32
      %add3A_304 = vector.broadcast %add3A_303 : i32 to vector<16xi32>
      %add3A_305 = arith.addi %add3A_304, %iota3A : vector<16xi32>
      %get3A_306 = arith.index_cast %add3A_285 : i32 to index
      %get3A_307 = arith.constant 16 : index
      %get3A_308 = tpu.vector_load %arg5[%get3A_306, %get3A_307] {strides = array<i32>} : memref<102x128xi32, #tpu.memory_space<vmem>>, vector<16xi32>,
      %parallel_loop3A_309 = arith.constant 0 : i32
      %parallel_loop3A_310 = arith.constant 64 : i32
      %parallel_loop3A_311 = arith.constant 1 : i32
      scf.for %parallel_loop3A_372 = %parallel_loop3A_309 to %parallel_loop3A_310 step %parallel_loop3A_311  : i32 {
        %parallel_loop3A_373 = arith.constant 102 : i32
        %parallel_loop3A_374 = arith.muli %parallel_loop3A_372, %parallel_loop3A_373 : i32
        %parallel_loop3A_375 = vector.broadcast %parallel_loop3A_374 : i32 to vector<16xi32>
        %parallel_loop3A_376 = arith.addi %get3A_308, %parallel_loop3A_375 : vector<16xi32>
        %parallel_loop3A_377 = tpu.vector_load_idx %arg6[%parallel_loop3A_376] : memref<6528xf32, #tpu.memory_space<vmem>>[vector<16xi32>], vector<16xf32>,
        %parallel_loop3A_378 = arith.index_cast %parallel_loop3A_372 : i32 to index
        %parallel_loop3A_379 = arith.constant 16 : index
        %parallel_loop3A_380 = tpu.vector_load %arg8[%parallel_loop3A_378, %parallel_loop3A_379] {strides = array<i32>} : memref<64x128xf32, #tpu.memory_space<vmem>>, vector<16xf32>,
        tpu.vector_store %arg8[%parallel_loop3A_378, %parallel_loop3A_379], %parallel_loop3A_377 {strides = array<i32>} : memref<64x128xf32, #tpu.memory_space<vmem>>, vector<16xf32>,
      } {sc.loop_unroll_factor = 16 : i64, sc.parallel_access}
      %add3A_312 = arith.constant 32 : i32
      %add3A_313 = vector.broadcast %add3A_312 : i32 to vector<16xi32>
      %add3A_314 = arith.addi %add3A_313, %iota3A : vector<16xi32>
      %get3A_315 = arith.index_cast %add3A_285 : i32 to index
      %get3A_316 = arith.constant 32 : index
      %get3A_317 = tpu.vector_load %arg5[%get3A_315, %get3A_316] {strides = array<i32>} : memref<102x128xi32, #tpu.memory_space<vmem>>, vector<16xi32>,
      %parallel_loop3A_318 = arith.constant 0 : i32
      %parallel_loop3A_319 = arith.constant 64 : i32
      %parallel_loop3A_320 = arith.constant 1 : i32
      scf.for %parallel_loop3A_372 = %parallel_loop3A_318 to %parallel_loop3A_319 step %parallel_loop3A_320  : i32 {
        %parallel_loop3A_373 = arith.constant 102 : i32
        %parallel_loop3A_374 = arith.muli %parallel_loop3A_372, %parallel_loop3A_373 : i32
        %parallel_loop3A_375 = vector.broadcast %parallel_loop3A_374 : i32 to vector<16xi32>
        %parallel_loop3A_376 = arith.addi %get3A_317, %parallel_loop3A_375 : vector<16xi32>
        %parallel_loop3A_377 = tpu.vector_load_idx %arg6[%parallel_loop3A_376] : memref<6528xf32, #tpu.memory_space<vmem>>[vector<16xi32>], vector<16xf32>,
        %parallel_loop3A_378 = arith.index_cast %parallel_loop3A_372 : i32 to index
        %parallel_loop3A_379 = arith.constant 32 : index
        %parallel_loop3A_380 = tpu.vector_load %arg8[%parallel_loop3A_378, %parallel_loop3A_379] {strides = array<i32>} : memref<64x128xf32, #tpu.memory_space<vmem>>, vector<16xf32>,
        tpu.vector_store %arg8[%parallel_loop3A_378, %parallel_loop3A_379], %parallel_loop3A_377 {strides = array<i32>} : memref<64x128xf32, #tpu.memory_space<vmem>>, vector<16xf32>,
      } {sc.loop_unroll_factor = 16 : i64, sc.parallel_access}
      %add3A_321 = arith.constant 48 : i32
      %add3A_322 = vector.broadcast %add3A_321 : i32 to vector<16xi32>
      %add3A_323 = arith.addi %add3A_322, %iota3A : vector<16xi32>
      %get3A_324 = arith.index_cast %add3A_285 : i32 to index
      %get3A_325 = arith.constant 48 : index
      %get3A_326 = tpu.vector_load %arg5[%get3A_324, %get3A_325] {strides = array<i32>} : memref<102x128xi32, #tpu.memory_space<vmem>>, vector<16xi32>,
      %parallel_loop3A_327 = arith.constant 0 : i32
      %parallel_loop3A_328 = arith.constant 64 : i32
      %parallel_loop3A_329 = arith.constant 1 : i32
      scf.for %parallel_loop3A_372 = %parallel_loop3A_327 to %parallel_loop3A_328 step %parallel_loop3A_329  : i32 {
        %parallel_loop3A_373 = arith.constant 102 : i32
        %parallel_loop3A_374 = arith.muli %parallel_loop3A_372, %parallel_loop3A_373 : i32
        %parallel_loop3A_375 = vector.broadcast %parallel_loop3A_374 : i32 to vector<16xi32>
        %parallel_loop3A_376 = arith.addi %get3A_326, %parallel_loop3A_375 : vector<16xi32>
        %parallel_loop3A_377 = tpu.vector_load_idx %arg6[%parallel_loop3A_376] : memref<6528xf32, #tpu.memory_space<vmem>>[vector<16xi32>], vector<16xf32>,
        %parallel_loop3A_378 = arith.index_cast %parallel_loop3A_372 : i32 to index
        %parallel_loop3A_379 = arith.constant 48 : index
        %parallel_loop3A_380 = tpu.vector_load %arg8[%parallel_loop3A_378, %parallel_loop3A_379] {strides = array<i32>} : memref<64x128xf32, #tpu.memory_space<vmem>>, vector<16xf32>,
        tpu.vector_store %arg8[%parallel_loop3A_378, %parallel_loop3A_379], %parallel_loop3A_377 {strides = array<i32>} : memref<64x128xf32, #tpu.memory_space<vmem>>, vector<16xf32>,
      } {sc.loop_unroll_factor = 16 : i64, sc.parallel_access}
      %add3A_330 = arith.constant 64 : i32
      %add3A_331 = vector.broadcast %add3A_330 : i32 to vector<16xi32>
      %add3A_332 = arith.addi %add3A_331, %iota3A : vector<16xi32>
      %get3A_333 = arith.index_cast %add3A_285 : i32 to index
      %get3A_334 = arith.constant 64 : index
      %get3A_335 = tpu.vector_load %arg5[%get3A_333, %get3A_334] {strides = array<i32>} : memref<102x128xi32, #tpu.memory_space<vmem>>, vector<16xi32>,
      %parallel_loop3A_336 = arith.constant 0 : i32
      %parallel_loop3A_337 = arith.constant 64 : i32
      %parallel_loop3A_338 = arith.constant 1 : i32
      scf.for %parallel_loop3A_372 = %parallel_loop3A_336 to %parallel_loop3A_337 step %parallel_loop3A_338  : i32 {
        %parallel_loop3A_373 = arith.constant 102 : i32
        %parallel_loop3A_374 = arith.muli %parallel_loop3A_372, %parallel_loop3A_373 : i32
        %parallel_loop3A_375 = vector.broadcast %parallel_loop3A_374 : i32 to vector<16xi32>
        %parallel_loop3A_376 = arith.addi %get3A_335, %parallel_loop3A_375 : vector<16xi32>
        %parallel_loop3A_377 = tpu.vector_load_idx %arg6[%parallel_loop3A_376] : memref<6528xf32, #tpu.memory_space<vmem>>[vector<16xi32>], vector<16xf32>,
        %parallel_loop3A_378 = arith.index_cast %parallel_loop3A_372 : i32 to index
        %parallel_loop3A_379 = arith.constant 64 : index
        %parallel_loop3A_380 = tpu.vector_load %arg8[%parallel_loop3A_378, %parallel_loop3A_379] {strides = array<i32>} : memref<64x128xf32, #tpu.memory_space<vmem>>, vector<16xf32>,
        tpu.vector_store %arg8[%parallel_loop3A_378, %parallel_loop3A_379], %parallel_loop3A_377 {strides = array<i32>} : memref<64x128xf32, #tpu.memory_space<vmem>>, vector<16xf32>,
      } {sc.loop_unroll_factor = 16 : i64, sc.parallel_access}
      %add3A_339 = arith.constant 80 : i32
      %add3A_340 = vector.broadcast %add3A_339 : i32 to vector<16xi32>
      %add3A_341 = arith.addi %add3A_340, %iota3A : vector<16xi32>
      %get3A_342 = arith.index_cast %add3A_285 : i32 to index
      %get3A_343 = arith.constant 80 : index
      %get3A_344 = tpu.vector_load %arg5[%get3A_342, %get3A_343] {strides = array<i32>} : memref<102x128xi32, #tpu.memory_space<vmem>>, vector<16xi32>,
      %parallel_loop3A_345 = arith.constant 0 : i32
      %parallel_loop3A_346 = arith.constant 64 : i32
      %parallel_loop3A_347 = arith.constant 1 : i32
      scf.for %parallel_loop3A_372 = %parallel_loop3A_345 to %parallel_loop3A_346 step %parallel_loop3A_347  : i32 {
        %parallel_loop3A_373 = arith.constant 102 : i32
        %parallel_loop3A_374 = arith.muli %parallel_loop3A_372, %parallel_loop3A_373 : i32
        %parallel_loop3A_375 = vector.broadcast %parallel_loop3A_374 : i32 to vector<16xi32>
        %parallel_loop3A_376 = arith.addi %get3A_344, %parallel_loop3A_375 : vector<16xi32>
        %parallel_loop3A_377 = tpu.vector_load_idx %arg6[%parallel_loop3A_376] : memref<6528xf32, #tpu.memory_space<vmem>>[vector<16xi32>], vector<16xf32>,
        %parallel_loop3A_378 = arith.index_cast %parallel_loop3A_372 : i32 to index
        %parallel_loop3A_379 = arith.constant 80 : index
        %parallel_loop3A_380 = tpu.vector_load %arg8[%parallel_loop3A_378, %parallel_loop3A_379] {strides = array<i32>} : memref<64x128xf32, #tpu.memory_space<vmem>>, vector<16xf32>,
        tpu.vector_store %arg8[%parallel_loop3A_378, %parallel_loop3A_379], %parallel_loop3A_377 {strides = array<i32>} : memref<64x128xf32, #tpu.memory_space<vmem>>, vector<16xf32>,
      } {sc.loop_unroll_factor = 16 : i64, sc.parallel_access}
      %add3A_348 = arith.constant 96 : i32
      %add3A_349 = vector.broadcast %add3A_348 : i32 to vector<16xi32>
      %add3A_350 = arith.addi %add3A_349, %iota3A : vector<16xi32>
      %get3A_351 = arith.index_cast %add3A_285 : i32 to index
      %get3A_352 = arith.constant 96 : index
      %get3A_353 = tpu.vector_load %arg5[%get3A_351, %get3A_352] {strides = array<i32>} : memref<102x128xi32, #tpu.memory_space<vmem>>, vector<16xi32>,
      %parallel_loop3A_354 = arith.constant 0 : i32
      %parallel_loop3A_355 = arith.constant 64 : i32
      %parallel_loop3A_356 = arith.constant 1 : i32
      scf.for %parallel_loop3A_372 = %parallel_loop3A_354 to %parallel_loop3A_355 step %parallel_loop3A_356  : i32 {
        %parallel_loop3A_373 = arith.constant 102 : i32
        %parallel_loop3A_374 = arith.muli %parallel_loop3A_372, %parallel_loop3A_373 : i32
        %parallel_loop3A_375 = vector.broadcast %parallel_loop3A_374 : i32 to vector<16xi32>
        %parallel_loop3A_376 = arith.addi %get3A_353, %parallel_loop3A_375 : vector<16xi32>
        %parallel_loop3A_377 = tpu.vector_load_idx %arg6[%parallel_loop3A_376] : memref<6528xf32, #tpu.memory_space<vmem>>[vector<16xi32>], vector<16xf32>,
        %parallel_loop3A_378 = arith.index_cast %parallel_loop3A_372 : i32 to index
        %parallel_loop3A_379 = arith.constant 96 : index
        %parallel_loop3A_380 = tpu.vector_load %arg8[%parallel_loop3A_378, %parallel_loop3A_379] {strides = array<i32>} : memref<64x128xf32, #tpu.memory_space<vmem>>, vector<16xf32>,
        tpu.vector_store %arg8[%parallel_loop3A_378, %parallel_loop3A_379], %parallel_loop3A_377 {strides = array<i32>} : memref<64x128xf32, #tpu.memory_space<vmem>>, vector<16xf32>,
      } {sc.loop_unroll_factor = 16 : i64, sc.parallel_access}
      %add3A_357 = arith.constant 112 : i32
      %add3A_358 = vector.broadcast %add3A_357 : i32 to vector<16xi32>
      %add3A_359 = arith.addi %add3A_358, %iota3A : vector<16xi32>
      %get3A_360 = arith.index_cast %add3A_285 : i32 to index
      %get3A_361 = arith.constant 112 : index
      %get3A_362 = tpu.vector_load %arg5[%get3A_360, %get3A_361] {strides = array<i32>} : memref<102x128xi32, #tpu.memory_space<vmem>>, vector<16xi32>,
      %parallel_loop3A_363 = arith.constant 0 : i32
      %parallel_loop3A_364 = arith.constant 64 : i32
      %parallel_loop3A_365 = arith.constant 1 : i32
      scf.for %parallel_loop3A_372 = %parallel_loop3A_363 to %parallel_loop3A_364 step %parallel_loop3A_365  : i32 {
        %parallel_loop3A_373 = arith.constant 102 : i32
        %parallel_loop3A_374 = arith.muli %parallel_loop3A_372, %parallel_loop3A_373 : i32
        %parallel_loop3A_375 = vector.broadcast %parallel_loop3A_374 : i32 to vector<16xi32>
        %parallel_loop3A_376 = arith.addi %get3A_362, %parallel_loop3A_375 : vector<16xi32>
        %parallel_loop3A_377 = tpu.vector_load_idx %arg6[%parallel_loop3A_376] : memref<6528xf32, #tpu.memory_space<vmem>>[vector<16xi32>], vector<16xf32>,
        %parallel_loop3A_378 = arith.index_cast %parallel_loop3A_372 : i32 to index
        %parallel_loop3A_379 = arith.constant 112 : index
        %parallel_loop3A_380 = tpu.vector_load %arg8[%parallel_loop3A_378, %parallel_loop3A_379] {strides = array<i32>} : memref<64x128xf32, #tpu.memory_space<vmem>>, vector<16xf32>,
        tpu.vector_store %arg8[%parallel_loop3A_378, %parallel_loop3A_379], %parallel_loop3A_377 {strides = array<i32>} : memref<64x128xf32, #tpu.memory_space<vmem>>, vector<16xf32>,
      } {sc.loop_unroll_factor = 16 : i64, sc.parallel_access}
      %dma_start3A_366 = arith.constant 0 : i32
      %dma_start3A_367 = tpu.memref_slice %arg4[%add3A_285, %dma_start3A_366, %mul3A_2] : memref<102x64x4096xf32, #tpu.memory_space<hbm>> -> memref<1x64x128xf32, #tpu.memory_space<hbm>>
      %dma_start3A_368 = tpu.memref_squeeze %dma_start3A_367 : memref<1x64x128xf32, #tpu.memory_space<hbm>> -> memref<64x128xf32, #tpu.memory_space<hbm>>
      %dma_start3A_369 = arith.constant 0 : i32
      %dma_start3A_370 = tpu.memref_slice %arg4[%add3A_285, %dma_start3A_369, %mul3A_2] : memref<102x64x4096xf32, #tpu.memory_space<hbm>> -> memref<1x64x128xf32, #tpu.memory_space<hbm>>
      %dma_start3A_371 = tpu.memref_squeeze %dma_start3A_370 : memref<1x64x128xf32, #tpu.memory_space<hbm>> -> memref<64x128xf32, #tpu.memory_space<hbm>>
      tpu.enqueue_dma source(%arg8 : memref<64x128xf32, #tpu.memory_space<vmem>>) target(%dma_start3A_371 : memref<64x128xf32, #tpu.memory_space<hbm>>) target_semaphore(%arg10 : memref<!tpu.dma_semaphore, #tpu.memory_space<semaphore_mem>>)
    }
    %scan3A_178 = arith.constant 50 : i32
    %dma_wait3A = arith.constant 100 : i32
    %dma_wait3A_179 = arith.constant 0 : i32
    %dma_wait3A_180 = tpu.memref_slice %arg4[%dma_wait3A, %dma_wait3A_179, %mul3A_2] : memref<102x64x4096xf32, #tpu.memory_space<hbm>> -> memref<1x64x128xf32, #tpu.memory_space<hbm>>
    %dma_wait3A_181 = tpu.memref_squeeze %dma_wait3A_180 : memref<1x64x128xf32, #tpu.memory_space<hbm>> -> memref<64x128xf32, #tpu.memory_space<hbm>>
    %dma_wait3A_182 = arith.constant 0 : i32
    %dma_wait3A_183 = tpu.memref_slice %arg4[%dma_wait3A, %dma_wait3A_182, %mul3A_2] : memref<102x64x4096xf32, #tpu.memory_space<hbm>> -> memref<1x64x128xf32, #tpu.memory_space<hbm>>
    %dma_wait3A_184 = tpu.memref_squeeze %dma_wait3A_183 : memref<1x64x128xf32, #tpu.memory_space<hbm>> -> memref<64x128xf32, #tpu.memory_space<hbm>>
    tpu.wait_dma2 semaphore(%arg9 : memref<!tpu.dma_semaphore, #tpu.memory_space<semaphore_mem>>) src(%arg7 : memref<64x128xf32, #tpu.memory_space<vmem>>) dst(%dma_wait3A_184 : memref<64x128xf32, #tpu.memory_space<hbm>>)
    %dma_wait3A_185 = arith.constant 101 : i32
    %dma_wait3A_186 = arith.constant 0 : i32
    %dma_wait3A_187 = tpu.memref_slice %arg4[%dma_wait3A_185, %dma_wait3A_186, %mul3A_2] : memref<102x64x4096xf32, #tpu.memory_space<hbm>> -> memref<1x64x128xf32, #tpu.memory_space<hbm>>
    %dma_wait3A_188 = tpu.memref_squeeze %dma_wait3A_187 : memref<1x64x128xf32, #tpu.memory_space<hbm>> -> memref<64x128xf32, #tpu.memory_space<hbm>>
    %dma_wait3A_189 = arith.constant 0 : i32
    %dma_wait3A_190 = tpu.memref_slice %arg4[%dma_wait3A_185, %dma_wait3A_189, %mul3A_2] : memref<102x64x4096xf32, #tpu.memory_space<hbm>> -> memref<1x64x128xf32, #tpu.memory_space<hbm>>
    %dma_wait3A_191 = tpu.memref_squeeze %dma_wait3A_190 : memref<1x64x128xf32, #tpu.memory_space<hbm>> -> memref<64x128xf32, #tpu.memory_space<hbm>>
    tpu.wait_dma2 semaphore(%arg10 : memref<!tpu.dma_semaphore, #tpu.memory_space<semaphore_mem>>) src(%arg8 : memref<64x128xf32, #tpu.memory_space<vmem>>) dst(%dma_wait3A_191 : memref<64x128xf32, #tpu.memory_space<hbm>>)
    return
  }
}

</mosaic_0001>

<sc_bundles>
// kernel: _lookup.3.cloned.1.call-start
scs
__scs_entry_jumppad:
0x0: {  	(pc) =	sbr.rel $0x88, $3  }
0x1: {  	(tag) =	ssettag $0x0;
	lr =	simm.s32 $0x1  }
0x2: {  	[smem:$0x3F9F] =	sst lr;
	_ =	strace $0xD0000000  }
0x3: {  	_ = 	snop  }
0x4: {  	_ = 	snop  }
0x5: {  	_ = 	snop  }
0x6: {  	_ = 	snop  }
0x7: {  	_ = 	snop  }
__scs_overlays_trampoline_lowered:
0x8: {  	[smem:$0x3FAE] =	sst s0  }
0x9: {  	[smem:$0x3FAF] =	sst s1  }
0xa: {  	[smem:$0x3FB0] =	sst s2  }
0xb: {  	[smem:$0x3FB1] =	sst s3  }
0xc: {  	[smem:$0x3FB2] =	sst s4  }
0xd: {  	[smem:$0x3FB3] =	sst s5  }
0xe: {  	[smem:$0x3FB4] =	sst s6  }
0xf: {  	[smem:$0x3FB5] =	sst s7  }
0x10: {  	[smem:$0x3FB6] =	sst s8  }
0x11: {  	[smem:$0x3FB7] =	sst s9;
	s0 =	simm.s32 @!p0 $0x0  }
0x12: {  	s1 =	sld [smem:$0x3F9D];
	s0 =	simm.s32 @p0 $0x1  }
0x13: {  	[smem:$0x3FB8] =	sst s0;
	s0 =	simm.s32 @!p1 $0x0  }
0x14: {  	s2 =	sld [smem:$0x3F9C];
	s0 =	simm.s32 @p1 $0x1  }
0x15: {  	[smem:$0x3FB9] =	sst s0;
	s0 =	simm.s32 @!p2 $0x0  }
0x16: {  	s3 =	sld [smem:$0x3FDB];
	s0 =	simm.s32 @p2 $0x1  }
0x17: {  	s4 =	simm.s32 $0x1BF5;
	[smem:$0x3FBB] =	sst s0  }
0x18: {  	s0 =	sld [smem:$0x3F9E];
	_ =	swait.ge [sflag:s4], $0x0  }
0x19: {  	s7 =	sld [smem:$0x3F9F]  }
0x1a: {  	s8 =	sadd.s32 $0xFFFFE003, lr  }
0x1b: {  	s9 =	sadd.s32 $0xFFFFFEF7, lr;
	s5 =	simm.s32 $0xFFFFFFFF;
	p2 =	slt.u32 s8, $0xFFFFF086  }
0x1c: {  	p1 =	slt.u32 s9, $0xF7A;
	s5 =	simm.s32 @!p2 $0x0  }
0x1d: {  	s5 =	simm.s32 @p1 $0x1;
	p0 =	seq.s32 s7, s2  }
0x1e: {  	s7 =	smul.u32 @!p0 $0xF7A, s2;
	p2 =	seq.s32 @!p0 s5, $0x0  }
0x1f: {  	s9 =	smul.u32 $0xF7A, s1;
	s8 =	simm.s32 @!p0 $0x1BF5;
	p2 =	por !p2, p0  }
0x20: {  	[sflag:s8] =	ssyncset.s32 @!p0 $0xFFFFF086;
	s6 =	sadd.s32 @!p0 s3, s7;
	s7 =	simm.s32 @!p0 $0x108  }
0x21: {  	s3 =	sadd.s32 s3, s9;
	s6 =	sadd.s32 @!p0 $0x88, s6;
	s7 =	simm.s32 @p2 $0x1082  }
0x22: {  	[simem:s7], [sflag:s8] =	dma.local @!p0 [hbm:s6], $0xF7A  }
0x23: {  	s9 =	sor.u32 $0xD0000000, s2;
	s6 =	simm.s32 $0x108;
	_ =	swait.ge @!p0 [sflag:s8], $0x0  }
0x24: {  	s3 =	sadd.s32 $0x88, s3;
	s6 =	simm.s32 @!p1 $0x1082;
	[sflag:s4] =	ssyncset.s32 $0xFFFFF086  }
0x25: {  	[simem:s6], [sflag:s4] =	dma.local [hbm:s3], $0xF7A  }
0x26: {  	[smem:$0x3F9F] =	sst s1;
	(tag) =	ssettag s2;
	_ =	strace s9  }
0x27: {  	s1 =	sld [smem:$0x3FAF]  }
0x28: {  	s2 =	sld [smem:$0x3FB0]  }
0x29: {  	s4 =	sld [smem:$0x3FB2]  }
0x2a: {  	p0 =	seq.s32 s5, $0x0;
	s5 =	sld [smem:$0x3FB3]  }
0x2b: {  	s6 =	sld [smem:$0x3FB4]  }
0x2c: {  	s7 =	sld [smem:$0x3FB5]  }
0x2d: {  	s3 =	simm.s32 $0x108;
	s8 =	sld [smem:$0x3FB6]  }
0x2e: {  	s3 =	simm.s32 @!p0 $0x1082;
	s9 =	sld [smem:$0x3FB7]  }
0x2f: {  	lr =	sadd.s32 s0, s3;
	s0 =	sld [smem:$0x3FAE]  }
0x30: {  	s3 =	sld [smem:$0x3FB1]  }
0x31: {  	[smem:$0x3FBA] =	sst s10  }
0x32: {  	s10 =	sld [smem:$0x3FB8];
	_ =	sdelay $0x3  }
0x33: {  	p0 =	seq.s32 s10, $0x1;
	s10 =	sld [smem:$0x3FBA];
	_ =	sdelay $0x3  }
0x34: {  	[smem:$0x3FBA] =	sst s10  }
0x35: {  	s10 =	sld [smem:$0x3FB9];
	_ =	sdelay $0x3  }
0x36: {  	p1 =	seq.s32 s10, $0x1;
	s10 =	sld [smem:$0x3FBA];
	_ =	sdelay $0x3  }
0x37: {  	[smem:$0x3FBA] =	sst s10  }
0x38: {  	s10 =	sld [smem:$0x3FBB]  }
0x39: {  	_ = 	snop;
	(pc) =	sbr.ind lr, $3  }
0x3a: {  	_ = 	snop  }
0x3b: {  	_ = 	snop  }
0x3c: {  	p2 =	seq.s32 s10, $0x1;
	s10 =	sld [smem:$0x3FBA]  }
0x3d: {  	_ =	shalt  }
0x3e: {  	_ =	shalt  }
0x3f: {  	_ =	shalt  }
0x40: {  	_ =	shalt  }
0x41: {  	_ =	shalt  }
0x42: {  	_ =	shalt  }
0x43: {  	_ =	shalt  }
0x44: {  	_ =	shalt  }
0x45: {  	_ =	shalt  }
0x46: {  	_ =	shalt  }
0x47: {  	_ =	shalt  }
0x48: {  	_ =	shalt  }
0x49: {  	_ =	shalt  }
0x4a: {  	_ =	shalt  }
0x4b: {  	_ =	shalt  }
0x4c: {  	_ =	shalt  }
0x4d: {  	_ =	shalt  }
0x4e: {  	_ =	shalt  }
0x4f: {  	_ =	shalt  }
0x50: {  	_ =	shalt  }
0x51: {  	_ =	shalt  }
0x52: {  	_ =	shalt  }
0x53: {  	_ =	shalt  }
0x54: {  	_ =	shalt  }
0x55: {  	_ =	shalt  }
0x56: {  	_ =	shalt  }
0x57: {  	_ =	shalt  }
0x58: {  	_ =	shalt  }
0x59: {  	_ =	shalt  }
0x5a: {  	_ =	shalt  }
0x5b: {  	_ =	shalt  }
0x5c: {  	_ =	shalt  }
0x5d: {  	_ =	shalt  }
0x5e: {  	_ =	shalt  }
0x5f: {  	_ =	shalt  }
0x60: {  	_ =	shalt  }
0x61: {  	_ =	shalt  }
0x62: {  	_ =	shalt  }
0x63: {  	_ =	shalt  }
0x64: {  	_ =	shalt  }
0x65: {  	_ =	shalt  }
0x66: {  	_ =	shalt  }
0x67: {  	_ =	shalt  }
0x68: {  	_ =	shalt  }
0x69: {  	_ =	shalt  }
0x6a: {  	_ =	shalt  }
0x6b: {  	_ =	shalt  }
0x6c: {  	_ =	shalt  }
0x6d: {  	_ =	shalt  }
0x6e: {  	_ =	shalt  }
0x6f: {  	_ =	shalt  }
0x70: {  	_ =	shalt  }
0x71: {  	_ =	shalt  }
0x72: {  	_ =	shalt  }
0x73: {  	_ =	shalt  }
0x74: {  	_ =	shalt  }
0x75: {  	_ =	shalt  }
0x76: {  	_ =	shalt  }
0x77: {  	_ =	shalt  }
0x78: {  	_ =	shalt  }
0x79: {  	_ =	shalt  }
0x7a: {  	_ =	shalt  }
0x7b: {  	_ =	shalt  }
0x7c: {  	_ =	shalt  }
0x7d: {  	_ =	shalt  }
0x7e: {  	_ =	shalt  }
0x7f: {  	_ =	shalt  }
0x80: {  	_ =	shalt  }
0x81: {  	_ =	shalt  }
0x82: {  	_ =	shalt  }
0x83: {  	_ =	shalt  }
0x84: {  	_ =	shalt  }
0x85: {  	_ =	shalt  }
0x86: {  	_ =	shalt  }
0x87: {  	_ =	shalt  }
.Lfunc_end0:
.L_simem_size_0:
called_computation_lowered:
.L_overlay_start_0:
0x88: {  	s2 =	sld [smem:$0x3FD9]  }
0x89: {  	s3 =	sld [smem:$0x3FFE];
	_ =	sdelay $0x1  }
0x8a: {  	s1 =	srdreg.scid  }
0x8b: {  	s0 =	sand.u32 $0x1, s1  }
0x8c: {  	s18 =	sshll.u32 s0, $0xA;
	s2 =	sadd.s32 s3, s2  }
0x8d: {  	s2 =	sadd.s32 s2, s18  }
0x8e: {  	[smem:$0x3FC6] =	sst s2  }
0x8f: {  	_ = 	snop  }
0x90: {  	s2 =	sld [smem:$0x3FC9]  }
0x91: {  	s19 =	sld [smem:$0x3FC8]  }
0x92: {  	s4 =	sld [smem:$0x3FD0];
	(tm) =	ssettm $0x1  }
0x93: {  	s5 =	sld [smem:$0x3FFB];
	_ =	sdelay $0x3  }
0x94: {  	_ =	strace s5  }
0x95: {  	s5 =	sld [smem:$0x3FFC];
	_ =	sdelay $0x3  }
0x96: {  	_ =	strace s5  }
0x97: {  	s5 =	sld [smem:$0x3FFD];
	_ =	sdelay $0x3  }
0x98: {  	_ =	strace s5  }
0x99: {  	_ =	strace $0x8FFFFFFF  }
0x9a: {  	s20 =	sld [smem:$0x3FDB];
	_ =	sdelay $0x1  }
0x9b: {  	s6 =	simm.s32 $_scs_section_size  }
0x9c: {  	s7 =	simm.s32 $_size__tile_overlayer_lowered;
	s8 =	simm.s32 $_tile_overlayer_lowered  }
0x9d: {  	s23 =	simm.s32 $0x1BFF;
	s22 =	sshll.u32 s8, $0x1;
	s5 =	sadd.s32 s6, s20  }
0x9e: {  	s9 =	simm.s32 $0x0;
	s21 =	sshll.u32 s7, $0x1;
	s7 =	sadd.s32 s22, s5  }
0x9f: {  	[timem:s9], [sflag:s23] =	dma.local [hbm:s7], s21  }
0xa0: {  	_ =	swait.ge [sflag:s23], s21  }
0xa1: {  	s6 =	ssub.s32 $0x0, s21;
	[sflag:s23] =	ssyncset.done $0x0  }
0xa2: {  	[sflag:s23] =	ssyncadd.s32 s6;
	_ =	sdelay $0x1  }
0xa3: {  	s24 =	simm.s32 $0x1B8B  }
0xa4: {  	_ =	swait.ge [sflag:s24], $0x1  }
0xa5: {  	[sflag:s24] =	ssyncset.done $0x0  }
0xa6: {  	s25 =	simm.s32 $0x1B8E;
	[sflag:s24] =	ssyncadd.s32 $0xFFFFFFFF  }
0xa7: {  	s26 =	simm.s32 $execute0_lowered;
	[smem:$0x3FD2] =	sst s25  }
0xa8: {  	s6 =	sshll.u32 s26, $0x1;
	_ =	strace $0x80000046;
	[dreg:$0x1] =	wrdreg $0xFFFFFFFF  }
0xa9: {  	s28 =	simm.s32 $_size_execute0_lowered;
	s5 =	sadd.s32 s5, s6;
	[dreg:$0x0] =	wrdreg $0x0  }
0xaa: {  	s6 =	sshll.u32 s28, $0x1;
	[dreg:$0x2] =	wrdreg s5  }
0xab: {  	[dreg:$0x3] =	wrdreg s6  }
0xac: {  	[dreg:$0x4] =	wrdreg $0xC0  }
0xad: {  	_ =	task [dreg:s9], $0x5FFFF  }
0xae: {  	[dreg:$0x1] =	wrdreg $0xFFFFFFFF  }
0xaf: {  	[dreg:$0x0] =	wrdreg $0x60  }
0xb0: {  	[dreg:$0x2] =	wrdreg s2  }
0xb1: {  	[dreg:$0x3] =	wrdreg s19  }
0xb2: {  	[dreg:$0x4] =	wrdreg s4  }
0xb3: {  	[dreg:$0x5] =	wrdreg $0x9  }
0xb4: {  	_ =	task.clear_ibuf [dreg:s9], $0x6FFFF;
	_ =	strace $0x90000046  }
0xb5: {  	s29 =	simm.s32 $0x9;
	_ =	strace $0x80000048  }
0xb6: {  	_ =	swait.ge [sflag:s29], $0x1  }
0xb7: {  	[sflag:s29] =	ssyncadd.s32 $0xFFFFFFFF  }
0xb8: {  	_ =	strace $0x90000048  }
0xb9: {  	_ =	sfence  }
0xba: {  	s30 =	sld [smem:$0x0];
	_ =	sdelay $0x2  }
0xbb: {  	s31 =	sshll.u32 s1, $0xD;
	s1 =	sshrl.u32 s1, $0x2  }
0xbc: {  	s3 =	sand.u32 $0x4000, s31;
	s1 =	sadd.s32 s1, s30  }
0xbd: {  	s0 =	sor.u32 s3, s0;
	s1 =	sshll.u32 s1, $0x11  }
0xbe: {  	s0 =	sor.u32 s1, s0  }
0xbf: {  	s0 =	sadd.s32 $0x8F2B, s0  }
0xc0: {  	[sflag:s0] =	ssyncadd.remote.s32 $0x1  }
0xc1: {  	_ =	sfence.sel $0xFFFF  }
0xc2: {  	[dreg:$0x0] =	wrdreg $0xFFFFFFFF;
	(pc) =	sbr.abs _section_cstart, $3  }
0xc3: {  	[dreg:$0x1] =	wrdreg $0xFFFFFFFF  }
0xc4: {  	_ =	task.clear_ibuf [dreg:s9], $0x2FFFF;
	_ =	strace $0x9FFFFFFF  }
0xc5: {  	(tm) =	ssettm $0x7FFFFFFF  }
tec
execute0_lowered:
.L_overlay_start_1:
0x0: {  	(tag) =	ssettag $0x1  }
0x1: {  	s6 =	rddreg [dreg:$0x0]  }
0x2: {  	s1 =	srdreg.scid;
	s2 =	rddreg [dreg:$0x1]  }
0x3: {  	s0 =	stileid.u32;
	s3 =	rddreg [dreg:$0x2]  }
0x4: {  	s4 =	simm.s32 $0x0;
	s11 =	simm.s32 $0x400;
	s12 =	simm.s32 $0x8000  }
0x5: {  	s13 =	simm.s32 $0x3000;
	s14 =	simm.s32 $0x3;
	s15 =	simm.s32 $0x3400  }
0x6: {  	s16 =	simm.s32 $0x4D80;
	s17 =	simm.s32 $0x6D80;
	s18 =	simm.s32 $0x1  }
0x7: {  	s19 =	simm.s32 $0x2;
	s20 =	simm.s32 $0x0;
	s7 =	sand.u32 $0x1, s1  }
0x8: {  	s5 =	sshll.u32 s0, $0xB;
	s1 =	rddreg [dreg:$0x3];
	s8 =	sshll.u32 s7, $0xA  }
0x9: {  	[smem:$0x7FF] =	sst s4;
	s7 =	ssub.s32 $0x2, s7;
	s5 =	sor.u32 s8, s5  }
0xa: {  	_ =	strace $0x80000047;
	s9 =	sshrl.u32 s7, $0x1;
	s8 =	sshrl.u32 s5, $0x3  }
0xb: {  	s10 =	ssub.s32 s7, s9;
	s6 =	sadd.s32 s6, s8;
	s8 =	sadd.s32 s3, s8  }
0xc: {  	s10 =	smax.u32 s10, $0x1;
	s7 =	sadd.s32 $0xC000, s6;
	s9 =	sadd.s32 $0x8000, s8  }
.LBB2_1:
0xd: {  	[tilespmem:s4], [sflag:$0x3] =	stream.strided.gather [hbm4b:s6+s11], $0x3000, s12, s11, $0x38;
	[tilespmem:$0x8D80] =	vst v63  }
0xe: {  	_ = 	snop  }
0xf: {  	[tilespmem:s13], [sflag:$0x3] =	stream.linear.gather [hbm4b:s7+s4], $0x300, $0x38;
	[tilespmem:$0x8D80] =	vst v63  }
0x10: {  	_ =	swait.ge [sflag:s14], $0x3300  }
0x11: {  	[sflag:s14] =	ssyncset.done $0x0  }
0x12: {  	[sflag:s14] =	ssyncadd.s32 $0xFFFFCD00  }
0x13: {  	[tilespmem:s15], [sflag:$0x3] =	stream.linear.gather [hbm4b:s2+s4], $0x1980, $0x38;
	[tilespmem:$0x8D80] =	vst v63  }
0x14: {  	_ =	swait.ge [sflag:s14], $0x1980  }
0x15: {  	[sflag:s14] =	ssyncset.done $0x0  }
0x16: {  	[sflag:s14] =	ssyncadd.s32 $0xFFFFE680  }
0x17: {  	v0 =	vld [tilespmem:$0x0];
	_ =	sdelay $0x3  }
0x18: {  	s21 =	simm.s32 $0x5FA  }
0x19: {  	s22 =	simm.s32 $0x594;
	v1 =	vadd.s32 s21, v0  }
0x1a: {  	s29 =	simm.s32 $0x66;
	v2 =	vadd.s32 s22, v0  }
0x1b: {  	s31 =	simm.s32 $0x132;
	v3 =	vadd.s32 s29, v0  }
0x1c: {  	s30 =	simm.s32 $0xCC;
	v5 =	vadd.s32 s31, v0  }
0x1d: {  	s23 =	simm.s32 $0x0;
	v4 =	vadd.s32 s30, v0  }
0x1e: {  	s24 =	simm.s32 $0x1FE;
	v7 =	vadd.s32 s23, v0;
	v1 =	vld.idx.msk [tilespmem:v1+s15+$0x0], $0xffff  }
0x1f: {  	s22 =	simm.s32 $0x198;
	v8 =	vadd.s32 s24, v0;
	v2 =	vld.idx.msk [tilespmem:v2+s15+$0x0], $0xffff  }
0x20: {  	s25 =	simm.s32 $0x264;
	v6 =	vadd.s32 s22, v0;
	v3 =	vld.idx.msk [tilespmem:v3+s15+$0x0], $0xffff  }
0x21: {  	s26 =	simm.s32 $0x2CA;
	v9 =	vadd.s32 s25, v0;
	v5 =	vld.idx.msk [tilespmem:v5+s15+$0x0], $0xffff  }
0x22: {  	s28 =	simm.s32 $0x330;
	v11 =	vadd.s32 s26, v0;
	v4 =	vld.idx.msk [tilespmem:v4+s15+$0x0], $0xffff  }
0x23: {  	v12 =	vadd.s32 s28, v0;
	s29 =	simm.s32 $0x3FC;
	v14 =	vld.idx.msk [tilespmem:v7+s15+$0x0], $0xffff  }
0x24: {  	s23 =	simm.s32 $0x396;
	s21 =	simm.s32 $0x5180;
	v15 =	vadd.s32 s29, v0;
	v10 =	vld.idx.msk [tilespmem:v8+s15+$0x0], $0xffff  }
0x25: {  	s30 =	simm.s32 $0x462;
	v13 =	vadd.s32 s23, v0;
	v6 =	vld.idx.msk [tilespmem:v6+s15+$0x0], $0xffff;
	[tilespmem:s21+$0x300] =	vst v2  }
0x26: {  	s31 =	simm.s32 $0x4C8;
	v9 =	vld.idx.msk [tilespmem:v9+s15+$0x0], $0xffff;
	[tilespmem:s21+$0xFFFFFD80] =	vst v5;
	v5 =	vadd.s32 s30, v0  }
0x27: {  	s24 =	simm.s32 $0x52E;
	v8 =	vld.idx.msk [tilespmem:v11+s15+$0x0], $0xffff;
	[tilespmem:s21+$0xFFFFFC80] =	vst v3;
	v3 =	vadd.s32 s31, v0  }
0x28: {  	v7 =	vld.idx.msk [tilespmem:v12+s15+$0x0], $0xffff;
	[tilespmem:s21+$0xFFFFFD00] =	vst v4;
	v2 =	vadd.s32 s24, v0  }
0x29: {  	[tilespmem:s21+$0xFFFFFC00] =	vst v14;
	v4 =	vld.idx.msk [tilespmem:v15+s15+$0x0], $0xffff  }
0x2a: {  	s22 =	simm.s32 $0x0;
	s23 =	simm.s32 $0xC5A;
	[tilespmem:s21+$0xFFFFFE00] =	vst v6;
	v6 =	vld.idx.msk [tilespmem:v13+s15+$0x0], $0xffff  }
.LBB2_2:
0x2b: {  	s24 =	sadd.s32 $0xFFFFFA6C, s23;
	s25 =	sadd.s32 $0xFFFFFF9A, s23;
	v11 =	vadd.s32 s23, v0;
	s22 =	sadd.s32 $0x10, s22;
	[tilespmem:s21+$0xFFFFFE80] =	vst v10;
	v10 =	vld.idx.msk [tilespmem:v5+s15+$0x0], $0xffff  }
0x2c: {  	s26 =	sadd.s32 $0xFFFFFB38, s23;
	v12 =	vadd.s32 s24, v0;
	s24 =	sadd.s32 $0xFFFFFAD2, s23;
	v13 =	vadd.s32 s25, v0;
	p0 =	slt.u32 s22, $0x30;
	[tilespmem:s21+$0xFFFFFF00] =	vst v9;
	v9 =	vld.idx.msk [tilespmem:v3+s15+$0x0], $0xffff  }
0x2d: {  	v15 =	vadd.s32 s26, v0;
	s25 =	sadd.s32 $0xFFFFFC04, s23;
	s26 =	sadd.s32 $0xFFFFFC6A, s23;
	v14 =	vadd.s32 s24, v0;
	s24 =	sadd.s32 $0xFFFFFB9E, s23;
	[tilespmem:s21+$0xFFFFFF80] =	vst v8;
	v8 =	vld.idx.msk [tilespmem:v2+s15+$0x0], $0xffff  }
0x2e: {  	v17 =	vadd.s32 s25, v0;
	v18 =	vadd.s32 s26, v0;
	s25 =	sadd.s32 $0xFFFFFD36, s23;
	s26 =	sadd.s32 $0xFFFFFD9C, s23;
	v16 =	vadd.s32 s24, v0;
	s24 =	sadd.s32 $0xFFFFFCD0, s23;
	[tilespmem:s21+$0x0] =	vst v7  }
0x2f: {  	v19 =	vadd.s32 s25, v0;
	v20 =	vadd.s32 s26, v0;
	s25 =	sadd.s32 $0xFFFFFE68, s23;
	s26 =	sadd.s32 $0xFFFFFECE, s23;
	v7 =	vadd.s32 s24, v0;
	s24 =	sadd.s32 $0xFFFFFE02, s23;
	[tilespmem:s21+$0x80] =	vst v6  }
0x30: {  	s28 =	sadd.s32 $0xFFFFFA06, s23;
	v5 =	vadd.s32 s25, v0;
	v3 =	vadd.s32 s26, v0;
	v21 =	vadd.s32 s24, v0;
	s24 =	sadd.s32 $0xFFFFFF34, s23;
	v6 =	vld.idx.msk [tilespmem:v11+s15+$0x0], $0xffff  }
0x31: {  	v11 =	vadd.s32 s28, v0;
	v2 =	vadd.s32 s24, v0;
	v13 =	vld.idx.msk [tilespmem:v13+s15+$0x0], $0xffff;
	[tilespmem:s21+$0x100] =	vst v4  }
0x32: {  	v4 =	vld.idx.msk [tilespmem:v12+s15+$0x0], $0xffff;
	[tilespmem:s21+$0x180] =	vst v10  }
0x33: {  	v12 =	vld.idx.msk [tilespmem:v14+s15+$0x0], $0xffff;
	[tilespmem:s21+$0x200] =	vst v9  }
0x34: {  	v14 =	vld.idx.msk [tilespmem:v15+s15+$0x0], $0xffff;
	[tilespmem:s21+$0x280] =	vst v8  }
0x35: {  	v15 =	vld.idx.msk [tilespmem:v16+s15+$0x0], $0xffff;
	[tilespmem:s21+$0x380] =	vst v1  }
0x36: {  	s21 =	sadd.s32 $0x800, s21;
	v1 =	vmov v6;
	v11 =	vld.idx.msk [tilespmem:v11+s15+$0x0], $0xffff  }
0x37: {  	v10 =	vld.idx.msk [tilespmem:v17+s15+$0x0], $0xffff;
	[tilespmem:s21+$0x300] =	vst v13  }
.Ltmp0:
0x38: {  	[tilespmem:s21+$0xFFFFFC80] =	vst v4;
	v9 =	vld.idx.msk [tilespmem:v18+s15+$0x0], $0xffff;
	(pc) =	sbr.rel @p0 .LBB2_2-.Ltmp0, $4  }
0x39: {  	[tilespmem:s21+$0xFFFFFD00] =	vst v12;
	v8 =	vld.idx.msk [tilespmem:v7+s15+$0x0], $0xffff  }
0x3a: {  	[tilespmem:s21+$0xFFFFFD80] =	vst v14;
	v7 =	vld.idx.msk [tilespmem:v19+s15+$0x0], $0xffff  }
0x3b: {  	[tilespmem:s21+$0xFFFFFE00] =	vst v15;
	v6 =	vld.idx.msk [tilespmem:v20+s15+$0x0], $0xffff  }
0x3c: {  	s23 =	sadd.s32 $0x660, s23;
	[tilespmem:s21+$0xFFFFFC00] =	vst v11;
	v4 =	vld.idx.msk [tilespmem:v21+s15+$0x0], $0xffff  }
0x3d: {  	_ =	sdelay $0x1  }
0x3e: {  	[tilespmem:s21+$0xFFFFFE80] =	vst v10  }
0x3f: {  	[tilespmem:s21+$0xFFFFFF00] =	vst v9  }
0x40: {  	v0 =	vld.idx.msk [tilespmem:v5+s15+$0x0], $0xffff;
	[tilespmem:s21+$0x380] =	vst v1  }
0x41: {  	v3 =	vld.idx.msk [tilespmem:v3+s15+$0x0], $0xffff;
	[tilespmem:s21+$0xFFFFFF80] =	vst v8  }
0x42: {  	v2 =	vld.idx.msk [tilespmem:v2+s15+$0x0], $0xffff;
	[tilespmem:s21+$0x0] =	vst v7  }
0x43: {  	[tilespmem:s21+$0x80] =	vst v6  }
0x44: {  	[tilespmem:s21+$0x100] =	vst v4  }
0x45: {  	[tilespmem:s21+$0x180] =	vst v0  }
0x46: {  	[tilespmem:s21+$0x200] =	vst v3  }
0x47: {  	[tilespmem:s21+$0x280] =	vst v2  }
0x48: {  	v0 =	vld [tilespmem:$0x10];
	_ =	sdelay $0x3  }
0x49: {  	s28 =	simm.s32 $0x5FA  }
0x4a: {  	s22 =	simm.s32 $0x594;
	v1 =	vadd.s32 s28, v0  }
0x4b: {  	s29 =	simm.s32 $0x66;
	v2 =	vadd.s32 s22, v0  }
0x4c: {  	s31 =	simm.s32 $0x132;
	v3 =	vadd.s32 s29, v0  }
0x4d: {  	s30 =	simm.s32 $0xCC;
	v5 =	vadd.s32 s31, v0  }
0x4e: {  	s23 =	simm.s32 $0x0;
	v4 =	vadd.s32 s30, v0  }
0x4f: {  	s24 =	simm.s32 $0x1FE;
	v7 =	vadd.s32 s23, v0;
	v1 =	vld.idx.msk [tilespmem:v1+s15+$0x0], $0xffff  }
0x50: {  	s22 =	simm.s32 $0x198;
	v8 =	vadd.s32 s24, v0;
	v2 =	vld.idx.msk [tilespmem:v2+s15+$0x0], $0xffff  }
0x51: {  	s25 =	simm.s32 $0x264;
	v6 =	vadd.s32 s22, v0;
	v3 =	vld.idx.msk [tilespmem:v3+s15+$0x0], $0xffff  }
0x52: {  	s26 =	simm.s32 $0x2CA;
	v9 =	vadd.s32 s25, v0;
	v5 =	vld.idx.msk [tilespmem:v5+s15+$0x0], $0xffff  }
0x53: {  	s28 =	simm.s32 $0x330;
	v11 =	vadd.s32 s26, v0;
	v4 =	vld.idx.msk [tilespmem:v4+s15+$0x0], $0xffff  }
0x54: {  	s29 =	simm.s32 $0x3FC;
	v12 =	vadd.s32 s28, v0;
	v14 =	vld.idx.msk [tilespmem:v7+s15+$0x0], $0xffff  }
0x55: {  	s21 =	simm.s32 $0x5190;
	s23 =	simm.s32 $0x396;
	v15 =	vadd.s32 s29, v0;
	v10 =	vld.idx.msk [tilespmem:v8+s15+$0x0], $0xffff  }
0x56: {  	s30 =	simm.s32 $0x462;
	v13 =	vadd.s32 s23, v0;
	v6 =	vld.idx.msk [tilespmem:v6+s15+$0x0], $0xffff;
	[tilespmem:s21+$0x300] =	vst v2  }
0x57: {  	s31 =	simm.s32 $0x4C8;
	v9 =	vld.idx.msk [tilespmem:v9+s15+$0x0], $0xffff;
	[tilespmem:s21+$0xFFFFFD80] =	vst v5;
	v5 =	vadd.s32 s30, v0  }
0x58: {  	s24 =	simm.s32 $0x52E;
	v8 =	vld.idx.msk [tilespmem:v11+s15+$0x0], $0xffff;
	[tilespmem:s21+$0xFFFFFC80] =	vst v3;
	v3 =	vadd.s32 s31, v0  }
0x59: {  	v7 =	vld.idx.msk [tilespmem:v12+s15+$0x0], $0xffff;
	[tilespmem:s21+$0xFFFFFD00] =	vst v4;
	v2 =	vadd.s32 s24, v0  }
0x5a: {  	[tilespmem:s21+$0xFFFFFC00] =	vst v14;
	v4 =	vld.idx.msk [tilespmem:v15+s15+$0x0], $0xffff  }
0x5b: {  	s22 =	simm.s32 $0x0;
	s23 =	simm.s32 $0xC5A;
	[tilespmem:s21+$0xFFFFFE00] =	vst v6;
	v6 =	vld.idx.msk [tilespmem:v13+s15+$0x0], $0xffff  }
.LBB2_4:
0x5c: {  	s24 =	sadd.s32 $0xFFFFFA6C, s23;
	s25 =	sadd.s32 $0xFFFFFF9A, s23;
	v11 =	vadd.s32 s23, v0;
	s22 =	sadd.s32 $0x10, s22;
	[tilespmem:s21+$0xFFFFFE80] =	vst v10;
	v10 =	vld.idx.msk [tilespmem:v5+s15+$0x0], $0xffff  }
0x5d: {  	s26 =	sadd.s32 $0xFFFFFB38, s23;
	v12 =	vadd.s32 s24, v0;
	s24 =	sadd.s32 $0xFFFFFAD2, s23;
	v13 =	vadd.s32 s25, v0;
	p0 =	slt.u32 s22, $0x30;
	[tilespmem:s21+$0xFFFFFF00] =	vst v9;
	v9 =	vld.idx.msk [tilespmem:v3+s15+$0x0], $0xffff  }
0x5e: {  	v15 =	vadd.s32 s26, v0;
	s25 =	sadd.s32 $0xFFFFFC04, s23;
	s26 =	sadd.s32 $0xFFFFFC6A, s23;
	v14 =	vadd.s32 s24, v0;
	s24 =	sadd.s32 $0xFFFFFB9E, s23;
	[tilespmem:s21+$0xFFFFFF80] =	vst v8;
	v8 =	vld.idx.msk [tilespmem:v2+s15+$0x0], $0xffff  }
0x5f: {  	v17 =	vadd.s32 s25, v0;
	v18 =	vadd.s32 s26, v0;
	s25 =	sadd.s32 $0xFFFFFD36, s23;
	s26 =	sadd.s32 $0xFFFFFD9C, s23;
	v16 =	vadd.s32 s24, v0;
	s24 =	sadd.s32 $0xFFFFFCD0, s23;
	[tilespmem:s21+$0x0] =	vst v7  }
0x60: {  	v19 =	vadd.s32 s25, v0;
	v20 =	vadd.s32 s26, v0;
	s25 =	sadd.s32 $0xFFFFFE68, s23;
	s26 =	sadd.s32 $0xFFFFFECE, s23;
	v7 =	vadd.s32 s24, v0;
	s24 =	sadd.s32 $0xFFFFFE02, s23;
	[tilespmem:s21+$0x80] =	vst v6  }
0x61: {  	s28 =	sadd.s32 $0xFFFFFA06, s23;
	v5 =	vadd.s32 s25, v0;
	v3 =	vadd.s32 s26, v0;
	v21 =	vadd.s32 s24, v0;
	s24 =	sadd.s32 $0xFFFFFF34, s23;
	v6 =	vld.idx.msk [tilespmem:v11+s15+$0x0], $0xffff  }
0x62: {  	v11 =	vadd.s32 s28, v0;
	v2 =	vadd.s32 s24, v0;
	v13 =	vld.idx.msk [tilespmem:v13+s15+$0x0], $0xffff;
	[tilespmem:s21+$0x100] =	vst v4  }
0x63: {  	v4 =	vld.idx.msk [tilespmem:v12+s15+$0x0], $0xffff;
	[tilespmem:s21+$0x180] =	vst v10  }
0x64: {  	v12 =	vld.idx.msk [tilespmem:v14+s15+$0x0], $0xffff;
	[tilespmem:s21+$0x200] =	vst v9  }
0x65: {  	v14 =	vld.idx.msk [tilespmem:v15+s15+$0x0], $0xffff;
	[tilespmem:s21+$0x280] =	vst v8  }
0x66: {  	v15 =	vld.idx.msk [tilespmem:v16+s15+$0x0], $0xffff;
	[tilespmem:s21+$0x380] =	vst v1  }
0x67: {  	s21 =	sadd.s32 $0x800, s21;
	v1 =	vmov v6;
	v11 =	vld.idx.msk [tilespmem:v11+s15+$0x0], $0xffff  }
0x68: {  	v10 =	vld.idx.msk [tilespmem:v17+s15+$0x0], $0xffff;
	[tilespmem:s21+$0x300] =	vst v13  }
.Ltmp1:
0x69: {  	[tilespmem:s21+$0xFFFFFC80] =	vst v4;
	v9 =	vld.idx.msk [tilespmem:v18+s15+$0x0], $0xffff;
	(pc) =	sbr.rel @p0 .LBB2_4-.Ltmp1, $4  }
0x6a: {  	[tilespmem:s21+$0xFFFFFD00] =	vst v12;
	v8 =	vld.idx.msk [tilespmem:v7+s15+$0x0], $0xffff  }
0x6b: {  	[tilespmem:s21+$0xFFFFFD80] =	vst v14;
	v7 =	vld.idx.msk [tilespmem:v19+s15+$0x0], $0xffff  }
0x6c: {  	[tilespmem:s21+$0xFFFFFE00] =	vst v15;
	v6 =	vld.idx.msk [tilespmem:v20+s15+$0x0], $0xffff  }
0x6d: {  	s23 =	sadd.s32 $0x660, s23;
	[tilespmem:s21+$0xFFFFFC00] =	vst v11;
	v4 =	vld.idx.msk [tilespmem:v21+s15+$0x0], $0xffff  }
0x6e: {  	_ =	sdelay $0x1  }
0x6f: {  	[tilespmem:s21+$0xFFFFFE80] =	vst v10  }
0x70: {  	[tilespmem:s21+$0xFFFFFF00] =	vst v9  }
0x71: {  	v0 =	vld.idx.msk [tilespmem:v5+s15+$0x0], $0xffff;
	[tilespmem:s21+$0x380] =	vst v1  }
0x72: {  	v3 =	vld.idx.msk [tilespmem:v3+s15+$0x0], $0xffff;
	[tilespmem:s21+$0xFFFFFF80] =	vst v8  }
0x73: {  	v2 =	vld.idx.msk [tilespmem:v2+s15+$0x0], $0xffff;
	[tilespmem:s21+$0x0] =	vst v7  }
0x74: {  	[tilespmem:s21+$0x80] =	vst v6  }
0x75: {  	[tilespmem:s21+$0x100] =	vst v4  }
0x76: {  	[tilespmem:s21+$0x180] =	vst v0  }
0x77: {  	[tilespmem:s21+$0x200] =	vst v3  }
0x78: {  	[tilespmem:s21+$0x280] =	vst v2  }
0x79: {  	v0 =	vld [tilespmem:$0x20];
	_ =	sdelay $0x3  }
0x7a: {  	s28 =	simm.s32 $0x5FA  }
0x7b: {  	s22 =	simm.s32 $0x594;
	v1 =	vadd.s32 s28, v0  }
0x7c: {  	s29 =	simm.s32 $0x66;
	v2 =	vadd.s32 s22, v0  }
0x7d: {  	s31 =	simm.s32 $0x132;
	v3 =	vadd.s32 s29, v0  }
0x7e: {  	s30 =	simm.s32 $0xCC;
	v5 =	vadd.s32 s31, v0  }
0x7f: {  	s23 =	simm.s32 $0x0;
	v4 =	vadd.s32 s30, v0  }
0x80: {  	s24 =	simm.s32 $0x1FE;
	v7 =	vadd.s32 s23, v0;
	v1 =	vld.idx.msk [tilespmem:v1+s15+$0x0], $0xffff  }
0x81: {  	s22 =	simm.s32 $0x198;
	v8 =	vadd.s32 s24, v0;
	v2 =	vld.idx.msk [tilespmem:v2+s15+$0x0], $0xffff  }
0x82: {  	s25 =	simm.s32 $0x264;
	v6 =	vadd.s32 s22, v0;
	v3 =	vld.idx.msk [tilespmem:v3+s15+$0x0], $0xffff  }
0x83: {  	s26 =	simm.s32 $0x2CA;
	v9 =	vadd.s32 s25, v0;
	v5 =	vld.idx.msk [tilespmem:v5+s15+$0x0], $0xffff  }
0x84: {  	s28 =	simm.s32 $0x330;
	v11 =	vadd.s32 s26, v0;
	v4 =	vld.idx.msk [tilespmem:v4+s15+$0x0], $0xffff  }
0x85: {  	s29 =	simm.s32 $0x3FC;
	v12 =	vadd.s32 s28, v0;
	v14 =	vld.idx.msk [tilespmem:v7+s15+$0x0], $0xffff  }
0x86: {  	s21 =	simm.s32 $0x51A0;
	s23 =	simm.s32 $0x396;
	v15 =	vadd.s32 s29, v0;
	v10 =	vld.idx.msk [tilespmem:v8+s15+$0x0], $0xffff  }
0x87: {  	s30 =	simm.s32 $0x462;
	v13 =	vadd.s32 s23, v0;
	v6 =	vld.idx.msk [tilespmem:v6+s15+$0x0], $0xffff;
	[tilespmem:s21+$0x300] =	vst v2  }
0x88: {  	s31 =	simm.s32 $0x4C8;
	v9 =	vld.idx.msk [tilespmem:v9+s15+$0x0], $0xffff;
	[tilespmem:s21+$0xFFFFFD80] =	vst v5;
	v5 =	vadd.s32 s30, v0  }
0x89: {  	s24 =	simm.s32 $0x52E;
	v8 =	vld.idx.msk [tilespmem:v11+s15+$0x0], $0xffff;
	[tilespmem:s21+$0xFFFFFC80] =	vst v3;
	v3 =	vadd.s32 s31, v0  }
0x8a: {  	v7 =	vld.idx.msk [tilespmem:v12+s15+$0x0], $0xffff;
	[tilespmem:s21+$0xFFFFFD00] =	vst v4;
	v2 =	vadd.s32 s24, v0  }
0x8b: {  	[tilespmem:s21+$0xFFFFFC00] =	vst v14;
	v4 =	vld.idx.msk [tilespmem:v15+s15+$0x0], $0xffff  }
0x8c: {  	s22 =	simm.s32 $0x0;
	s23 =	simm.s32 $0xC5A;
	[tilespmem:s21+$0xFFFFFE00] =	vst v6;
	v6 =	vld.idx.msk [tilespmem:v13+s15+$0x0], $0xffff  }
.LBB2_6:
0x8d: {  	s24 =	sadd.s32 $0xFFFFFA6C, s23;
	s25 =	sadd.s32 $0xFFFFFF9A, s23;
	v11 =	vadd.s32 s23, v0;
	s22 =	sadd.s32 $0x10, s22;
	[tilespmem:s21+$0xFFFFFE80] =	vst v10;
	v10 =	vld.idx.msk [tilespmem:v5+s15+$0x0], $0xffff  }
0x8e: {  	s26 =	sadd.s32 $0xFFFFFB38, s23;
	v12 =	vadd.s32 s24, v0;
	s24 =	sadd.s32 $0xFFFFFAD2, s23;
	v13 =	vadd.s32 s25, v0;
	p0 =	slt.u32 s22, $0x30;
	[tilespmem:s21+$0xFFFFFF00] =	vst v9;
	v9 =	vld.idx.msk [tilespmem:v3+s15+$0x0], $0xffff  }
0x8f: {  	v15 =	vadd.s32 s26, v0;
	s25 =	sadd.s32 $0xFFFFFC04, s23;
	s26 =	sadd.s32 $0xFFFFFC6A, s23;
	v14 =	vadd.s32 s24, v0;
	s24 =	sadd.s32 $0xFFFFFB9E, s23;
	[tilespmem:s21+$0xFFFFFF80] =	vst v8;
	v8 =	vld.idx.msk [tilespmem:v2+s15+$0x0], $0xffff  }
0x90: {  	v17 =	vadd.s32 s25, v0;
	v18 =	vadd.s32 s26, v0;
	s25 =	sadd.s32 $0xFFFFFD36, s23;
	s26 =	sadd.s32 $0xFFFFFD9C, s23;
	v16 =	vadd.s32 s24, v0;
	s24 =	sadd.s32 $0xFFFFFCD0, s23;
	[tilespmem:s21+$0x0] =	vst v7  }
0x91: {  	v19 =	vadd.s32 s25, v0;
	v20 =	vadd.s32 s26, v0;
	s25 =	sadd.s32 $0xFFFFFE68, s23;
	s26 =	sadd.s32 $0xFFFFFECE, s23;
	v7 =	vadd.s32 s24, v0;
	s24 =	sadd.s32 $0xFFFFFE02, s23;
	[tilespmem:s21+$0x80] =	vst v6  }
0x92: {  	s28 =	sadd.s32 $0xFFFFFA06, s23;
	v5 =	vadd.s32 s25, v0;
	v3 =	vadd.s32 s26, v0;
	v21 =	vadd.s32 s24, v0;
	s24 =	sadd.s32 $0xFFFFFF34, s23;
	v6 =	vld.idx.msk [tilespmem:v11+s15+$0x0], $0xffff  }
0x93: {  	v11 =	vadd.s32 s28, v0;
	v2 =	vadd.s32 s24, v0;
	v13 =	vld.idx.msk [tilespmem:v13+s15+$0x0], $0xffff;
	[tilespmem:s21+$0x100] =	vst v4  }
0x94: {  	v4 =	vld.idx.msk [tilespmem:v12+s15+$0x0], $0xffff;
	[tilespmem:s21+$0x180] =	vst v10  }
0x95: {  	v12 =	vld.idx.msk [tilespmem:v14+s15+$0x0], $0xffff;
	[tilespmem:s21+$0x200] =	vst v9  }
0x96: {  	v14 =	vld.idx.msk [tilespmem:v15+s15+$0x0], $0xffff;
	[tilespmem:s21+$0x280] =	vst v8  }
0x97: {  	v15 =	vld.idx.msk [tilespmem:v16+s15+$0x0], $0xffff;
	[tilespmem:s21+$0x380] =	vst v1  }
0x98: {  	s21 =	sadd.s32 $0x800, s21;
	v1 =	vmov v6;
	v11 =	vld.idx.msk [tilespmem:v11+s15+$0x0], $0xffff  }
0x99: {  	v10 =	vld.idx.msk [tilespmem:v17+s15+$0x0], $0xffff;
	[tilespmem:s21+$0x300] =	vst v13  }
.Ltmp2:
0x9a: {  	[tilespmem:s21+$0xFFFFFC80] =	vst v4;
	v9 =	vld.idx.msk [tilespmem:v18+s15+$0x0], $0xffff;
	(pc) =	sbr.rel @p0 .LBB2_6-.Ltmp2, $4  }
0x9b: {  	[tilespmem:s21+$0xFFFFFD00] =	vst v12;
	v8 =	vld.idx.msk [tilespmem:v7+s15+$0x0], $0xffff  }
0x9c: {  	[tilespmem:s21+$0xFFFFFD80] =	vst v14;
	v7 =	vld.idx.msk [tilespmem:v19+s15+$0x0], $0xffff  }
0x9d: {  	[tilespmem:s21+$0xFFFFFE00] =	vst v15;
	v6 =	vld.idx.msk [tilespmem:v20+s15+$0x0], $0xffff  }
0x9e: {  	s23 =	sadd.s32 $0x660, s23;
	[tilespmem:s21+$0xFFFFFC00] =	vst v11;
	v4 =	vld.idx.msk [tilespmem:v21+s15+$0x0], $0xffff  }
0x9f: {  	_ =	sdelay $0x1  }
0xa0: {  	[tilespmem:s21+$0xFFFFFE80] =	vst v10  }
0xa1: {  	[tilespmem:s21+$0xFFFFFF00] =	vst v9  }
0xa2: {  	v0 =	vld.idx.msk [tilespmem:v5+s15+$0x0], $0xffff;
	[tilespmem:s21+$0x380] =	vst v1  }
0xa3: {  	v3 =	vld.idx.msk [tilespmem:v3+s15+$0x0], $0xffff;
	[tilespmem:s21+$0xFFFFFF80] =	vst v8  }
0xa4: {  	v2 =	vld.idx.msk [tilespmem:v2+s15+$0x0], $0xffff;
	[tilespmem:s21+$0x0] =	vst v7  }
0xa5: {  	[tilespmem:s21+$0x80] =	vst v6  }
0xa6: {  	[tilespmem:s21+$0x100] =	vst v4  }
0xa7: {  	[tilespmem:s21+$0x180] =	vst v0  }
0xa8: {  	[tilespmem:s21+$0x200] =	vst v3  }
0xa9: {  	[tilespmem:s21+$0x280] =	vst v2  }
0xaa: {  	v0 =	vld [tilespmem:$0x30];
	_ =	sdelay $0x3  }
0xab: {  	s28 =	simm.s32 $0x5FA  }
0xac: {  	s22 =	simm.s32 $0x594;
	v1 =	vadd.s32 s28, v0  }
0xad: {  	s29 =	simm.s32 $0x66;
	v2 =	vadd.s32 s22, v0  }
0xae: {  	s31 =	simm.s32 $0x132;
	v3 =	vadd.s32 s29, v0  }
0xaf: {  	s30 =	simm.s32 $0xCC;
	v5 =	vadd.s32 s31, v0  }
0xb0: {  	s23 =	simm.s32 $0x0;
	v4 =	vadd.s32 s30, v0  }
0xb1: {  	s24 =	simm.s32 $0x1FE;
	v7 =	vadd.s32 s23, v0;
	v1 =	vld.idx.msk [tilespmem:v1+s15+$0x0], $0xffff  }
0xb2: {  	s22 =	simm.s32 $0x198;
	v8 =	vadd.s32 s24, v0;
	v2 =	vld.idx.msk [tilespmem:v2+s15+$0x0], $0xffff  }
0xb3: {  	s25 =	simm.s32 $0x264;
	v6 =	vadd.s32 s22, v0;
	v3 =	vld.idx.msk [tilespmem:v3+s15+$0x0], $0xffff  }
0xb4: {  	s26 =	simm.s32 $0x2CA;
	v9 =	vadd.s32 s25, v0;
	v5 =	vld.idx.msk [tilespmem:v5+s15+$0x0], $0xffff  }
0xb5: {  	s28 =	simm.s32 $0x330;
	v11 =	vadd.s32 s26, v0;
	v4 =	vld.idx.msk [tilespmem:v4+s15+$0x0], $0xffff  }
0xb6: {  	s29 =	simm.s32 $0x3FC;
	v12 =	vadd.s32 s28, v0;
	v14 =	vld.idx.msk [tilespmem:v7+s15+$0x0], $0xffff  }
0xb7: {  	s21 =	simm.s32 $0x51B0;
	s23 =	simm.s32 $0x396;
	v15 =	vadd.s32 s29, v0;
	v10 =	vld.idx.msk [tilespmem:v8+s15+$0x0], $0xffff  }
0xb8: {  	s30 =	simm.s32 $0x462;
	v13 =	vadd.s32 s23, v0;
	v6 =	vld.idx.msk [tilespmem:v6+s15+$0x0], $0xffff;
	[tilespmem:s21+$0x300] =	vst v2  }
0xb9: {  	s31 =	simm.s32 $0x4C8;
	v9 =	vld.idx.msk [tilespmem:v9+s15+$0x0], $0xffff;
	[tilespmem:s21+$0xFFFFFD80] =	vst v5;
	v5 =	vadd.s32 s30, v0  }
0xba: {  	s24 =	simm.s32 $0x52E;
	v8 =	vld.idx.msk [tilespmem:v11+s15+$0x0], $0xffff;
	[tilespmem:s21+$0xFFFFFC80] =	vst v3;
	v3 =	vadd.s32 s31, v0  }
0xbb: {  	v7 =	vld.idx.msk [tilespmem:v12+s15+$0x0], $0xffff;
	[tilespmem:s21+$0xFFFFFD00] =	vst v4;
	v2 =	vadd.s32 s24, v0  }
0xbc: {  	[tilespmem:s21+$0xFFFFFC00] =	vst v14;
	v4 =	vld.idx.msk [tilespmem:v15+s15+$0x0], $0xffff  }
0xbd: {  	s22 =	simm.s32 $0x0;
	s23 =	simm.s32 $0xC5A;
	[tilespmem:s21+$0xFFFFFE00] =	vst v6;
	v6 =	vld.idx.msk [tilespmem:v13+s15+$0x0], $0xffff  }
.LBB2_8:
0xbe: {  	s24 =	sadd.s32 $0xFFFFFA6C, s23;
	s25 =	sadd.s32 $0xFFFFFF9A, s23;
	v11 =	vadd.s32 s23, v0;
	s22 =	sadd.s32 $0x10, s22;
	[tilespmem:s21+$0xFFFFFE80] =	vst v10;
	v10 =	vld.idx.msk [tilespmem:v5+s15+$0x0], $0xffff  }
0xbf: {  	s26 =	sadd.s32 $0xFFFFFB38, s23;
	v12 =	vadd.s32 s24, v0;
	s24 =	sadd.s32 $0xFFFFFAD2, s23;
	v13 =	vadd.s32 s25, v0;
	p0 =	slt.u32 s22, $0x30;
	[tilespmem:s21+$0xFFFFFF00] =	vst v9;
	v9 =	vld.idx.msk [tilespmem:v3+s15+$0x0], $0xffff  }
0xc0: {  	v15 =	vadd.s32 s26, v0;
	s25 =	sadd.s32 $0xFFFFFC04, s23;
	s26 =	sadd.s32 $0xFFFFFC6A, s23;
	v14 =	vadd.s32 s24, v0;
	s24 =	sadd.s32 $0xFFFFFB9E, s23;
	[tilespmem:s21+$0xFFFFFF80] =	vst v8;
	v8 =	vld.idx.msk [tilespmem:v2+s15+$0x0], $0xffff  }
0xc1: {  	v17 =	vadd.s32 s25, v0;
	v18 =	vadd.s32 s26, v0;
	s25 =	sadd.s32 $0xFFFFFD36, s23;
	s26 =	sadd.s32 $0xFFFFFD9C, s23;
	v16 =	vadd.s32 s24, v0;
	s24 =	sadd.s32 $0xFFFFFCD0, s23;
	[tilespmem:s21+$0x0] =	vst v7  }
0xc2: {  	v19 =	vadd.s32 s25, v0;
	v20 =	vadd.s32 s26, v0;
	s25 =	sadd.s32 $0xFFFFFE68, s23;
	s26 =	sadd.s32 $0xFFFFFECE, s23;
	v7 =	vadd.s32 s24, v0;
	s24 =	sadd.s32 $0xFFFFFE02, s23;
	[tilespmem:s21+$0x80] =	vst v6  }
0xc3: {  	s28 =	sadd.s32 $0xFFFFFA06, s23;
	v5 =	vadd.s32 s25, v0;
	v3 =	vadd.s32 s26, v0;
	v21 =	vadd.s32 s24, v0;
	s24 =	sadd.s32 $0xFFFFFF34, s23;
	v6 =	vld.idx.msk [tilespmem:v11+s15+$0x0], $0xffff  }
0xc4: {  	v11 =	vadd.s32 s28, v0;
	v2 =	vadd.s32 s24, v0;
	v13 =	vld.idx.msk [tilespmem:v13+s15+$0x0], $0xffff;
	[tilespmem:s21+$0x100] =	vst v4  }
0xc5: {  	v4 =	vld.idx.msk [tilespmem:v12+s15+$0x0], $0xffff;
	[tilespmem:s21+$0x180] =	vst v10  }
0xc6: {  	v12 =	vld.idx.msk [tilespmem:v14+s15+$0x0], $0xffff;
	[tilespmem:s21+$0x200] =	vst v9  }
0xc7: {  	v14 =	vld.idx.msk [tilespmem:v15+s15+$0x0], $0xffff;
	[tilespmem:s21+$0x280] =	vst v8  }
0xc8: {  	v15 =	vld.idx.msk [tilespmem:v16+s15+$0x0], $0xffff;
	[tilespmem:s21+$0x380] =	vst v1  }
0xc9: {  	s21 =	sadd.s32 $0x800, s21;
	v1 =	vmov v6;
	v11 =	vld.idx.msk [tilespmem:v11+s15+$0x0], $0xffff  }
0xca: {  	v10 =	vld.idx.msk [tilespmem:v17+s15+$0x0], $0xffff;
	[tilespmem:s21+$0x300] =	vst v13  }
.Ltmp3:
0xcb: {  	[tilespmem:s21+$0xFFFFFC80] =	vst v4;
	v9 =	vld.idx.msk [tilespmem:v18+s15+$0x0], $0xffff;
	(pc) =	sbr.rel @p0 .LBB2_8-.Ltmp3, $4  }
0xcc: {  	[tilespmem:s21+$0xFFFFFD00] =	vst v12;
	v8 =	vld.idx.msk [tilespmem:v7+s15+$0x0], $0xffff  }
0xcd: {  	[tilespmem:s21+$0xFFFFFD80] =	vst v14;
	v7 =	vld.idx.msk [tilespmem:v19+s15+$0x0], $0xffff  }
0xce: {  	[tilespmem:s21+$0xFFFFFE00] =	vst v15;
	v6 =	vld.idx.msk [tilespmem:v20+s15+$0x0], $0xffff  }
0xcf: {  	s23 =	sadd.s32 $0x660, s23;
	[tilespmem:s21+$0xFFFFFC00] =	vst v11;
	v4 =	vld.idx.msk [tilespmem:v21+s15+$0x0], $0xffff  }
0xd0: {  	_ =	sdelay $0x1  }
0xd1: {  	[tilespmem:s21+$0xFFFFFE80] =	vst v10  }
0xd2: {  	[tilespmem:s21+$0xFFFFFF00] =	vst v9  }
0xd3: {  	v0 =	vld.idx.msk [tilespmem:v5+s15+$0x0], $0xffff;
	[tilespmem:s21+$0x380] =	vst v1  }
0xd4: {  	v3 =	vld.idx.msk [tilespmem:v3+s15+$0x0], $0xffff;
	[tilespmem:s21+$0xFFFFFF80] =	vst v8  }
0xd5: {  	v2 =	vld.idx.msk [tilespmem:v2+s15+$0x0], $0xffff;
	[tilespmem:s21+$0x0] =	vst v7  }
0xd6: {  	[tilespmem:s21+$0x80] =	vst v6  }
0xd7: {  	[tilespmem:s21+$0x100] =	vst v4  }
0xd8: {  	[tilespmem:s21+$0x180] =	vst v0  }
0xd9: {  	[tilespmem:s21+$0x200] =	vst v3  }
0xda: {  	[tilespmem:s21+$0x280] =	vst v2  }
0xdb: {  	v0 =	vld [tilespmem:$0x40];
	_ =	sdelay $0x3  }
0xdc: {  	s28 =	simm.s32 $0x5FA  }
0xdd: {  	s22 =	simm.s32 $0x594;
	v1 =	vadd.s32 s28, v0  }
0xde: {  	s29 =	simm.s32 $0x66;
	v2 =	vadd.s32 s22, v0  }
0xdf: {  	s31 =	simm.s32 $0x132;
	v3 =	vadd.s32 s29, v0  }
0xe0: {  	s30 =	simm.s32 $0xCC;
	v5 =	vadd.s32 s31, v0  }
0xe1: {  	s23 =	simm.s32 $0x0;
	v4 =	vadd.s32 s30, v0  }
0xe2: {  	s24 =	simm.s32 $0x1FE;
	v7 =	vadd.s32 s23, v0;
	v1 =	vld.idx.msk [tilespmem:v1+s15+$0x0], $0xffff  }
0xe3: {  	s22 =	simm.s32 $0x198;
	v8 =	vadd.s32 s24, v0;
	v2 =	vld.idx.msk [tilespmem:v2+s15+$0x0], $0xffff  }
0xe4: {  	s25 =	simm.s32 $0x264;
	v6 =	vadd.s32 s22, v0;
	v3 =	vld.idx.msk [tilespmem:v3+s15+$0x0], $0xffff  }
0xe5: {  	s26 =	simm.s32 $0x2CA;
	v9 =	vadd.s32 s25, v0;
	v5 =	vld.idx.msk [tilespmem:v5+s15+$0x0], $0xffff  }
0xe6: {  	s28 =	simm.s32 $0x330;
	v11 =	vadd.s32 s26, v0;
	v4 =	vld.idx.msk [tilespmem:v4+s15+$0x0], $0xffff  }
0xe7: {  	s29 =	simm.s32 $0x3FC;
	v12 =	vadd.s32 s28, v0;
	v14 =	vld.idx.msk [tilespmem:v7+s15+$0x0], $0xffff  }
0xe8: {  	s21 =	simm.s32 $0x51C0;
	s23 =	simm.s32 $0x396;
	v15 =	vadd.s32 s29, v0;
	v10 =	vld.idx.msk [tilespmem:v8+s15+$0x0], $0xffff  }
0xe9: {  	s30 =	simm.s32 $0x462;
	v13 =	vadd.s32 s23, v0;
	v6 =	vld.idx.msk [tilespmem:v6+s15+$0x0], $0xffff;
	[tilespmem:s21+$0x300] =	vst v2  }
0xea: {  	s31 =	simm.s32 $0x4C8;
	v9 =	vld.idx.msk [tilespmem:v9+s15+$0x0], $0xffff;
	[tilespmem:s21+$0xFFFFFD80] =	vst v5;
	v5 =	vadd.s32 s30, v0  }
0xeb: {  	s24 =	simm.s32 $0x52E;
	v8 =	vld.idx.msk [tilespmem:v11+s15+$0x0], $0xffff;
	[tilespmem:s21+$0xFFFFFC80] =	vst v3;
	v3 =	vadd.s32 s31, v0  }
0xec: {  	v7 =	vld.idx.msk [tilespmem:v12+s15+$0x0], $0xffff;
	[tilespmem:s21+$0xFFFFFD00] =	vst v4;
	v2 =	vadd.s32 s24, v0  }
0xed: {  	[tilespmem:s21+$0xFFFFFC00] =	vst v14;
	v4 =	vld.idx.msk [tilespmem:v15+s15+$0x0], $0xffff  }
0xee: {  	s22 =	simm.s32 $0x0;
	s23 =	simm.s32 $0xC5A;
	[tilespmem:s21+$0xFFFFFE00] =	vst v6;
	v6 =	vld.idx.msk [tilespmem:v13+s15+$0x0], $0xffff  }
.LBB2_10:
0xef: {  	s24 =	sadd.s32 $0xFFFFFA6C, s23;
	s25 =	sadd.s32 $0xFFFFFF9A, s23;
	v11 =	vadd.s32 s23, v0;
	s22 =	sadd.s32 $0x10, s22;
	[tilespmem:s21+$0xFFFFFE80] =	vst v10;
	v10 =	vld.idx.msk [tilespmem:v5+s15+$0x0], $0xffff  }
0xf0: {  	s26 =	sadd.s32 $0xFFFFFB38, s23;
	v12 =	vadd.s32 s24, v0;
	s24 =	sadd.s32 $0xFFFFFAD2, s23;
	v13 =	vadd.s32 s25, v0;
	p0 =	slt.u32 s22, $0x30;
	[tilespmem:s21+$0xFFFFFF00] =	vst v9;
	v9 =	vld.idx.msk [tilespmem:v3+s15+$0x0], $0xffff  }
0xf1: {  	v15 =	vadd.s32 s26, v0;
	s25 =	sadd.s32 $0xFFFFFC04, s23;
	s26 =	sadd.s32 $0xFFFFFC6A, s23;
	v14 =	vadd.s32 s24, v0;
	s24 =	sadd.s32 $0xFFFFFB9E, s23;
	[tilespmem:s21+$0xFFFFFF80] =	vst v8;
	v8 =	vld.idx.msk [tilespmem:v2+s15+$0x0], $0xffff  }
0xf2: {  	v17 =	vadd.s32 s25, v0;
	v18 =	vadd.s32 s26, v0;
	s25 =	sadd.s32 $0xFFFFFD36, s23;
	s26 =	sadd.s32 $0xFFFFFD9C, s23;
	v16 =	vadd.s32 s24, v0;
	s24 =	sadd.s32 $0xFFFFFCD0, s23;
	[tilespmem:s21+$0x0] =	vst v7  }
0xf3: {  	v19 =	vadd.s32 s25, v0;
	v20 =	vadd.s32 s26, v0;
	s25 =	sadd.s32 $0xFFFFFE68, s23;
	s26 =	sadd.s32 $0xFFFFFECE, s23;
	v7 =	vadd.s32 s24, v0;
	s24 =	sadd.s32 $0xFFFFFE02, s23;
	[tilespmem:s21+$0x80] =	vst v6  }
0xf4: {  	s28 =	sadd.s32 $0xFFFFFA06, s23;
	v5 =	vadd.s32 s25, v0;
	v3 =	vadd.s32 s26, v0;
	v21 =	vadd.s32 s24, v0;
	s24 =	sadd.s32 $0xFFFFFF34, s23;
	v6 =	vld.idx.msk [tilespmem:v11+s15+$0x0], $0xffff  }
0xf5: {  	v11 =	vadd.s32 s28, v0;
	v2 =	vadd.s32 s24, v0;
	v13 =	vld.idx.msk [tilespmem:v13+s15+$0x0], $0xffff;
	[tilespmem:s21+$0x100] =	vst v4  }
0xf6: {  	v4 =	vld.idx.msk [tilespmem:v12+s15+$0x0], $0xffff;
	[tilespmem:s21+$0x180] =	vst v10  }
0xf7: {  	v12 =	vld.idx.msk [tilespmem:v14+s15+$0x0], $0xffff;
	[tilespmem:s21+$0x200] =	vst v9  }
0xf8: {  	v14 =	vld.idx.msk [tilespmem:v15+s15+$0x0], $0xffff;
	[tilespmem:s21+$0x280] =	vst v8  }
0xf9: {  	v15 =	vld.idx.msk [tilespmem:v16+s15+$0x0], $0xffff;
	[tilespmem:s21+$0x380] =	vst v1  }
0xfa: {  	s21 =	sadd.s32 $0x800, s21;
	v1 =	vmov v6;
	v11 =	vld.idx.msk [tilespmem:v11+s15+$0x0], $0xffff  }
0xfb: {  	v10 =	vld.idx.msk [tilespmem:v17+s15+$0x0], $0xffff;
	[tilespmem:s21+$0x300] =	vst v13  }
.Ltmp4:
0xfc: {  	[tilespmem:s21+$0xFFFFFC80] =	vst v4;
	v9 =	vld.idx.msk [tilespmem:v18+s15+$0x0], $0xffff;
	(pc) =	sbr.rel @p0 .LBB2_10-.Ltmp4, $4  }
0xfd: {  	[tilespmem:s21+$0xFFFFFD00] =	vst v12;
	v8 =	vld.idx.msk [tilespmem:v7+s15+$0x0], $0xffff  }
0xfe: {  	[tilespmem:s21+$0xFFFFFD80] =	vst v14;
	v7 =	vld.idx.msk [tilespmem:v19+s15+$0x0], $0xffff  }
0xff: {  	[tilespmem:s21+$0xFFFFFE00] =	vst v15;
	v6 =	vld.idx.msk [tilespmem:v20+s15+$0x0], $0xffff  }
0x100: {  	s23 =	sadd.s32 $0x660, s23;
	[tilespmem:s21+$0xFFFFFC00] =	vst v11;
	v4 =	vld.idx.msk [tilespmem:v21+s15+$0x0], $0xffff  }
0x101: {  	_ =	sdelay $0x1  }
0x102: {  	[tilespmem:s21+$0xFFFFFE80] =	vst v10  }
0x103: {  	[tilespmem:s21+$0xFFFFFF00] =	vst v9  }
0x104: {  	v0 =	vld.idx.msk [tilespmem:v5+s15+$0x0], $0xffff;
	[tilespmem:s21+$0x380] =	vst v1  }
0x105: {  	v3 =	vld.idx.msk [tilespmem:v3+s15+$0x0], $0xffff;
	[tilespmem:s21+$0xFFFFFF80] =	vst v8  }
0x106: {  	v2 =	vld.idx.msk [tilespmem:v2+s15+$0x0], $0xffff;
	[tilespmem:s21+$0x0] =	vst v7  }
0x107: {  	[tilespmem:s21+$0x80] =	vst v6  }
0x108: {  	[tilespmem:s21+$0x100] =	vst v4  }
0x109: {  	[tilespmem:s21+$0x180] =	vst v0  }
0x10a: {  	[tilespmem:s21+$0x200] =	vst v3  }
0x10b: {  	[tilespmem:s21+$0x280] =	vst v2  }
0x10c: {  	v0 =	vld [tilespmem:$0x50];
	_ =	sdelay $0x3  }
0x10d: {  	s28 =	simm.s32 $0x5FA  }
0x10e: {  	s22 =	simm.s32 $0x594;
	v1 =	vadd.s32 s28, v0  }
0x10f: {  	s29 =	simm.s32 $0x66;
	v2 =	vadd.s32 s22, v0  }
0x110: {  	s31 =	simm.s32 $0x132;
	v3 =	vadd.s32 s29, v0  }
0x111: {  	s30 =	simm.s32 $0xCC;
	v5 =	vadd.s32 s31, v0  }
0x112: {  	s23 =	simm.s32 $0x0;
	v4 =	vadd.s32 s30, v0  }
0x113: {  	s24 =	simm.s32 $0x1FE;
	v7 =	vadd.s32 s23, v0;
	v1 =	vld.idx.msk [tilespmem:v1+s15+$0x0], $0xffff  }
0x114: {  	s22 =	simm.s32 $0x198;
	v8 =	vadd.s32 s24, v0;
	v2 =	vld.idx.msk [tilespmem:v2+s15+$0x0], $0xffff  }
0x115: {  	s25 =	simm.s32 $0x264;
	v6 =	vadd.s32 s22, v0;
	v3 =	vld.idx.msk [tilespmem:v3+s15+$0x0], $0xffff  }
0x116: {  	s26 =	simm.s32 $0x2CA;
	v9 =	vadd.s32 s25, v0;
	v5 =	vld.idx.msk [tilespmem:v5+s15+$0x0], $0xffff  }
0x117: {  	s28 =	simm.s32 $0x330;
	v11 =	vadd.s32 s26, v0;
	v4 =	vld.idx.msk [tilespmem:v4+s15+$0x0], $0xffff  }
0x118: {  	s29 =	simm.s32 $0x3FC;
	v12 =	vadd.s32 s28, v0;
	v14 =	vld.idx.msk [tilespmem:v7+s15+$0x0], $0xffff  }
0x119: {  	s21 =	simm.s32 $0x51D0;
	s23 =	simm.s32 $0x396;
	v15 =	vadd.s32 s29, v0;
	v10 =	vld.idx.msk [tilespmem:v8+s15+$0x0], $0xffff  }
0x11a: {  	s30 =	simm.s32 $0x462;
	v13 =	vadd.s32 s23, v0;
	v6 =	vld.idx.msk [tilespmem:v6+s15+$0x0], $0xffff;
	[tilespmem:s21+$0x300] =	vst v2  }
0x11b: {  	s31 =	simm.s32 $0x4C8;
	v9 =	vld.idx.msk [tilespmem:v9+s15+$0x0], $0xffff;
	[tilespmem:s21+$0xFFFFFD80] =	vst v5;
	v5 =	vadd.s32 s30, v0  }
0x11c: {  	s24 =	simm.s32 $0x52E;
	v8 =	vld.idx.msk [tilespmem:v11+s15+$0x0], $0xffff;
	[tilespmem:s21+$0xFFFFFC80] =	vst v3;
	v3 =	vadd.s32 s31, v0  }
0x11d: {  	v7 =	vld.idx.msk [tilespmem:v12+s15+$0x0], $0xffff;
	[tilespmem:s21+$0xFFFFFD00] =	vst v4;
	v2 =	vadd.s32 s24, v0  }
0x11e: {  	[tilespmem:s21+$0xFFFFFC00] =	vst v14;
	v4 =	vld.idx.msk [tilespmem:v15+s15+$0x0], $0xffff  }
0x11f: {  	s22 =	simm.s32 $0x0;
	s23 =	simm.s32 $0xC5A;
	[tilespmem:s21+$0xFFFFFE00] =	vst v6;
	v6 =	vld.idx.msk [tilespmem:v13+s15+$0x0], $0xffff  }
.LBB2_12:
0x120: {  	s24 =	sadd.s32 $0xFFFFFA6C, s23;
	s25 =	sadd.s32 $0xFFFFFF9A, s23;
	v11 =	vadd.s32 s23, v0;
	s22 =	sadd.s32 $0x10, s22;
	[tilespmem:s21+$0xFFFFFE80] =	vst v10;
	v10 =	vld.idx.msk [tilespmem:v5+s15+$0x0], $0xffff  }
0x121: {  	s26 =	sadd.s32 $0xFFFFFB38, s23;
	v12 =	vadd.s32 s24, v0;
	s24 =	sadd.s32 $0xFFFFFAD2, s23;
	v13 =	vadd.s32 s25, v0;
	p0 =	slt.u32 s22, $0x30;
	[tilespmem:s21+$0xFFFFFF00] =	vst v9;
	v9 =	vld.idx.msk [tilespmem:v3+s15+$0x0], $0xffff  }
0x122: {  	v15 =	vadd.s32 s26, v0;
	s25 =	sadd.s32 $0xFFFFFC04, s23;
	s26 =	sadd.s32 $0xFFFFFC6A, s23;
	v14 =	vadd.s32 s24, v0;
	s24 =	sadd.s32 $0xFFFFFB9E, s23;
	[tilespmem:s21+$0xFFFFFF80] =	vst v8;
	v8 =	vld.idx.msk [tilespmem:v2+s15+$0x0], $0xffff  }
0x123: {  	v17 =	vadd.s32 s25, v0;
	v18 =	vadd.s32 s26, v0;
	s25 =	sadd.s32 $0xFFFFFD36, s23;
	s26 =	sadd.s32 $0xFFFFFD9C, s23;
	v16 =	vadd.s32 s24, v0;
	s24 =	sadd.s32 $0xFFFFFCD0, s23;
	[tilespmem:s21+$0x0] =	vst v7  }
0x124: {  	v19 =	vadd.s32 s25, v0;
	v20 =	vadd.s32 s26, v0;
	s25 =	sadd.s32 $0xFFFFFE68, s23;
	s26 =	sadd.s32 $0xFFFFFECE, s23;
	v7 =	vadd.s32 s24, v0;
	s24 =	sadd.s32 $0xFFFFFE02, s23;
	[tilespmem:s21+$0x80] =	vst v6  }
0x125: {  	s28 =	sadd.s32 $0xFFFFFA06, s23;
	v5 =	vadd.s32 s25, v0;
	v3 =	vadd.s32 s26, v0;
	v21 =	vadd.s32 s24, v0;
	s24 =	sadd.s32 $0xFFFFFF34, s23;
	v6 =	vld.idx.msk [tilespmem:v11+s15+$0x0], $0xffff  }
0x126: {  	v11 =	vadd.s32 s28, v0;
	v2 =	vadd.s32 s24, v0;
	v13 =	vld.idx.msk [tilespmem:v13+s15+$0x0], $0xffff;
	[tilespmem:s21+$0x100] =	vst v4  }
0x127: {  	v4 =	vld.idx.msk [tilespmem:v12+s15+$0x0], $0xffff;
	[tilespmem:s21+$0x180] =	vst v10  }
0x128: {  	v12 =	vld.idx.msk [tilespmem:v14+s15+$0x0], $0xffff;
	[tilespmem:s21+$0x200] =	vst v9  }
0x129: {  	v14 =	vld.idx.msk [tilespmem:v15+s15+$0x0], $0xffff;
	[tilespmem:s21+$0x280] =	vst v8  }
0x12a: {  	v15 =	vld.idx.msk [tilespmem:v16+s15+$0x0], $0xffff;
	[tilespmem:s21+$0x380] =	vst v1  }
0x12b: {  	s21 =	sadd.s32 $0x800, s21;
	v1 =	vmov v6;
	v11 =	vld.idx.msk [tilespmem:v11+s15+$0x0], $0xffff  }
0x12c: {  	v10 =	vld.idx.msk [tilespmem:v17+s15+$0x0], $0xffff;
	[tilespmem:s21+$0x300] =	vst v13  }
.Ltmp5:
0x12d: {  	[tilespmem:s21+$0xFFFFFC80] =	vst v4;
	v9 =	vld.idx.msk [tilespmem:v18+s15+$0x0], $0xffff;
	(pc) =	sbr.rel @p0 .LBB2_12-.Ltmp5, $4  }
0x12e: {  	[tilespmem:s21+$0xFFFFFD00] =	vst v12;
	v8 =	vld.idx.msk [tilespmem:v7+s15+$0x0], $0xffff  }
0x12f: {  	[tilespmem:s21+$0xFFFFFD80] =	vst v14;
	v7 =	vld.idx.msk [tilespmem:v19+s15+$0x0], $0xffff  }
0x130: {  	[tilespmem:s21+$0xFFFFFE00] =	vst v15;
	v6 =	vld.idx.msk [tilespmem:v20+s15+$0x0], $0xffff  }
0x131: {  	s23 =	sadd.s32 $0x660, s23;
	[tilespmem:s21+$0xFFFFFC00] =	vst v11;
	v4 =	vld.idx.msk [tilespmem:v21+s15+$0x0], $0xffff  }
0x132: {  	_ =	sdelay $0x1  }
0x133: {  	[tilespmem:s21+$0xFFFFFE80] =	vst v10  }
0x134: {  	[tilespmem:s21+$0xFFFFFF00] =	vst v9  }
0x135: {  	v0 =	vld.idx.msk [tilespmem:v5+s15+$0x0], $0xffff;
	[tilespmem:s21+$0x380] =	vst v1  }
0x136: {  	v3 =	vld.idx.msk [tilespmem:v3+s15+$0x0], $0xffff;
	[tilespmem:s21+$0xFFFFFF80] =	vst v8  }
0x137: {  	v2 =	vld.idx.msk [tilespmem:v2+s15+$0x0], $0xffff;
	[tilespmem:s21+$0x0] =	vst v7  }
0x138: {  	[tilespmem:s21+$0x80] =	vst v6  }
0x139: {  	[tilespmem:s21+$0x100] =	vst v4  }
0x13a: {  	[tilespmem:s21+$0x180] =	vst v0  }
0x13b: {  	[tilespmem:s21+$0x200] =	vst v3  }
0x13c: {  	[tilespmem:s21+$0x280] =	vst v2  }
0x13d: {  	v0 =	vld [tilespmem:$0x60];
	_ =	sdelay $0x3  }
0x13e: {  	s28 =	simm.s32 $0x5FA  }
0x13f: {  	s22 =	simm.s32 $0x594;
	v1 =	vadd.s32 s28, v0  }
0x140: {  	s29 =	simm.s32 $0x66;
	v2 =	vadd.s32 s22, v0  }
0x141: {  	s31 =	simm.s32 $0x132;
	v3 =	vadd.s32 s29, v0  }
0x142: {  	s30 =	simm.s32 $0xCC;
	v5 =	vadd.s32 s31, v0  }
0x143: {  	s23 =	simm.s32 $0x0;
	v4 =	vadd.s32 s30, v0  }
0x144: {  	s24 =	simm.s32 $0x1FE;
	v7 =	vadd.s32 s23, v0;
	v1 =	vld.idx.msk [tilespmem:v1+s15+$0x0], $0xffff  }
0x145: {  	s22 =	simm.s32 $0x198;
	v8 =	vadd.s32 s24, v0;
	v2 =	vld.idx.msk [tilespmem:v2+s15+$0x0], $0xffff  }
0x146: {  	s25 =	simm.s32 $0x264;
	v6 =	vadd.s32 s22, v0;
	v3 =	vld.idx.msk [tilespmem:v3+s15+$0x0], $0xffff  }
0x147: {  	s26 =	simm.s32 $0x2CA;
	v9 =	vadd.s32 s25, v0;
	v5 =	vld.idx.msk [tilespmem:v5+s15+$0x0], $0xffff  }
0x148: {  	s28 =	simm.s32 $0x330;
	v11 =	vadd.s32 s26, v0;
	v4 =	vld.idx.msk [tilespmem:v4+s15+$0x0], $0xffff  }
0x149: {  	s29 =	simm.s32 $0x3FC;
	v12 =	vadd.s32 s28, v0;
	v14 =	vld.idx.msk [tilespmem:v7+s15+$0x0], $0xffff  }
0x14a: {  	s21 =	simm.s32 $0x51E0;
	s23 =	simm.s32 $0x396;
	v15 =	vadd.s32 s29, v0;
	v10 =	vld.idx.msk [tilespmem:v8+s15+$0x0], $0xffff  }
0x14b: {  	s30 =	simm.s32 $0x462;
	v13 =	vadd.s32 s23, v0;
	v6 =	vld.idx.msk [tilespmem:v6+s15+$0x0], $0xffff;
	[tilespmem:s21+$0x300] =	vst v2  }
0x14c: {  	s31 =	simm.s32 $0x4C8;
	v9 =	vld.idx.msk [tilespmem:v9+s15+$0x0], $0xffff;
	[tilespmem:s21+$0xFFFFFD80] =	vst v5;
	v5 =	vadd.s32 s30, v0  }
0x14d: {  	s24 =	simm.s32 $0x52E;
	v8 =	vld.idx.msk [tilespmem:v11+s15+$0x0], $0xffff;
	[tilespmem:s21+$0xFFFFFC80] =	vst v3;
	v3 =	vadd.s32 s31, v0  }
0x14e: {  	v7 =	vld.idx.msk [tilespmem:v12+s15+$0x0], $0xffff;
	[tilespmem:s21+$0xFFFFFD00] =	vst v4;
	v2 =	vadd.s32 s24, v0  }
0x14f: {  	[tilespmem:s21+$0xFFFFFC00] =	vst v14;
	v4 =	vld.idx.msk [tilespmem:v15+s15+$0x0], $0xffff  }
0x150: {  	s22 =	simm.s32 $0x0;
	s23 =	simm.s32 $0xC5A;
	[tilespmem:s21+$0xFFFFFE00] =	vst v6;
	v6 =	vld.idx.msk [tilespmem:v13+s15+$0x0], $0xffff  }
.LBB2_14:
0x151: {  	s24 =	sadd.s32 $0xFFFFFA6C, s23;
	s25 =	sadd.s32 $0xFFFFFF9A, s23;
	v11 =	vadd.s32 s23, v0;
	s22 =	sadd.s32 $0x10, s22;
	[tilespmem:s21+$0xFFFFFE80] =	vst v10;
	v10 =	vld.idx.msk [tilespmem:v5+s15+$0x0], $0xffff  }
0x152: {  	s26 =	sadd.s32 $0xFFFFFB38, s23;
	v12 =	vadd.s32 s24, v0;
	s24 =	sadd.s32 $0xFFFFFAD2, s23;
	v13 =	vadd.s32 s25, v0;
	p0 =	slt.u32 s22, $0x30;
	[tilespmem:s21+$0xFFFFFF00] =	vst v9;
	v9 =	vld.idx.msk [tilespmem:v3+s15+$0x0], $0xffff  }
0x153: {  	v15 =	vadd.s32 s26, v0;
	s25 =	sadd.s32 $0xFFFFFC04, s23;
	s26 =	sadd.s32 $0xFFFFFC6A, s23;
	v14 =	vadd.s32 s24, v0;
	s24 =	sadd.s32 $0xFFFFFB9E, s23;
	[tilespmem:s21+$0xFFFFFF80] =	vst v8;
	v8 =	vld.idx.msk [tilespmem:v2+s15+$0x0], $0xffff  }
0x154: {  	v17 =	vadd.s32 s25, v0;
	v18 =	vadd.s32 s26, v0;
	s25 =	sadd.s32 $0xFFFFFD36, s23;
	s26 =	sadd.s32 $0xFFFFFD9C, s23;
	v16 =	vadd.s32 s24, v0;
	s24 =	sadd.s32 $0xFFFFFCD0, s23;
	[tilespmem:s21+$0x0] =	vst v7  }
0x155: {  	v19 =	vadd.s32 s25, v0;
	v20 =	vadd.s32 s26, v0;
	s25 =	sadd.s32 $0xFFFFFE68, s23;
	s26 =	sadd.s32 $0xFFFFFECE, s23;
	v7 =	vadd.s32 s24, v0;
	s24 =	sadd.s32 $0xFFFFFE02, s23;
	[tilespmem:s21+$0x80] =	vst v6  }
0x156: {  	s28 =	sadd.s32 $0xFFFFFA06, s23;
	v5 =	vadd.s32 s25, v0;
	v3 =	vadd.s32 s26, v0;
	v21 =	vadd.s32 s24, v0;
	s24 =	sadd.s32 $0xFFFFFF34, s23;
	v6 =	vld.idx.msk [tilespmem:v11+s15+$0x0], $0xffff  }
0x157: {  	v11 =	vadd.s32 s28, v0;
	v2 =	vadd.s32 s24, v0;
	v13 =	vld.idx.msk [tilespmem:v13+s15+$0x0], $0xffff;
	[tilespmem:s21+$0x100] =	vst v4  }
0x158: {  	v4 =	vld.idx.msk [tilespmem:v12+s15+$0x0], $0xffff;
	[tilespmem:s21+$0x180] =	vst v10  }
0x159: {  	v12 =	vld.idx.msk [tilespmem:v14+s15+$0x0], $0xffff;
	[tilespmem:s21+$0x200] =	vst v9  }
0x15a: {  	v14 =	vld.idx.msk [tilespmem:v15+s15+$0x0], $0xffff;
	[tilespmem:s21+$0x280] =	vst v8  }
0x15b: {  	v15 =	vld.idx.msk [tilespmem:v16+s15+$0x0], $0xffff;
	[tilespmem:s21+$0x380] =	vst v1  }
0x15c: {  	s21 =	sadd.s32 $0x800, s21;
	v1 =	vmov v6;
	v11 =	vld.idx.msk [tilespmem:v11+s15+$0x0], $0xffff  }
0x15d: {  	v10 =	vld.idx.msk [tilespmem:v17+s15+$0x0], $0xffff;
	[tilespmem:s21+$0x300] =	vst v13  }
.Ltmp6:
0x15e: {  	[tilespmem:s21+$0xFFFFFC80] =	vst v4;
	v9 =	vld.idx.msk [tilespmem:v18+s15+$0x0], $0xffff;
	(pc) =	sbr.rel @p0 .LBB2_14-.Ltmp6, $4  }
0x15f: {  	[tilespmem:s21+$0xFFFFFD00] =	vst v12;
	v8 =	vld.idx.msk [tilespmem:v7+s15+$0x0], $0xffff  }
0x160: {  	[tilespmem:s21+$0xFFFFFD80] =	vst v14;
	v7 =	vld.idx.msk [tilespmem:v19+s15+$0x0], $0xffff  }
0x161: {  	[tilespmem:s21+$0xFFFFFE00] =	vst v15;
	v6 =	vld.idx.msk [tilespmem:v20+s15+$0x0], $0xffff  }
0x162: {  	s23 =	sadd.s32 $0x660, s23;
	[tilespmem:s21+$0xFFFFFC00] =	vst v11;
	v4 =	vld.idx.msk [tilespmem:v21+s15+$0x0], $0xffff  }
0x163: {  	_ =	sdelay $0x1  }
0x164: {  	[tilespmem:s21+$0xFFFFFE80] =	vst v10  }
0x165: {  	[tilespmem:s21+$0xFFFFFF00] =	vst v9  }
0x166: {  	v0 =	vld.idx.msk [tilespmem:v5+s15+$0x0], $0xffff;
	[tilespmem:s21+$0x380] =	vst v1  }
0x167: {  	v3 =	vld.idx.msk [tilespmem:v3+s15+$0x0], $0xffff;
	[tilespmem:s21+$0xFFFFFF80] =	vst v8  }
0x168: {  	v2 =	vld.idx.msk [tilespmem:v2+s15+$0x0], $0xffff;
	[tilespmem:s21+$0x0] =	vst v7  }
0x169: {  	[tilespmem:s21+$0x80] =	vst v6  }
0x16a: {  	[tilespmem:s21+$0x100] =	vst v4  }
0x16b: {  	[tilespmem:s21+$0x180] =	vst v0  }
0x16c: {  	[tilespmem:s21+$0x200] =	vst v3  }
0x16d: {  	[tilespmem:s21+$0x280] =	vst v2  }
0x16e: {  	v0 =	vld [tilespmem:$0x70];
	_ =	sdelay $0x3  }
0x16f: {  	s28 =	simm.s32 $0x5FA  }
0x170: {  	s22 =	simm.s32 $0x594;
	v1 =	vadd.s32 s28, v0  }
0x171: {  	s29 =	simm.s32 $0x66;
	v2 =	vadd.s32 s22, v0  }
0x172: {  	s31 =	simm.s32 $0x132;
	v3 =	vadd.s32 s29, v0  }
0x173: {  	s30 =	simm.s32 $0xCC;
	v5 =	vadd.s32 s31, v0  }
0x174: {  	s23 =	simm.s32 $0x0;
	v4 =	vadd.s32 s30, v0  }
0x175: {  	s24 =	simm.s32 $0x1FE;
	v7 =	vadd.s32 s23, v0;
	v1 =	vld.idx.msk [tilespmem:v1+s15+$0x0], $0xffff  }
0x176: {  	s22 =	simm.s32 $0x198;
	v8 =	vadd.s32 s24, v0;
	v2 =	vld.idx.msk [tilespmem:v2+s15+$0x0], $0xffff  }
0x177: {  	s25 =	simm.s32 $0x264;
	v6 =	vadd.s32 s22, v0;
	v3 =	vld.idx.msk [tilespmem:v3+s15+$0x0], $0xffff  }
0x178: {  	s26 =	simm.s32 $0x2CA;
	v9 =	vadd.s32 s25, v0;
	v5 =	vld.idx.msk [tilespmem:v5+s15+$0x0], $0xffff  }
0x179: {  	s28 =	simm.s32 $0x330;
	v11 =	vadd.s32 s26, v0;
	v4 =	vld.idx.msk [tilespmem:v4+s15+$0x0], $0xffff  }
0x17a: {  	s29 =	simm.s32 $0x3FC;
	v12 =	vadd.s32 s28, v0;
	v14 =	vld.idx.msk [tilespmem:v7+s15+$0x0], $0xffff  }
0x17b: {  	s21 =	simm.s32 $0x51F0;
	s23 =	simm.s32 $0x396;
	v15 =	vadd.s32 s29, v0;
	v10 =	vld.idx.msk [tilespmem:v8+s15+$0x0], $0xffff  }
0x17c: {  	s30 =	simm.s32 $0x462;
	v13 =	vadd.s32 s23, v0;
	v6 =	vld.idx.msk [tilespmem:v6+s15+$0x0], $0xffff;
	[tilespmem:s21+$0x300] =	vst v2  }
0x17d: {  	s31 =	simm.s32 $0x4C8;
	v9 =	vld.idx.msk [tilespmem:v9+s15+$0x0], $0xffff;
	[tilespmem:s21+$0xFFFFFD80] =	vst v5;
	v5 =	vadd.s32 s30, v0  }
0x17e: {  	s24 =	simm.s32 $0x52E;
	v8 =	vld.idx.msk [tilespmem:v11+s15+$0x0], $0xffff;
	[tilespmem:s21+$0xFFFFFC80] =	vst v3;
	v3 =	vadd.s32 s31, v0  }
0x17f: {  	v7 =	vld.idx.msk [tilespmem:v12+s15+$0x0], $0xffff;
	[tilespmem:s21+$0xFFFFFD00] =	vst v4;
	v2 =	vadd.s32 s24, v0  }
0x180: {  	[tilespmem:s21+$0xFFFFFC00] =	vst v14;
	v4 =	vld.idx.msk [tilespmem:v15+s15+$0x0], $0xffff  }
0x181: {  	s22 =	simm.s32 $0x0;
	s23 =	simm.s32 $0xC5A;
	[tilespmem:s21+$0xFFFFFE00] =	vst v6;
	v6 =	vld.idx.msk [tilespmem:v13+s15+$0x0], $0xffff  }
.LBB2_16:
0x182: {  	s24 =	sadd.s32 $0xFFFFFA6C, s23;
	s25 =	sadd.s32 $0xFFFFFF9A, s23;
	v11 =	vadd.s32 s23, v0;
	s22 =	sadd.s32 $0x10, s22;
	[tilespmem:s21+$0xFFFFFE80] =	vst v10;
	v10 =	vld.idx.msk [tilespmem:v5+s15+$0x0], $0xffff  }
0x183: {  	s26 =	sadd.s32 $0xFFFFFB38, s23;
	v12 =	vadd.s32 s24, v0;
	s24 =	sadd.s32 $0xFFFFFAD2, s23;
	v13 =	vadd.s32 s25, v0;
	p0 =	slt.u32 s22, $0x30;
	[tilespmem:s21+$0xFFFFFF00] =	vst v9;
	v9 =	vld.idx.msk [tilespmem:v3+s15+$0x0], $0xffff  }
0x184: {  	v15 =	vadd.s32 s26, v0;
	s25 =	sadd.s32 $0xFFFFFC04, s23;
	s26 =	sadd.s32 $0xFFFFFC6A, s23;
	v14 =	vadd.s32 s24, v0;
	s24 =	sadd.s32 $0xFFFFFB9E, s23;
	[tilespmem:s21+$0xFFFFFF80] =	vst v8;
	v8 =	vld.idx.msk [tilespmem:v2+s15+$0x0], $0xffff  }
0x185: {  	v17 =	vadd.s32 s25, v0;
	v18 =	vadd.s32 s26, v0;
	s25 =	sadd.s32 $0xFFFFFD36, s23;
	s26 =	sadd.s32 $0xFFFFFD9C, s23;
	v16 =	vadd.s32 s24, v0;
	s24 =	sadd.s32 $0xFFFFFCD0, s23;
	[tilespmem:s21+$0x0] =	vst v7  }
0x186: {  	v19 =	vadd.s32 s25, v0;
	v20 =	vadd.s32 s26, v0;
	s25 =	sadd.s32 $0xFFFFFE68, s23;
	s26 =	sadd.s32 $0xFFFFFECE, s23;
	v7 =	vadd.s32 s24, v0;
	s24 =	sadd.s32 $0xFFFFFE02, s23;
	[tilespmem:s21+$0x80] =	vst v6  }
0x187: {  	s28 =	sadd.s32 $0xFFFFFA06, s23;
	v5 =	vadd.s32 s25, v0;
	v3 =	vadd.s32 s26, v0;
	v21 =	vadd.s32 s24, v0;
	s24 =	sadd.s32 $0xFFFFFF34, s23;
	v6 =	vld.idx.msk [tilespmem:v11+s15+$0x0], $0xffff  }
0x188: {  	v11 =	vadd.s32 s28, v0;
	v2 =	vadd.s32 s24, v0;
	v13 =	vld.idx.msk [tilespmem:v13+s15+$0x0], $0xffff;
	[tilespmem:s21+$0x100] =	vst v4  }
0x189: {  	v4 =	vld.idx.msk [tilespmem:v12+s15+$0x0], $0xffff;
	[tilespmem:s21+$0x180] =	vst v10  }
0x18a: {  	v12 =	vld.idx.msk [tilespmem:v14+s15+$0x0], $0xffff;
	[tilespmem:s21+$0x200] =	vst v9  }
0x18b: {  	v14 =	vld.idx.msk [tilespmem:v15+s15+$0x0], $0xffff;
	[tilespmem:s21+$0x280] =	vst v8  }
0x18c: {  	v15 =	vld.idx.msk [tilespmem:v16+s15+$0x0], $0xffff;
	[tilespmem:s21+$0x380] =	vst v1  }
0x18d: {  	s21 =	sadd.s32 $0x800, s21;
	v1 =	vmov v6;
	v11 =	vld.idx.msk [tilespmem:v11+s15+$0x0], $0xffff  }
0x18e: {  	v10 =	vld.idx.msk [tilespmem:v17+s15+$0x0], $0xffff;
	[tilespmem:s21+$0x300] =	vst v13  }
.Ltmp7:
0x18f: {  	[tilespmem:s21+$0xFFFFFC80] =	vst v4;
	v9 =	vld.idx.msk [tilespmem:v18+s15+$0x0], $0xffff;
	(pc) =	sbr.rel @p0 .LBB2_16-.Ltmp7, $4  }
0x190: {  	[tilespmem:s21+$0xFFFFFD00] =	vst v12;
	v8 =	vld.idx.msk [tilespmem:v7+s15+$0x0], $0xffff  }
0x191: {  	[tilespmem:s21+$0xFFFFFD80] =	vst v14;
	v7 =	vld.idx.msk [tilespmem:v19+s15+$0x0], $0xffff  }
0x192: {  	[tilespmem:s21+$0xFFFFFE00] =	vst v15;
	v6 =	vld.idx.msk [tilespmem:v20+s15+$0x0], $0xffff  }
0x193: {  	s23 =	sadd.s32 $0x660, s23;
	[tilespmem:s21+$0xFFFFFC00] =	vst v11;
	v4 =	vld.idx.msk [tilespmem:v21+s15+$0x0], $0xffff  }
0x194: {  	_ =	sdelay $0x1  }
0x195: {  	[tilespmem:s21+$0xFFFFFE80] =	vst v10  }
0x196: {  	[tilespmem:s21+$0xFFFFFF00] =	vst v9  }
0x197: {  	v0 =	vld.idx.msk [tilespmem:v5+s15+$0x0], $0xffff;
	[tilespmem:s21+$0x380] =	vst v1  }
0x198: {  	v3 =	vld.idx.msk [tilespmem:v3+s15+$0x0], $0xffff;
	[tilespmem:s21+$0xFFFFFF80] =	vst v8  }
0x199: {  	v2 =	vld.idx.msk [tilespmem:v2+s15+$0x0], $0xffff;
	[tilespmem:s21+$0x0] =	vst v7  }
0x19a: {  	[tilespmem:s21+$0x80] =	vst v6  }
0x19b: {  	[tilespmem:s21+$0x100] =	vst v4  }
0x19c: {  	[tilespmem:s21+$0x180] =	vst v0  }
0x19d: {  	[tilespmem:s21+$0x200] =	vst v3  }
0x19e: {  	[tilespmem:s21+$0x280] =	vst v2  }
0x19f: {  	[hbm4b:s8+s11] =	stream.strided.scatter [tilespmem:s16], [sflag:$0x1], $0x2000, s12, s11, $0x38;
	[tilespmem:$0x8D80] =	vst v63  }
0x1a0: {  	v0 =	vld [tilespmem:$0x80];
	_ =	sdelay $0x3  }
0x1a1: {  	s28 =	simm.s32 $0x5FA  }
0x1a2: {  	s22 =	simm.s32 $0x594;
	v1 =	vadd.s32 s28, v0  }
0x1a3: {  	s29 =	simm.s32 $0x66;
	v2 =	vadd.s32 s22, v0  }
0x1a4: {  	s31 =	simm.s32 $0x132;
	v3 =	vadd.s32 s29, v0  }
0x1a5: {  	s30 =	simm.s32 $0xCC;
	v5 =	vadd.s32 s31, v0  }
0x1a6: {  	s23 =	simm.s32 $0x0;
	v4 =	vadd.s32 s30, v0  }
0x1a7: {  	s24 =	simm.s32 $0x1FE;
	v7 =	vadd.s32 s23, v0;
	v1 =	vld.idx.msk [tilespmem:v1+s15+$0x0], $0xffff  }
0x1a8: {  	s22 =	simm.s32 $0x198;
	v8 =	vadd.s32 s24, v0;
	v2 =	vld.idx.msk [tilespmem:v2+s15+$0x0], $0xffff  }
0x1a9: {  	s25 =	simm.s32 $0x264;
	v6 =	vadd.s32 s22, v0;
	v3 =	vld.idx.msk [tilespmem:v3+s15+$0x0], $0xffff  }
0x1aa: {  	s26 =	simm.s32 $0x2CA;
	v9 =	vadd.s32 s25, v0;
	v5 =	vld.idx.msk [tilespmem:v5+s15+$0x0], $0xffff  }
0x1ab: {  	s28 =	simm.s32 $0x330;
	v11 =	vadd.s32 s26, v0;
	v4 =	vld.idx.msk [tilespmem:v4+s15+$0x0], $0xffff  }
0x1ac: {  	s29 =	simm.s32 $0x3FC;
	v12 =	vadd.s32 s28, v0;
	v14 =	vld.idx.msk [tilespmem:v7+s15+$0x0], $0xffff  }
0x1ad: {  	s21 =	simm.s32 $0x7180;
	s23 =	simm.s32 $0x396;
	v15 =	vadd.s32 s29, v0;
	v10 =	vld.idx.msk [tilespmem:v8+s15+$0x0], $0xffff  }
0x1ae: {  	s30 =	simm.s32 $0x462;
	v13 =	vadd.s32 s23, v0;
	v6 =	vld.idx.msk [tilespmem:v6+s15+$0x0], $0xffff;
	[tilespmem:s21+$0x300] =	vst v2  }
0x1af: {  	s31 =	simm.s32 $0x4C8;
	v9 =	vld.idx.msk [tilespmem:v9+s15+$0x0], $0xffff;
	[tilespmem:s21+$0xFFFFFD80] =	vst v5;
	v5 =	vadd.s32 s30, v0  }
0x1b0: {  	s24 =	simm.s32 $0x52E;
	v8 =	vld.idx.msk [tilespmem:v11+s15+$0x0], $0xffff;
	[tilespmem:s21+$0xFFFFFC80] =	vst v3;
	v3 =	vadd.s32 s31, v0  }
0x1b1: {  	v7 =	vld.idx.msk [tilespmem:v12+s15+$0x0], $0xffff;
	[tilespmem:s21+$0xFFFFFD00] =	vst v4;
	v2 =	vadd.s32 s24, v0  }
0x1b2: {  	[tilespmem:s21+$0xFFFFFC00] =	vst v14;
	v4 =	vld.idx.msk [tilespmem:v15+s15+$0x0], $0xffff  }
0x1b3: {  	s22 =	simm.s32 $0x0;
	s23 =	simm.s32 $0xC5A;
	[tilespmem:s21+$0xFFFFFE00] =	vst v6;
	v6 =	vld.idx.msk [tilespmem:v13+s15+$0x0], $0xffff  }
.LBB2_18:
0x1b4: {  	s24 =	sadd.s32 $0xFFFFFA6C, s23;
	s25 =	sadd.s32 $0xFFFFFF9A, s23;
	v11 =	vadd.s32 s23, v0;
	s22 =	sadd.s32 $0x10, s22;
	[tilespmem:s21+$0xFFFFFE80] =	vst v10;
	v10 =	vld.idx.msk [tilespmem:v5+s15+$0x0], $0xffff  }
0x1b5: {  	s26 =	sadd.s32 $0xFFFFFB38, s23;
	v12 =	vadd.s32 s24, v0;
	s24 =	sadd.s32 $0xFFFFFAD2, s23;
	v13 =	vadd.s32 s25, v0;
	p0 =	slt.u32 s22, $0x30;
	[tilespmem:s21+$0xFFFFFF00] =	vst v9;
	v9 =	vld.idx.msk [tilespmem:v3+s15+$0x0], $0xffff  }
0x1b6: {  	v15 =	vadd.s32 s26, v0;
	s25 =	sadd.s32 $0xFFFFFC04, s23;
	s26 =	sadd.s32 $0xFFFFFC6A, s23;
	v14 =	vadd.s32 s24, v0;
	s24 =	sadd.s32 $0xFFFFFB9E, s23;
	[tilespmem:s21+$0xFFFFFF80] =	vst v8;
	v8 =	vld.idx.msk [tilespmem:v2+s15+$0x0], $0xffff  }
0x1b7: {  	v17 =	vadd.s32 s25, v0;
	v18 =	vadd.s32 s26, v0;
	s25 =	sadd.s32 $0xFFFFFD36, s23;
	s26 =	sadd.s32 $0xFFFFFD9C, s23;
	v16 =	vadd.s32 s24, v0;
	s24 =	sadd.s32 $0xFFFFFCD0, s23;
	[tilespmem:s21+$0x0] =	vst v7  }
0x1b8: {  	v19 =	vadd.s32 s25, v0;
	v20 =	vadd.s32 s26, v0;
	s25 =	sadd.s32 $0xFFFFFE68, s23;
	s26 =	sadd.s32 $0xFFFFFECE, s23;
	v7 =	vadd.s32 s24, v0;
	s24 =	sadd.s32 $0xFFFFFE02, s23;
	[tilespmem:s21+$0x80] =	vst v6  }
0x1b9: {  	s28 =	sadd.s32 $0xFFFFFA06, s23;
	v5 =	vadd.s32 s25, v0;
	v3 =	vadd.s32 s26, v0;
	v21 =	vadd.s32 s24, v0;
	s24 =	sadd.s32 $0xFFFFFF34, s23;
	v6 =	vld.idx.msk [tilespmem:v11+s15+$0x0], $0xffff  }
0x1ba: {  	v11 =	vadd.s32 s28, v0;
	v2 =	vadd.s32 s24, v0;
	v13 =	vld.idx.msk [tilespmem:v13+s15+$0x0], $0xffff;
	[tilespmem:s21+$0x100] =	vst v4  }
0x1bb: {  	v4 =	vld.idx.msk [tilespmem:v12+s15+$0x0], $0xffff;
	[tilespmem:s21+$0x180] =	vst v10  }
0x1bc: {  	v12 =	vld.idx.msk [tilespmem:v14+s15+$0x0], $0xffff;
	[tilespmem:s21+$0x200] =	vst v9  }
0x1bd: {  	v14 =	vld.idx.msk [tilespmem:v15+s15+$0x0], $0xffff;
	[tilespmem:s21+$0x280] =	vst v8  }
0x1be: {  	v15 =	vld.idx.msk [tilespmem:v16+s15+$0x0], $0xffff;
	[tilespmem:s21+$0x380] =	vst v1  }
0x1bf: {  	s21 =	sadd.s32 $0x800, s21;
	v1 =	vmov v6;
	v11 =	vld.idx.msk [tilespmem:v11+s15+$0x0], $0xffff  }
0x1c0: {  	v10 =	vld.idx.msk [tilespmem:v17+s15+$0x0], $0xffff;
	[tilespmem:s21+$0x300] =	vst v13  }
.Ltmp8:
0x1c1: {  	[tilespmem:s21+$0xFFFFFC80] =	vst v4;
	v9 =	vld.idx.msk [tilespmem:v18+s15+$0x0], $0xffff;
	(pc) =	sbr.rel @p0 .LBB2_18-.Ltmp8, $4  }
0x1c2: {  	[tilespmem:s21+$0xFFFFFD00] =	vst v12;
	v8 =	vld.idx.msk [tilespmem:v7+s15+$0x0], $0xffff  }
0x1c3: {  	[tilespmem:s21+$0xFFFFFD80] =	vst v14;
	v7 =	vld.idx.msk [tilespmem:v19+s15+$0x0], $0xffff  }
0x1c4: {  	[tilespmem:s21+$0xFFFFFE00] =	vst v15;
	v6 =	vld.idx.msk [tilespmem:v20+s15+$0x0], $0xffff  }
0x1c5: {  	s23 =	sadd.s32 $0x660, s23;
	[tilespmem:s21+$0xFFFFFC00] =	vst v11;
	v4 =	vld.idx.msk [tilespmem:v21+s15+$0x0], $0xffff  }
0x1c6: {  	_ =	sdelay $0x1  }
0x1c7: {  	[tilespmem:s21+$0xFFFFFE80] =	vst v10  }
0x1c8: {  	[tilespmem:s21+$0xFFFFFF00] =	vst v9  }
0x1c9: {  	v0 =	vld.idx.msk [tilespmem:v5+s15+$0x0], $0xffff;
	[tilespmem:s21+$0x380] =	vst v1  }
0x1ca: {  	v3 =	vld.idx.msk [tilespmem:v3+s15+$0x0], $0xffff;
	[tilespmem:s21+$0xFFFFFF80] =	vst v8  }
0x1cb: {  	v2 =	vld.idx.msk [tilespmem:v2+s15+$0x0], $0xffff;
	[tilespmem:s21+$0x0] =	vst v7  }
0x1cc: {  	[tilespmem:s21+$0x80] =	vst v6  }
0x1cd: {  	[tilespmem:s21+$0x100] =	vst v4  }
0x1ce: {  	[tilespmem:s21+$0x180] =	vst v0  }
0x1cf: {  	[tilespmem:s21+$0x200] =	vst v3  }
0x1d0: {  	[tilespmem:s21+$0x280] =	vst v2  }
0x1d1: {  	v0 =	vld [tilespmem:$0x90];
	_ =	sdelay $0x3  }
0x1d2: {  	s28 =	simm.s32 $0x5FA  }
0x1d3: {  	s22 =	simm.s32 $0x594;
	v1 =	vadd.s32 s28, v0  }
0x1d4: {  	s29 =	simm.s32 $0x66;
	v2 =	vadd.s32 s22, v0  }
0x1d5: {  	s31 =	simm.s32 $0x132;
	v3 =	vadd.s32 s29, v0  }
0x1d6: {  	s30 =	simm.s32 $0xCC;
	v5 =	vadd.s32 s31, v0  }
0x1d7: {  	s23 =	simm.s32 $0x0;
	v4 =	vadd.s32 s30, v0  }
0x1d8: {  	s24 =	simm.s32 $0x1FE;
	v7 =	vadd.s32 s23, v0;
	v1 =	vld.idx.msk [tilespmem:v1+s15+$0x0], $0xffff  }
0x1d9: {  	s22 =	simm.s32 $0x198;
	v8 =	vadd.s32 s24, v0;
	v2 =	vld.idx.msk [tilespmem:v2+s15+$0x0], $0xffff  }
0x1da: {  	s25 =	simm.s32 $0x264;
	v6 =	vadd.s32 s22, v0;
	v3 =	vld.idx.msk [tilespmem:v3+s15+$0x0], $0xffff  }
0x1db: {  	s26 =	simm.s32 $0x2CA;
	v9 =	vadd.s32 s25, v0;
	v5 =	vld.idx.msk [tilespmem:v5+s15+$0x0], $0xffff  }
0x1dc: {  	s28 =	simm.s32 $0x330;
	v11 =	vadd.s32 s26, v0;
	v4 =	vld.idx.msk [tilespmem:v4+s15+$0x0], $0xffff  }
0x1dd: {  	s29 =	simm.s32 $0x3FC;
	v12 =	vadd.s32 s28, v0;
	v14 =	vld.idx.msk [tilespmem:v7+s15+$0x0], $0xffff  }
0x1de: {  	s21 =	simm.s32 $0x7190;
	s23 =	simm.s32 $0x396;
	v15 =	vadd.s32 s29, v0;
	v10 =	vld.idx.msk [tilespmem:v8+s15+$0x0], $0xffff  }
0x1df: {  	s30 =	simm.s32 $0x462;
	v13 =	vadd.s32 s23, v0;
	v6 =	vld.idx.msk [tilespmem:v6+s15+$0x0], $0xffff;
	[tilespmem:s21+$0x300] =	vst v2  }
0x1e0: {  	s31 =	simm.s32 $0x4C8;
	v9 =	vld.idx.msk [tilespmem:v9+s15+$0x0], $0xffff;
	[tilespmem:s21+$0xFFFFFD80] =	vst v5;
	v5 =	vadd.s32 s30, v0  }
0x1e1: {  	s24 =	simm.s32 $0x52E;
	v8 =	vld.idx.msk [tilespmem:v11+s15+$0x0], $0xffff;
	[tilespmem:s21+$0xFFFFFC80] =	vst v3;
	v3 =	vadd.s32 s31, v0  }
0x1e2: {  	v7 =	vld.idx.msk [tilespmem:v12+s15+$0x0], $0xffff;
	[tilespmem:s21+$0xFFFFFD00] =	vst v4;
	v2 =	vadd.s32 s24, v0  }
0x1e3: {  	[tilespmem:s21+$0xFFFFFC00] =	vst v14;
	v4 =	vld.idx.msk [tilespmem:v15+s15+$0x0], $0xffff  }
0x1e4: {  	s22 =	simm.s32 $0x0;
	s23 =	simm.s32 $0xC5A;
	[tilespmem:s21+$0xFFFFFE00] =	vst v6;
	v6 =	vld.idx.msk [tilespmem:v13+s15+$0x0], $0xffff  }
.LBB2_20:
0x1e5: {  	s24 =	sadd.s32 $0xFFFFFA6C, s23;
	s25 =	sadd.s32 $0xFFFFFF9A, s23;
	v11 =	vadd.s32 s23, v0;
	s22 =	sadd.s32 $0x10, s22;
	[tilespmem:s21+$0xFFFFFE80] =	vst v10;
	v10 =	vld.idx.msk [tilespmem:v5+s15+$0x0], $0xffff  }
0x1e6: {  	s26 =	sadd.s32 $0xFFFFFB38, s23;
	v12 =	vadd.s32 s24, v0;
	s24 =	sadd.s32 $0xFFFFFAD2, s23;
	v13 =	vadd.s32 s25, v0;
	p0 =	slt.u32 s22, $0x30;
	[tilespmem:s21+$0xFFFFFF00] =	vst v9;
	v9 =	vld.idx.msk [tilespmem:v3+s15+$0x0], $0xffff  }
0x1e7: {  	v15 =	vadd.s32 s26, v0;
	s25 =	sadd.s32 $0xFFFFFC04, s23;
	s26 =	sadd.s32 $0xFFFFFC6A, s23;
	v14 =	vadd.s32 s24, v0;
	s24 =	sadd.s32 $0xFFFFFB9E, s23;
	[tilespmem:s21+$0xFFFFFF80] =	vst v8;
	v8 =	vld.idx.msk [tilespmem:v2+s15+$0x0], $0xffff  }
0x1e8: {  	v17 =	vadd.s32 s25, v0;
	v18 =	vadd.s32 s26, v0;
	s25 =	sadd.s32 $0xFFFFFD36, s23;
	s26 =	sadd.s32 $0xFFFFFD9C, s23;
	v16 =	vadd.s32 s24, v0;
	s24 =	sadd.s32 $0xFFFFFCD0, s23;
	[tilespmem:s21+$0x0] =	vst v7  }
0x1e9: {  	v19 =	vadd.s32 s25, v0;
	v20 =	vadd.s32 s26, v0;
	s25 =	sadd.s32 $0xFFFFFE68, s23;
	s26 =	sadd.s32 $0xFFFFFECE, s23;
	v7 =	vadd.s32 s24, v0;
	s24 =	sadd.s32 $0xFFFFFE02, s23;
	[tilespmem:s21+$0x80] =	vst v6  }
0x1ea: {  	s28 =	sadd.s32 $0xFFFFFA06, s23;
	v5 =	vadd.s32 s25, v0;
	v3 =	vadd.s32 s26, v0;
	v21 =	vadd.s32 s24, v0;
	s24 =	sadd.s32 $0xFFFFFF34, s23;
	v6 =	vld.idx.msk [tilespmem:v11+s15+$0x0], $0xffff  }
0x1eb: {  	v11 =	vadd.s32 s28, v0;
	v2 =	vadd.s32 s24, v0;
	v13 =	vld.idx.msk [tilespmem:v13+s15+$0x0], $0xffff;
	[tilespmem:s21+$0x100] =	vst v4  }
0x1ec: {  	v4 =	vld.idx.msk [tilespmem:v12+s15+$0x0], $0xffff;
	[tilespmem:s21+$0x180] =	vst v10  }
0x1ed: {  	v12 =	vld.idx.msk [tilespmem:v14+s15+$0x0], $0xffff;
	[tilespmem:s21+$0x200] =	vst v9  }
0x1ee: {  	v14 =	vld.idx.msk [tilespmem:v15+s15+$0x0], $0xffff;
	[tilespmem:s21+$0x280] =	vst v8  }
0x1ef: {  	v15 =	vld.idx.msk [tilespmem:v16+s15+$0x0], $0xffff;
	[tilespmem:s21+$0x380] =	vst v1  }
0x1f0: {  	s21 =	sadd.s32 $0x800, s21;
	v1 =	vmov v6;
	v11 =	vld.idx.msk [tilespmem:v11+s15+$0x0], $0xffff  }
0x1f1: {  	v10 =	vld.idx.msk [tilespmem:v17+s15+$0x0], $0xffff;
	[tilespmem:s21+$0x300] =	vst v13  }
.Ltmp9:
0x1f2: {  	[tilespmem:s21+$0xFFFFFC80] =	vst v4;
	v9 =	vld.idx.msk [tilespmem:v18+s15+$0x0], $0xffff;
	(pc) =	sbr.rel @p0 .LBB2_20-.Ltmp9, $4  }
0x1f3: {  	[tilespmem:s21+$0xFFFFFD00] =	vst v12;
	v8 =	vld.idx.msk [tilespmem:v7+s15+$0x0], $0xffff  }
0x1f4: {  	[tilespmem:s21+$0xFFFFFD80] =	vst v14;
	v7 =	vld.idx.msk [tilespmem:v19+s15+$0x0], $0xffff  }
0x1f5: {  	[tilespmem:s21+$0xFFFFFE00] =	vst v15;
	v6 =	vld.idx.msk [tilespmem:v20+s15+$0x0], $0xffff  }
0x1f6: {  	s23 =	sadd.s32 $0x660, s23;
	[tilespmem:s21+$0xFFFFFC00] =	vst v11;
	v4 =	vld.idx.msk [tilespmem:v21+s15+$0x0], $0xffff  }
0x1f7: {  	_ =	sdelay $0x1  }
0x1f8: {  	[tilespmem:s21+$0xFFFFFE80] =	vst v10  }
0x1f9: {  	[tilespmem:s21+$0xFFFFFF00] =	vst v9  }
0x1fa: {  	v0 =	vld.idx.msk [tilespmem:v5+s15+$0x0], $0xffff;
	[tilespmem:s21+$0x380] =	vst v1  }
0x1fb: {  	v3 =	vld.idx.msk [tilespmem:v3+s15+$0x0], $0xffff;
	[tilespmem:s21+$0xFFFFFF80] =	vst v8  }
0x1fc: {  	v2 =	vld.idx.msk [tilespmem:v2+s15+$0x0], $0xffff;
	[tilespmem:s21+$0x0] =	vst v7  }
0x1fd: {  	[tilespmem:s21+$0x80] =	vst v6  }
0x1fe: {  	[tilespmem:s21+$0x100] =	vst v4  }
0x1ff: {  	[tilespmem:s21+$0x180] =	vst v0  }
0x200: {  	[tilespmem:s21+$0x200] =	vst v3  }
0x201: {  	[tilespmem:s21+$0x280] =	vst v2  }
0x202: {  	v0 =	vld [tilespmem:$0xA0];
	_ =	sdelay $0x3  }
0x203: {  	s28 =	simm.s32 $0x5FA  }
0x204: {  	s22 =	simm.s32 $0x594;
	v1 =	vadd.s32 s28, v0  }
0x205: {  	s29 =	simm.s32 $0x66;
	v2 =	vadd.s32 s22, v0  }
0x206: {  	s31 =	simm.s32 $0x132;
	v3 =	vadd.s32 s29, v0  }
0x207: {  	s30 =	simm.s32 $0xCC;
	v5 =	vadd.s32 s31, v0  }
0x208: {  	s23 =	simm.s32 $0x0;
	v4 =	vadd.s32 s30, v0  }
0x209: {  	s24 =	simm.s32 $0x1FE;
	v7 =	vadd.s32 s23, v0;
	v1 =	vld.idx.msk [tilespmem:v1+s15+$0x0], $0xffff  }
0x20a: {  	s22 =	simm.s32 $0x198;
	v8 =	vadd.s32 s24, v0;
	v2 =	vld.idx.msk [tilespmem:v2+s15+$0x0], $0xffff  }
0x20b: {  	s25 =	simm.s32 $0x264;
	v6 =	vadd.s32 s22, v0;
	v3 =	vld.idx.msk [tilespmem:v3+s15+$0x0], $0xffff  }
0x20c: {  	s26 =	simm.s32 $0x2CA;
	v9 =	vadd.s32 s25, v0;
	v5 =	vld.idx.msk [tilespmem:v5+s15+$0x0], $0xffff  }
0x20d: {  	s28 =	simm.s32 $0x330;
	v11 =	vadd.s32 s26, v0;
	v4 =	vld.idx.msk [tilespmem:v4+s15+$0x0], $0xffff  }
0x20e: {  	s29 =	simm.s32 $0x3FC;
	v12 =	vadd.s32 s28, v0;
	v14 =	vld.idx.msk [tilespmem:v7+s15+$0x0], $0xffff  }
0x20f: {  	s21 =	simm.s32 $0x71A0;
	s23 =	simm.s32 $0x396;
	v15 =	vadd.s32 s29, v0;
	v10 =	vld.idx.msk [tilespmem:v8+s15+$0x0], $0xffff  }
0x210: {  	s30 =	simm.s32 $0x462;
	v13 =	vadd.s32 s23, v0;
	v6 =	vld.idx.msk [tilespmem:v6+s15+$0x0], $0xffff;
	[tilespmem:s21+$0x300] =	vst v2  }
0x211: {  	s31 =	simm.s32 $0x4C8;
	v9 =	vld.idx.msk [tilespmem:v9+s15+$0x0], $0xffff;
	[tilespmem:s21+$0xFFFFFD80] =	vst v5;
	v5 =	vadd.s32 s30, v0  }
0x212: {  	s24 =	simm.s32 $0x52E;
	v8 =	vld.idx.msk [tilespmem:v11+s15+$0x0], $0xffff;
	[tilespmem:s21+$0xFFFFFC80] =	vst v3;
	v3 =	vadd.s32 s31, v0  }
0x213: {  	v7 =	vld.idx.msk [tilespmem:v12+s15+$0x0], $0xffff;
	[tilespmem:s21+$0xFFFFFD00] =	vst v4;
	v2 =	vadd.s32 s24, v0  }
0x214: {  	[tilespmem:s21+$0xFFFFFC00] =	vst v14;
	v4 =	vld.idx.msk [tilespmem:v15+s15+$0x0], $0xffff  }
0x215: {  	s22 =	simm.s32 $0x0;
	s23 =	simm.s32 $0xC5A;
	[tilespmem:s21+$0xFFFFFE00] =	vst v6;
	v6 =	vld.idx.msk [tilespmem:v13+s15+$0x0], $0xffff  }
.LBB2_22:
0x216: {  	s24 =	sadd.s32 $0xFFFFFA6C, s23;
	s25 =	sadd.s32 $0xFFFFFF9A, s23;
	v11 =	vadd.s32 s23, v0;
	s22 =	sadd.s32 $0x10, s22;
	[tilespmem:s21+$0xFFFFFE80] =	vst v10;
	v10 =	vld.idx.msk [tilespmem:v5+s15+$0x0], $0xffff  }
0x217: {  	s26 =	sadd.s32 $0xFFFFFB38, s23;
	v12 =	vadd.s32 s24, v0;
	s24 =	sadd.s32 $0xFFFFFAD2, s23;
	v13 =	vadd.s32 s25, v0;
	p0 =	slt.u32 s22, $0x30;
	[tilespmem:s21+$0xFFFFFF00] =	vst v9;
	v9 =	vld.idx.msk [tilespmem:v3+s15+$0x0], $0xffff  }
0x218: {  	v15 =	vadd.s32 s26, v0;
	s25 =	sadd.s32 $0xFFFFFC04, s23;
	s26 =	sadd.s32 $0xFFFFFC6A, s23;
	v14 =	vadd.s32 s24, v0;
	s24 =	sadd.s32 $0xFFFFFB9E, s23;
	[tilespmem:s21+$0xFFFFFF80] =	vst v8;
	v8 =	vld.idx.msk [tilespmem:v2+s15+$0x0], $0xffff  }
0x219: {  	v17 =	vadd.s32 s25, v0;
	v18 =	vadd.s32 s26, v0;
	s25 =	sadd.s32 $0xFFFFFD36, s23;
	s26 =	sadd.s32 $0xFFFFFD9C, s23;
	v16 =	vadd.s32 s24, v0;
	s24 =	sadd.s32 $0xFFFFFCD0, s23;
	[tilespmem:s21+$0x0] =	vst v7  }
0x21a: {  	v19 =	vadd.s32 s25, v0;
	v20 =	vadd.s32 s26, v0;
	s25 =	sadd.s32 $0xFFFFFE68, s23;
	s26 =	sadd.s32 $0xFFFFFECE, s23;
	v7 =	vadd.s32 s24, v0;
	s24 =	sadd.s32 $0xFFFFFE02, s23;
	[tilespmem:s21+$0x80] =	vst v6  }
0x21b: {  	s28 =	sadd.s32 $0xFFFFFA06, s23;
	v5 =	vadd.s32 s25, v0;
	v3 =	vadd.s32 s26, v0;
	v21 =	vadd.s32 s24, v0;
	s24 =	sadd.s32 $0xFFFFFF34, s23;
	v6 =	vld.idx.msk [tilespmem:v11+s15+$0x0], $0xffff  }
0x21c: {  	v11 =	vadd.s32 s28, v0;
	v2 =	vadd.s32 s24, v0;
	v13 =	vld.idx.msk [tilespmem:v13+s15+$0x0], $0xffff;
	[tilespmem:s21+$0x100] =	vst v4  }
0x21d: {  	v4 =	vld.idx.msk [tilespmem:v12+s15+$0x0], $0xffff;
	[tilespmem:s21+$0x180] =	vst v10  }
0x21e: {  	v12 =	vld.idx.msk [tilespmem:v14+s15+$0x0], $0xffff;
	[tilespmem:s21+$0x200] =	vst v9  }
0x21f: {  	v14 =	vld.idx.msk [tilespmem:v15+s15+$0x0], $0xffff;
	[tilespmem:s21+$0x280] =	vst v8  }
0x220: {  	v15 =	vld.idx.msk [tilespmem:v16+s15+$0x0], $0xffff;
	[tilespmem:s21+$0x380] =	vst v1  }
0x221: {  	s21 =	sadd.s32 $0x800, s21;
	v1 =	vmov v6;
	v11 =	vld.idx.msk [tilespmem:v11+s15+$0x0], $0xffff  }
0x222: {  	v10 =	vld.idx.msk [tilespmem:v17+s15+$0x0], $0xffff;
	[tilespmem:s21+$0x300] =	vst v13  }
.Ltmp10:
0x223: {  	[tilespmem:s21+$0xFFFFFC80] =	vst v4;
	v9 =	vld.idx.msk [tilespmem:v18+s15+$0x0], $0xffff;
	(pc) =	sbr.rel @p0 .LBB2_22-.Ltmp10, $4  }
0x224: {  	[tilespmem:s21+$0xFFFFFD00] =	vst v12;
	v8 =	vld.idx.msk [tilespmem:v7+s15+$0x0], $0xffff  }
0x225: {  	[tilespmem:s21+$0xFFFFFD80] =	vst v14;
	v7 =	vld.idx.msk [tilespmem:v19+s15+$0x0], $0xffff  }
0x226: {  	[tilespmem:s21+$0xFFFFFE00] =	vst v15;
	v6 =	vld.idx.msk [tilespmem:v20+s15+$0x0], $0xffff  }
0x227: {  	s23 =	sadd.s32 $0x660, s23;
	[tilespmem:s21+$0xFFFFFC00] =	vst v11;
	v4 =	vld.idx.msk [tilespmem:v21+s15+$0x0], $0xffff  }
0x228: {  	_ =	sdelay $0x1  }
0x229: {  	[tilespmem:s21+$0xFFFFFE80] =	vst v10  }
0x22a: {  	[tilespmem:s21+$0xFFFFFF00] =	vst v9  }
0x22b: {  	v0 =	vld.idx.msk [tilespmem:v5+s15+$0x0], $0xffff;
	[tilespmem:s21+$0x380] =	vst v1  }
0x22c: {  	v3 =	vld.idx.msk [tilespmem:v3+s15+$0x0], $0xffff;
	[tilespmem:s21+$0xFFFFFF80] =	vst v8  }
0x22d: {  	v2 =	vld.idx.msk [tilespmem:v2+s15+$0x0], $0xffff;
	[tilespmem:s21+$0x0] =	vst v7  }
0x22e: {  	[tilespmem:s21+$0x80] =	vst v6  }
0x22f: {  	[tilespmem:s21+$0x100] =	vst v4  }
0x230: {  	[tilespmem:s21+$0x180] =	vst v0  }
0x231: {  	[tilespmem:s21+$0x200] =	vst v3  }
0x232: {  	[tilespmem:s21+$0x280] =	vst v2  }
0x233: {  	v0 =	vld [tilespmem:$0xB0];
	_ =	sdelay $0x3  }
0x234: {  	s28 =	simm.s32 $0x5FA  }
0x235: {  	s22 =	simm.s32 $0x594;
	v1 =	vadd.s32 s28, v0  }
0x236: {  	s29 =	simm.s32 $0x66;
	v2 =	vadd.s32 s22, v0  }
0x237: {  	s31 =	simm.s32 $0x132;
	v3 =	vadd.s32 s29, v0  }
0x238: {  	s30 =	simm.s32 $0xCC;
	v5 =	vadd.s32 s31, v0  }
0x239: {  	s23 =	simm.s32 $0x0;
	v4 =	vadd.s32 s30, v0  }
0x23a: {  	s24 =	simm.s32 $0x1FE;
	v7 =	vadd.s32 s23, v0;
	v1 =	vld.idx.msk [tilespmem:v1+s15+$0x0], $0xffff  }
0x23b: {  	s22 =	simm.s32 $0x198;
	v8 =	vadd.s32 s24, v0;
	v2 =	vld.idx.msk [tilespmem:v2+s15+$0x0], $0xffff  }
0x23c: {  	s25 =	simm.s32 $0x264;
	v6 =	vadd.s32 s22, v0;
	v3 =	vld.idx.msk [tilespmem:v3+s15+$0x0], $0xffff  }
0x23d: {  	s26 =	simm.s32 $0x2CA;
	v9 =	vadd.s32 s25, v0;
	v5 =	vld.idx.msk [tilespmem:v5+s15+$0x0], $0xffff  }
0x23e: {  	s28 =	simm.s32 $0x330;
	v11 =	vadd.s32 s26, v0;
	v4 =	vld.idx.msk [tilespmem:v4+s15+$0x0], $0xffff  }
0x23f: {  	s29 =	simm.s32 $0x3FC;
	v12 =	vadd.s32 s28, v0;
	v14 =	vld.idx.msk [tilespmem:v7+s15+$0x0], $0xffff  }
0x240: {  	s21 =	simm.s32 $0x71B0;
	s23 =	simm.s32 $0x396;
	v15 =	vadd.s32 s29, v0;
	v10 =	vld.idx.msk [tilespmem:v8+s15+$0x0], $0xffff  }
0x241: {  	s30 =	simm.s32 $0x462;
	v13 =	vadd.s32 s23, v0;
	v6 =	vld.idx.msk [tilespmem:v6+s15+$0x0], $0xffff;
	[tilespmem:s21+$0x300] =	vst v2  }
0x242: {  	s31 =	simm.s32 $0x4C8;
	v9 =	vld.idx.msk [tilespmem:v9+s15+$0x0], $0xffff;
	[tilespmem:s21+$0xFFFFFD80] =	vst v5;
	v5 =	vadd.s32 s30, v0  }
0x243: {  	s24 =	simm.s32 $0x52E;
	v8 =	vld.idx.msk [tilespmem:v11+s15+$0x0], $0xffff;
	[tilespmem:s21+$0xFFFFFC80] =	vst v3;
	v3 =	vadd.s32 s31, v0  }
0x244: {  	v7 =	vld.idx.msk [tilespmem:v12+s15+$0x0], $0xffff;
	[tilespmem:s21+$0xFFFFFD00] =	vst v4;
	v2 =	vadd.s32 s24, v0  }
0x245: {  	[tilespmem:s21+$0xFFFFFC00] =	vst v14;
	v4 =	vld.idx.msk [tilespmem:v15+s15+$0x0], $0xffff  }
0x246: {  	s22 =	simm.s32 $0x0;
	s23 =	simm.s32 $0xC5A;
	[tilespmem:s21+$0xFFFFFE00] =	vst v6;
	v6 =	vld.idx.msk [tilespmem:v13+s15+$0x0], $0xffff  }
.LBB2_24:
0x247: {  	s24 =	sadd.s32 $0xFFFFFA6C, s23;
	s25 =	sadd.s32 $0xFFFFFF9A, s23;
	v11 =	vadd.s32 s23, v0;
	s22 =	sadd.s32 $0x10, s22;
	[tilespmem:s21+$0xFFFFFE80] =	vst v10;
	v10 =	vld.idx.msk [tilespmem:v5+s15+$0x0], $0xffff  }
0x248: {  	s26 =	sadd.s32 $0xFFFFFB38, s23;
	v12 =	vadd.s32 s24, v0;
	s24 =	sadd.s32 $0xFFFFFAD2, s23;
	v13 =	vadd.s32 s25, v0;
	p0 =	slt.u32 s22, $0x30;
	[tilespmem:s21+$0xFFFFFF00] =	vst v9;
	v9 =	vld.idx.msk [tilespmem:v3+s15+$0x0], $0xffff  }
0x249: {  	v15 =	vadd.s32 s26, v0;
	s25 =	sadd.s32 $0xFFFFFC04, s23;
	s26 =	sadd.s32 $0xFFFFFC6A, s23;
	v14 =	vadd.s32 s24, v0;
	s24 =	sadd.s32 $0xFFFFFB9E, s23;
	[tilespmem:s21+$0xFFFFFF80] =	vst v8;
	v8 =	vld.idx.msk [tilespmem:v2+s15+$0x0], $0xffff  }
0x24a: {  	v17 =	vadd.s32 s25, v0;
	v18 =	vadd.s32 s26, v0;
	s25 =	sadd.s32 $0xFFFFFD36, s23;
	s26 =	sadd.s32 $0xFFFFFD9C, s23;
	v16 =	vadd.s32 s24, v0;
	s24 =	sadd.s32 $0xFFFFFCD0, s23;
	[tilespmem:s21+$0x0] =	vst v7  }
0x24b: {  	v19 =	vadd.s32 s25, v0;
	v20 =	vadd.s32 s26, v0;
	s25 =	sadd.s32 $0xFFFFFE68, s23;
	s26 =	sadd.s32 $0xFFFFFECE, s23;
	v7 =	vadd.s32 s24, v0;
	s24 =	sadd.s32 $0xFFFFFE02, s23;
	[tilespmem:s21+$0x80] =	vst v6  }
0x24c: {  	s28 =	sadd.s32 $0xFFFFFA06, s23;
	v5 =	vadd.s32 s25, v0;
	v3 =	vadd.s32 s26, v0;
	v21 =	vadd.s32 s24, v0;
	s24 =	sadd.s32 $0xFFFFFF34, s23;
	v6 =	vld.idx.msk [tilespmem:v11+s15+$0x0], $0xffff  }
0x24d: {  	v11 =	vadd.s32 s28, v0;
	v2 =	vadd.s32 s24, v0;
	v13 =	vld.idx.msk [tilespmem:v13+s15+$0x0], $0xffff;
	[tilespmem:s21+$0x100] =	vst v4  }
0x24e: {  	v4 =	vld.idx.msk [tilespmem:v12+s15+$0x0], $0xffff;
	[tilespmem:s21+$0x180] =	vst v10  }
0x24f: {  	v12 =	vld.idx.msk [tilespmem:v14+s15+$0x0], $0xffff;
	[tilespmem:s21+$0x200] =	vst v9  }
0x250: {  	v14 =	vld.idx.msk [tilespmem:v15+s15+$0x0], $0xffff;
	[tilespmem:s21+$0x280] =	vst v8  }
0x251: {  	v15 =	vld.idx.msk [tilespmem:v16+s15+$0x0], $0xffff;
	[tilespmem:s21+$0x380] =	vst v1  }
0x252: {  	s21 =	sadd.s32 $0x800, s21;
	v1 =	vmov v6;
	v11 =	vld.idx.msk [tilespmem:v11+s15+$0x0], $0xffff  }
0x253: {  	v10 =	vld.idx.msk [tilespmem:v17+s15+$0x0], $0xffff;
	[tilespmem:s21+$0x300] =	vst v13  }
.Ltmp11:
0x254: {  	[tilespmem:s21+$0xFFFFFC80] =	vst v4;
	v9 =	vld.idx.msk [tilespmem:v18+s15+$0x0], $0xffff;
	(pc) =	sbr.rel @p0 .LBB2_24-.Ltmp11, $4  }
0x255: {  	[tilespmem:s21+$0xFFFFFD00] =	vst v12;
	v8 =	vld.idx.msk [tilespmem:v7+s15+$0x0], $0xffff  }
0x256: {  	[tilespmem:s21+$0xFFFFFD80] =	vst v14;
	v7 =	vld.idx.msk [tilespmem:v19+s15+$0x0], $0xffff  }
0x257: {  	[tilespmem:s21+$0xFFFFFE00] =	vst v15;
	v6 =	vld.idx.msk [tilespmem:v20+s15+$0x0], $0xffff  }
0x258: {  	s23 =	sadd.s32 $0x660, s23;
	[tilespmem:s21+$0xFFFFFC00] =	vst v11;
	v4 =	vld.idx.msk [tilespmem:v21+s15+$0x0], $0xffff  }
0x259: {  	_ =	sdelay $0x1  }
0x25a: {  	[tilespmem:s21+$0xFFFFFE80] =	vst v10  }
0x25b: {  	[tilespmem:s21+$0xFFFFFF00] =	vst v9  }
0x25c: {  	v0 =	vld.idx.msk [tilespmem:v5+s15+$0x0], $0xffff;
	[tilespmem:s21+$0x380] =	vst v1  }
0x25d: {  	v3 =	vld.idx.msk [tilespmem:v3+s15+$0x0], $0xffff;
	[tilespmem:s21+$0xFFFFFF80] =	vst v8  }
0x25e: {  	v2 =	vld.idx.msk [tilespmem:v2+s15+$0x0], $0xffff;
	[tilespmem:s21+$0x0] =	vst v7  }
0x25f: {  	[tilespmem:s21+$0x80] =	vst v6  }
0x260: {  	[tilespmem:s21+$0x100] =	vst v4  }
0x261: {  	[tilespmem:s21+$0x180] =	vst v0  }
0x262: {  	[tilespmem:s21+$0x200] =	vst v3  }
0x263: {  	[tilespmem:s21+$0x280] =	vst v2  }
0x264: {  	v0 =	vld [tilespmem:$0xC0];
	_ =	sdelay $0x3  }
0x265: {  	s28 =	simm.s32 $0x5FA  }
0x266: {  	s22 =	simm.s32 $0x594;
	v1 =	vadd.s32 s28, v0  }
0x267: {  	s29 =	simm.s32 $0x66;
	v2 =	vadd.s32 s22, v0  }
0x268: {  	s31 =	simm.s32 $0x132;
	v3 =	vadd.s32 s29, v0  }
0x269: {  	s30 =	simm.s32 $0xCC;
	v5 =	vadd.s32 s31, v0  }
0x26a: {  	s23 =	simm.s32 $0x0;
	v4 =	vadd.s32 s30, v0  }
0x26b: {  	s24 =	simm.s32 $0x1FE;
	v7 =	vadd.s32 s23, v0;
	v1 =	vld.idx.msk [tilespmem:v1+s15+$0x0], $0xffff  }
0x26c: {  	s22 =	simm.s32 $0x198;
	v8 =	vadd.s32 s24, v0;
	v2 =	vld.idx.msk [tilespmem:v2+s15+$0x0], $0xffff  }
0x26d: {  	s25 =	simm.s32 $0x264;
	v6 =	vadd.s32 s22, v0;
	v3 =	vld.idx.msk [tilespmem:v3+s15+$0x0], $0xffff  }
0x26e: {  	s26 =	simm.s32 $0x2CA;
	v9 =	vadd.s32 s25, v0;
	v5 =	vld.idx.msk [tilespmem:v5+s15+$0x0], $0xffff  }
0x26f: {  	s28 =	simm.s32 $0x330;
	v11 =	vadd.s32 s26, v0;
	v4 =	vld.idx.msk [tilespmem:v4+s15+$0x0], $0xffff  }
0x270: {  	s29 =	simm.s32 $0x3FC;
	v12 =	vadd.s32 s28, v0;
	v14 =	vld.idx.msk [tilespmem:v7+s15+$0x0], $0xffff  }
0x271: {  	s21 =	simm.s32 $0x71C0;
	s23 =	simm.s32 $0x396;
	v15 =	vadd.s32 s29, v0;
	v10 =	vld.idx.msk [tilespmem:v8+s15+$0x0], $0xffff  }
0x272: {  	s30 =	simm.s32 $0x462;
	v13 =	vadd.s32 s23, v0;
	v6 =	vld.idx.msk [tilespmem:v6+s15+$0x0], $0xffff;
	[tilespmem:s21+$0x300] =	vst v2  }
0x273: {  	s31 =	simm.s32 $0x4C8;
	v9 =	vld.idx.msk [tilespmem:v9+s15+$0x0], $0xffff;
	[tilespmem:s21+$0xFFFFFD80] =	vst v5;
	v5 =	vadd.s32 s30, v0  }
0x274: {  	s24 =	simm.s32 $0x52E;
	v8 =	vld.idx.msk [tilespmem:v11+s15+$0x0], $0xffff;
	[tilespmem:s21+$0xFFFFFC80] =	vst v3;
	v3 =	vadd.s32 s31, v0  }
0x275: {  	v7 =	vld.idx.msk [tilespmem:v12+s15+$0x0], $0xffff;
	[tilespmem:s21+$0xFFFFFD00] =	vst v4;
	v2 =	vadd.s32 s24, v0  }
0x276: {  	[tilespmem:s21+$0xFFFFFC00] =	vst v14;
	v4 =	vld.idx.msk [tilespmem:v15+s15+$0x0], $0xffff  }
0x277: {  	s22 =	simm.s32 $0x0;
	s23 =	simm.s32 $0xC5A;
	[tilespmem:s21+$0xFFFFFE00] =	vst v6;
	v6 =	vld.idx.msk [tilespmem:v13+s15+$0x0], $0xffff  }
.LBB2_26:
0x278: {  	s24 =	sadd.s32 $0xFFFFFA6C, s23;
	s25 =	sadd.s32 $0xFFFFFF9A, s23;
	v11 =	vadd.s32 s23, v0;
	s22 =	sadd.s32 $0x10, s22;
	[tilespmem:s21+$0xFFFFFE80] =	vst v10;
	v10 =	vld.idx.msk [tilespmem:v5+s15+$0x0], $0xffff  }
0x279: {  	s26 =	sadd.s32 $0xFFFFFB38, s23;
	v12 =	vadd.s32 s24, v0;
	s24 =	sadd.s32 $0xFFFFFAD2, s23;
	v13 =	vadd.s32 s25, v0;
	p0 =	slt.u32 s22, $0x30;
	[tilespmem:s21+$0xFFFFFF00] =	vst v9;
	v9 =	vld.idx.msk [tilespmem:v3+s15+$0x0], $0xffff  }
0x27a: {  	v15 =	vadd.s32 s26, v0;
	s25 =	sadd.s32 $0xFFFFFC04, s23;
	s26 =	sadd.s32 $0xFFFFFC6A, s23;
	v14 =	vadd.s32 s24, v0;
	s24 =	sadd.s32 $0xFFFFFB9E, s23;
	[tilespmem:s21+$0xFFFFFF80] =	vst v8;
	v8 =	vld.idx.msk [tilespmem:v2+s15+$0x0], $0xffff  }
0x27b: {  	v17 =	vadd.s32 s25, v0;
	v18 =	vadd.s32 s26, v0;
	s25 =	sadd.s32 $0xFFFFFD36, s23;
	s26 =	sadd.s32 $0xFFFFFD9C, s23;
	v16 =	vadd.s32 s24, v0;
	s24 =	sadd.s32 $0xFFFFFCD0, s23;
	[tilespmem:s21+$0x0] =	vst v7  }
0x27c: {  	v19 =	vadd.s32 s25, v0;
	v20 =	vadd.s32 s26, v0;
	s25 =	sadd.s32 $0xFFFFFE68, s23;
	s26 =	sadd.s32 $0xFFFFFECE, s23;
	v7 =	vadd.s32 s24, v0;
	s24 =	sadd.s32 $0xFFFFFE02, s23;
	[tilespmem:s21+$0x80] =	vst v6  }
0x27d: {  	s28 =	sadd.s32 $0xFFFFFA06, s23;
	v5 =	vadd.s32 s25, v0;
	v3 =	vadd.s32 s26, v0;
	v21 =	vadd.s32 s24, v0;
	s24 =	sadd.s32 $0xFFFFFF34, s23;
	v6 =	vld.idx.msk [tilespmem:v11+s15+$0x0], $0xffff  }
0x27e: {  	v11 =	vadd.s32 s28, v0;
	v2 =	vadd.s32 s24, v0;
	v13 =	vld.idx.msk [tilespmem:v13+s15+$0x0], $0xffff;
	[tilespmem:s21+$0x100] =	vst v4  }
0x27f: {  	v4 =	vld.idx.msk [tilespmem:v12+s15+$0x0], $0xffff;
	[tilespmem:s21+$0x180] =	vst v10  }
0x280: {  	v12 =	vld.idx.msk [tilespmem:v14+s15+$0x0], $0xffff;
	[tilespmem:s21+$0x200] =	vst v9  }
0x281: {  	v14 =	vld.idx.msk [tilespmem:v15+s15+$0x0], $0xffff;
	[tilespmem:s21+$0x280] =	vst v8  }
0x282: {  	v15 =	vld.idx.msk [tilespmem:v16+s15+$0x0], $0xffff;
	[tilespmem:s21+$0x380] =	vst v1  }
0x283: {  	s21 =	sadd.s32 $0x800, s21;
	v1 =	vmov v6;
	v11 =	vld.idx.msk [tilespmem:v11+s15+$0x0], $0xffff  }
0x284: {  	v10 =	vld.idx.msk [tilespmem:v17+s15+$0x0], $0xffff;
	[tilespmem:s21+$0x300] =	vst v13  }
.Ltmp12:
0x285: {  	[tilespmem:s21+$0xFFFFFC80] =	vst v4;
	v9 =	vld.idx.msk [tilespmem:v18+s15+$0x0], $0xffff;
	(pc) =	sbr.rel @p0 .LBB2_26-.Ltmp12, $4  }
0x286: {  	[tilespmem:s21+$0xFFFFFD00] =	vst v12;
	v8 =	vld.idx.msk [tilespmem:v7+s15+$0x0], $0xffff  }
0x287: {  	[tilespmem:s21+$0xFFFFFD80] =	vst v14;
	v7 =	vld.idx.msk [tilespmem:v19+s15+$0x0], $0xffff  }
0x288: {  	[tilespmem:s21+$0xFFFFFE00] =	vst v15;
	v6 =	vld.idx.msk [tilespmem:v20+s15+$0x0], $0xffff  }
0x289: {  	s23 =	sadd.s32 $0x660, s23;
	[tilespmem:s21+$0xFFFFFC00] =	vst v11;
	v4 =	vld.idx.msk [tilespmem:v21+s15+$0x0], $0xffff  }
0x28a: {  	_ =	sdelay $0x1  }
0x28b: {  	[tilespmem:s21+$0xFFFFFE80] =	vst v10  }
0x28c: {  	[tilespmem:s21+$0xFFFFFF00] =	vst v9  }
0x28d: {  	v0 =	vld.idx.msk [tilespmem:v5+s15+$0x0], $0xffff;
	[tilespmem:s21+$0x380] =	vst v1  }
0x28e: {  	v3 =	vld.idx.msk [tilespmem:v3+s15+$0x0], $0xffff;
	[tilespmem:s21+$0xFFFFFF80] =	vst v8  }
0x28f: {  	v2 =	vld.idx.msk [tilespmem:v2+s15+$0x0], $0xffff;
	[tilespmem:s21+$0x0] =	vst v7  }
0x290: {  	[tilespmem:s21+$0x80] =	vst v6  }
0x291: {  	[tilespmem:s21+$0x100] =	vst v4  }
0x292: {  	[tilespmem:s21+$0x180] =	vst v0  }
0x293: {  	[tilespmem:s21+$0x200] =	vst v3  }
0x294: {  	[tilespmem:s21+$0x280] =	vst v2  }
0x295: {  	v0 =	vld [tilespmem:$0xD0];
	_ =	sdelay $0x3  }
0x296: {  	s28 =	simm.s32 $0x5FA  }
0x297: {  	s22 =	simm.s32 $0x594;
	v1 =	vadd.s32 s28, v0  }
0x298: {  	s29 =	simm.s32 $0x66;
	v2 =	vadd.s32 s22, v0  }
0x299: {  	s31 =	simm.s32 $0x132;
	v3 =	vadd.s32 s29, v0  }
0x29a: {  	s30 =	simm.s32 $0xCC;
	v5 =	vadd.s32 s31, v0  }
0x29b: {  	s23 =	simm.s32 $0x0;
	v4 =	vadd.s32 s30, v0  }
0x29c: {  	s24 =	simm.s32 $0x1FE;
	v7 =	vadd.s32 s23, v0;
	v1 =	vld.idx.msk [tilespmem:v1+s15+$0x0], $0xffff  }
0x29d: {  	s22 =	simm.s32 $0x198;
	v8 =	vadd.s32 s24, v0;
	v2 =	vld.idx.msk [tilespmem:v2+s15+$0x0], $0xffff  }
0x29e: {  	s25 =	simm.s32 $0x264;
	v6 =	vadd.s32 s22, v0;
	v3 =	vld.idx.msk [tilespmem:v3+s15+$0x0], $0xffff  }
0x29f: {  	s26 =	simm.s32 $0x2CA;
	v9 =	vadd.s32 s25, v0;
	v5 =	vld.idx.msk [tilespmem:v5+s15+$0x0], $0xffff  }
0x2a0: {  	s28 =	simm.s32 $0x330;
	v11 =	vadd.s32 s26, v0;
	v4 =	vld.idx.msk [tilespmem:v4+s15+$0x0], $0xffff  }
0x2a1: {  	s29 =	simm.s32 $0x3FC;
	v12 =	vadd.s32 s28, v0;
	v14 =	vld.idx.msk [tilespmem:v7+s15+$0x0], $0xffff  }
0x2a2: {  	s21 =	simm.s32 $0x71D0;
	s23 =	simm.s32 $0x396;
	v15 =	vadd.s32 s29, v0;
	v10 =	vld.idx.msk [tilespmem:v8+s15+$0x0], $0xffff  }
0x2a3: {  	s30 =	simm.s32 $0x462;
	v13 =	vadd.s32 s23, v0;
	v6 =	vld.idx.msk [tilespmem:v6+s15+$0x0], $0xffff;
	[tilespmem:s21+$0x300] =	vst v2  }
0x2a4: {  	s31 =	simm.s32 $0x4C8;
	v9 =	vld.idx.msk [tilespmem:v9+s15+$0x0], $0xffff;
	[tilespmem:s21+$0xFFFFFD80] =	vst v5;
	v5 =	vadd.s32 s30, v0  }
0x2a5: {  	s24 =	simm.s32 $0x52E;
	v8 =	vld.idx.msk [tilespmem:v11+s15+$0x0], $0xffff;
	[tilespmem:s21+$0xFFFFFC80] =	vst v3;
	v3 =	vadd.s32 s31, v0  }
0x2a6: {  	v7 =	vld.idx.msk [tilespmem:v12+s15+$0x0], $0xffff;
	[tilespmem:s21+$0xFFFFFD00] =	vst v4;
	v2 =	vadd.s32 s24, v0  }
0x2a7: {  	[tilespmem:s21+$0xFFFFFC00] =	vst v14;
	v4 =	vld.idx.msk [tilespmem:v15+s15+$0x0], $0xffff  }
0x2a8: {  	s22 =	simm.s32 $0x0;
	s23 =	simm.s32 $0xC5A;
	[tilespmem:s21+$0xFFFFFE00] =	vst v6;
	v6 =	vld.idx.msk [tilespmem:v13+s15+$0x0], $0xffff  }
.LBB2_28:
0x2a9: {  	s24 =	sadd.s32 $0xFFFFFA6C, s23;
	s25 =	sadd.s32 $0xFFFFFF9A, s23;
	v11 =	vadd.s32 s23, v0;
	s22 =	sadd.s32 $0x10, s22;
	[tilespmem:s21+$0xFFFFFE80] =	vst v10;
	v10 =	vld.idx.msk [tilespmem:v5+s15+$0x0], $0xffff  }
0x2aa: {  	s26 =	sadd.s32 $0xFFFFFB38, s23;
	v12 =	vadd.s32 s24, v0;
	s24 =	sadd.s32 $0xFFFFFAD2, s23;
	v13 =	vadd.s32 s25, v0;
	p0 =	slt.u32 s22, $0x30;
	[tilespmem:s21+$0xFFFFFF00] =	vst v9;
	v9 =	vld.idx.msk [tilespmem:v3+s15+$0x0], $0xffff  }
0x2ab: {  	v15 =	vadd.s32 s26, v0;
	s25 =	sadd.s32 $0xFFFFFC04, s23;
	s26 =	sadd.s32 $0xFFFFFC6A, s23;
	v14 =	vadd.s32 s24, v0;
	s24 =	sadd.s32 $0xFFFFFB9E, s23;
	[tilespmem:s21+$0xFFFFFF80] =	vst v8;
	v8 =	vld.idx.msk [tilespmem:v2+s15+$0x0], $0xffff  }
0x2ac: {  	v17 =	vadd.s32 s25, v0;
	v18 =	vadd.s32 s26, v0;
	s25 =	sadd.s32 $0xFFFFFD36, s23;
	s26 =	sadd.s32 $0xFFFFFD9C, s23;
	v16 =	vadd.s32 s24, v0;
	s24 =	sadd.s32 $0xFFFFFCD0, s23;
	[tilespmem:s21+$0x0] =	vst v7  }
0x2ad: {  	v19 =	vadd.s32 s25, v0;
	v20 =	vadd.s32 s26, v0;
	s25 =	sadd.s32 $0xFFFFFE68, s23;
	s26 =	sadd.s32 $0xFFFFFECE, s23;
	v7 =	vadd.s32 s24, v0;
	s24 =	sadd.s32 $0xFFFFFE02, s23;
	[tilespmem:s21+$0x80] =	vst v6  }
0x2ae: {  	s28 =	sadd.s32 $0xFFFFFA06, s23;
	v5 =	vadd.s32 s25, v0;
	v3 =	vadd.s32 s26, v0;
	v21 =	vadd.s32 s24, v0;
	s24 =	sadd.s32 $0xFFFFFF34, s23;
	v6 =	vld.idx.msk [tilespmem:v11+s15+$0x0], $0xffff  }
0x2af: {  	v11 =	vadd.s32 s28, v0;
	v2 =	vadd.s32 s24, v0;
	v13 =	vld.idx.msk [tilespmem:v13+s15+$0x0], $0xffff;
	[tilespmem:s21+$0x100] =	vst v4  }
0x2b0: {  	v4 =	vld.idx.msk [tilespmem:v12+s15+$0x0], $0xffff;
	[tilespmem:s21+$0x180] =	vst v10  }
0x2b1: {  	v12 =	vld.idx.msk [tilespmem:v14+s15+$0x0], $0xffff;
	[tilespmem:s21+$0x200] =	vst v9  }
0x2b2: {  	v14 =	vld.idx.msk [tilespmem:v15+s15+$0x0], $0xffff;
	[tilespmem:s21+$0x280] =	vst v8  }
0x2b3: {  	v15 =	vld.idx.msk [tilespmem:v16+s15+$0x0], $0xffff;
	[tilespmem:s21+$0x380] =	vst v1  }
0x2b4: {  	s21 =	sadd.s32 $0x800, s21;
	v1 =	vmov v6;
	v11 =	vld.idx.msk [tilespmem:v11+s15+$0x0], $0xffff  }
0x2b5: {  	v10 =	vld.idx.msk [tilespmem:v17+s15+$0x0], $0xffff;
	[tilespmem:s21+$0x300] =	vst v13  }
.Ltmp13:
0x2b6: {  	[tilespmem:s21+$0xFFFFFC80] =	vst v4;
	v9 =	vld.idx.msk [tilespmem:v18+s15+$0x0], $0xffff;
	(pc) =	sbr.rel @p0 .LBB2_28-.Ltmp13, $4  }
0x2b7: {  	[tilespmem:s21+$0xFFFFFD00] =	vst v12;
	v8 =	vld.idx.msk [tilespmem:v7+s15+$0x0], $0xffff  }
0x2b8: {  	[tilespmem:s21+$0xFFFFFD80] =	vst v14;
	v7 =	vld.idx.msk [tilespmem:v19+s15+$0x0], $0xffff  }
0x2b9: {  	[tilespmem:s21+$0xFFFFFE00] =	vst v15;
	v6 =	vld.idx.msk [tilespmem:v20+s15+$0x0], $0xffff  }
0x2ba: {  	s23 =	sadd.s32 $0x660, s23;
	[tilespmem:s21+$0xFFFFFC00] =	vst v11;
	v4 =	vld.idx.msk [tilespmem:v21+s15+$0x0], $0xffff  }
0x2bb: {  	_ =	sdelay $0x1  }
0x2bc: {  	[tilespmem:s21+$0xFFFFFE80] =	vst v10  }
0x2bd: {  	[tilespmem:s21+$0xFFFFFF00] =	vst v9  }
0x2be: {  	v0 =	vld.idx.msk [tilespmem:v5+s15+$0x0], $0xffff;
	[tilespmem:s21+$0x380] =	vst v1  }
0x2bf: {  	v3 =	vld.idx.msk [tilespmem:v3+s15+$0x0], $0xffff;
	[tilespmem:s21+$0xFFFFFF80] =	vst v8  }
0x2c0: {  	v2 =	vld.idx.msk [tilespmem:v2+s15+$0x0], $0xffff;
	[tilespmem:s21+$0x0] =	vst v7  }
0x2c1: {  	[tilespmem:s21+$0x80] =	vst v6  }
0x2c2: {  	[tilespmem:s21+$0x100] =	vst v4  }
0x2c3: {  	[tilespmem:s21+$0x180] =	vst v0  }
0x2c4: {  	[tilespmem:s21+$0x200] =	vst v3  }
0x2c5: {  	[tilespmem:s21+$0x280] =	vst v2  }
0x2c6: {  	v0 =	vld [tilespmem:$0xE0];
	_ =	sdelay $0x3  }
0x2c7: {  	s28 =	simm.s32 $0x5FA  }
0x2c8: {  	s22 =	simm.s32 $0x594;
	v1 =	vadd.s32 s28, v0  }
0x2c9: {  	s29 =	simm.s32 $0x66;
	v2 =	vadd.s32 s22, v0  }
0x2ca: {  	s31 =	simm.s32 $0x132;
	v3 =	vadd.s32 s29, v0  }
0x2cb: {  	s30 =	simm.s32 $0xCC;
	v5 =	vadd.s32 s31, v0  }
0x2cc: {  	s23 =	simm.s32 $0x0;
	v4 =	vadd.s32 s30, v0  }
0x2cd: {  	s24 =	simm.s32 $0x1FE;
	v7 =	vadd.s32 s23, v0;
	v1 =	vld.idx.msk [tilespmem:v1+s15+$0x0], $0xffff  }
0x2ce: {  	s22 =	simm.s32 $0x198;
	v8 =	vadd.s32 s24, v0;
	v2 =	vld.idx.msk [tilespmem:v2+s15+$0x0], $0xffff  }
0x2cf: {  	s25 =	simm.s32 $0x264;
	v6 =	vadd.s32 s22, v0;
	v3 =	vld.idx.msk [tilespmem:v3+s15+$0x0], $0xffff  }
0x2d0: {  	s26 =	simm.s32 $0x2CA;
	v9 =	vadd.s32 s25, v0;
	v5 =	vld.idx.msk [tilespmem:v5+s15+$0x0], $0xffff  }
0x2d1: {  	s28 =	simm.s32 $0x330;
	v11 =	vadd.s32 s26, v0;
	v4 =	vld.idx.msk [tilespmem:v4+s15+$0x0], $0xffff  }
0x2d2: {  	s29 =	simm.s32 $0x3FC;
	v12 =	vadd.s32 s28, v0;
	v14 =	vld.idx.msk [tilespmem:v7+s15+$0x0], $0xffff  }
0x2d3: {  	s21 =	simm.s32 $0x71E0;
	s23 =	simm.s32 $0x396;
	v15 =	vadd.s32 s29, v0;
	v10 =	vld.idx.msk [tilespmem:v8+s15+$0x0], $0xffff  }
0x2d4: {  	s30 =	simm.s32 $0x462;
	v13 =	vadd.s32 s23, v0;
	v6 =	vld.idx.msk [tilespmem:v6+s15+$0x0], $0xffff;
	[tilespmem:s21+$0x300] =	vst v2  }
0x2d5: {  	s31 =	simm.s32 $0x4C8;
	v9 =	vld.idx.msk [tilespmem:v9+s15+$0x0], $0xffff;
	[tilespmem:s21+$0xFFFFFD80] =	vst v5;
	v5 =	vadd.s32 s30, v0  }
0x2d6: {  	s24 =	simm.s32 $0x52E;
	v8 =	vld.idx.msk [tilespmem:v11+s15+$0x0], $0xffff;
	[tilespmem:s21+$0xFFFFFC80] =	vst v3;
	v3 =	vadd.s32 s31, v0  }
0x2d7: {  	v7 =	vld.idx.msk [tilespmem:v12+s15+$0x0], $0xffff;
	[tilespmem:s21+$0xFFFFFD00] =	vst v4;
	v2 =	vadd.s32 s24, v0  }
0x2d8: {  	[tilespmem:s21+$0xFFFFFC00] =	vst v14;
	v4 =	vld.idx.msk [tilespmem:v15+s15+$0x0], $0xffff  }
0x2d9: {  	s22 =	simm.s32 $0x0;
	s23 =	simm.s32 $0xC5A;
	[tilespmem:s21+$0xFFFFFE00] =	vst v6;
	v6 =	vld.idx.msk [tilespmem:v13+s15+$0x0], $0xffff  }
.LBB2_30:
0x2da: {  	s24 =	sadd.s32 $0xFFFFFA6C, s23;
	s25 =	sadd.s32 $0xFFFFFF9A, s23;
	v11 =	vadd.s32 s23, v0;
	s22 =	sadd.s32 $0x10, s22;
	[tilespmem:s21+$0xFFFFFE80] =	vst v10;
	v10 =	vld.idx.msk [tilespmem:v5+s15+$0x0], $0xffff  }
0x2db: {  	s26 =	sadd.s32 $0xFFFFFB38, s23;
	v12 =	vadd.s32 s24, v0;
	s24 =	sadd.s32 $0xFFFFFAD2, s23;
	v13 =	vadd.s32 s25, v0;
	p0 =	slt.u32 s22, $0x30;
	[tilespmem:s21+$0xFFFFFF00] =	vst v9;
	v9 =	vld.idx.msk [tilespmem:v3+s15+$0x0], $0xffff  }
0x2dc: {  	v15 =	vadd.s32 s26, v0;
	s25 =	sadd.s32 $0xFFFFFC04, s23;
	s26 =	sadd.s32 $0xFFFFFC6A, s23;
	v14 =	vadd.s32 s24, v0;
	s24 =	sadd.s32 $0xFFFFFB9E, s23;
	[tilespmem:s21+$0xFFFFFF80] =	vst v8;
	v8 =	vld.idx.msk [tilespmem:v2+s15+$0x0], $0xffff  }
0x2dd: {  	v17 =	vadd.s32 s25, v0;
	v18 =	vadd.s32 s26, v0;
	s25 =	sadd.s32 $0xFFFFFD36, s23;
	s26 =	sadd.s32 $0xFFFFFD9C, s23;
	v16 =	vadd.s32 s24, v0;
	s24 =	sadd.s32 $0xFFFFFCD0, s23;
	[tilespmem:s21+$0x0] =	vst v7  }
0x2de: {  	v19 =	vadd.s32 s25, v0;
	v20 =	vadd.s32 s26, v0;
	s25 =	sadd.s32 $0xFFFFFE68, s23;
	s26 =	sadd.s32 $0xFFFFFECE, s23;
	v7 =	vadd.s32 s24, v0;
	s24 =	sadd.s32 $0xFFFFFE02, s23;
	[tilespmem:s21+$0x80] =	vst v6  }
0x2df: {  	s28 =	sadd.s32 $0xFFFFFA06, s23;
	v5 =	vadd.s32 s25, v0;
	v3 =	vadd.s32 s26, v0;
	v21 =	vadd.s32 s24, v0;
	s24 =	sadd.s32 $0xFFFFFF34, s23;
	v6 =	vld.idx.msk [tilespmem:v11+s15+$0x0], $0xffff  }
0x2e0: {  	v11 =	vadd.s32 s28, v0;
	v2 =	vadd.s32 s24, v0;
	v13 =	vld.idx.msk [tilespmem:v13+s15+$0x0], $0xffff;
	[tilespmem:s21+$0x100] =	vst v4  }
0x2e1: {  	v4 =	vld.idx.msk [tilespmem:v12+s15+$0x0], $0xffff;
	[tilespmem:s21+$0x180] =	vst v10  }
0x2e2: {  	v12 =	vld.idx.msk [tilespmem:v14+s15+$0x0], $0xffff;
	[tilespmem:s21+$0x200] =	vst v9  }
0x2e3: {  	v14 =	vld.idx.msk [tilespmem:v15+s15+$0x0], $0xffff;
	[tilespmem:s21+$0x280] =	vst v8  }
0x2e4: {  	v15 =	vld.idx.msk [tilespmem:v16+s15+$0x0], $0xffff;
	[tilespmem:s21+$0x380] =	vst v1  }
0x2e5: {  	s21 =	sadd.s32 $0x800, s21;
	v1 =	vmov v6;
	v11 =	vld.idx.msk [tilespmem:v11+s15+$0x0], $0xffff  }
0x2e6: {  	v10 =	vld.idx.msk [tilespmem:v17+s15+$0x0], $0xffff;
	[tilespmem:s21+$0x300] =	vst v13  }
.Ltmp14:
0x2e7: {  	[tilespmem:s21+$0xFFFFFC80] =	vst v4;
	v9 =	vld.idx.msk [tilespmem:v18+s15+$0x0], $0xffff;
	(pc) =	sbr.rel @p0 .LBB2_30-.Ltmp14, $4  }
0x2e8: {  	[tilespmem:s21+$0xFFFFFD00] =	vst v12;
	v8 =	vld.idx.msk [tilespmem:v7+s15+$0x0], $0xffff  }
0x2e9: {  	[tilespmem:s21+$0xFFFFFD80] =	vst v14;
	v7 =	vld.idx.msk [tilespmem:v19+s15+$0x0], $0xffff  }
0x2ea: {  	[tilespmem:s21+$0xFFFFFE00] =	vst v15;
	v6 =	vld.idx.msk [tilespmem:v20+s15+$0x0], $0xffff  }
0x2eb: {  	s23 =	sadd.s32 $0x660, s23;
	[tilespmem:s21+$0xFFFFFC00] =	vst v11;
	v4 =	vld.idx.msk [tilespmem:v21+s15+$0x0], $0xffff  }
0x2ec: {  	_ =	sdelay $0x1  }
0x2ed: {  	[tilespmem:s21+$0xFFFFFE80] =	vst v10  }
0x2ee: {  	[tilespmem:s21+$0xFFFFFF00] =	vst v9  }
0x2ef: {  	v0 =	vld.idx.msk [tilespmem:v5+s15+$0x0], $0xffff;
	[tilespmem:s21+$0x380] =	vst v1  }
0x2f0: {  	v3 =	vld.idx.msk [tilespmem:v3+s15+$0x0], $0xffff;
	[tilespmem:s21+$0xFFFFFF80] =	vst v8  }
0x2f1: {  	v2 =	vld.idx.msk [tilespmem:v2+s15+$0x0], $0xffff;
	[tilespmem:s21+$0x0] =	vst v7  }
0x2f2: {  	[tilespmem:s21+$0x80] =	vst v6  }
0x2f3: {  	[tilespmem:s21+$0x100] =	vst v4  }
0x2f4: {  	[tilespmem:s21+$0x180] =	vst v0  }
0x2f5: {  	[tilespmem:s21+$0x200] =	vst v3  }
0x2f6: {  	[tilespmem:s21+$0x280] =	vst v2  }
0x2f7: {  	v0 =	vld [tilespmem:$0xF0];
	_ =	sdelay $0x3  }
0x2f8: {  	s28 =	simm.s32 $0x5FA  }
0x2f9: {  	s22 =	simm.s32 $0x594;
	v1 =	vadd.s32 s28, v0  }
0x2fa: {  	s29 =	simm.s32 $0x66;
	v2 =	vadd.s32 s22, v0  }
0x2fb: {  	s31 =	simm.s32 $0x132;
	v3 =	vadd.s32 s29, v0  }
0x2fc: {  	s30 =	simm.s32 $0xCC;
	v5 =	vadd.s32 s31, v0  }
0x2fd: {  	s23 =	simm.s32 $0x0;
	v4 =	vadd.s32 s30, v0  }
0x2fe: {  	s24 =	simm.s32 $0x1FE;
	v7 =	vadd.s32 s23, v0;
	v1 =	vld.idx.msk [tilespmem:v1+s15+$0x0], $0xffff  }
0x2ff: {  	s22 =	simm.s32 $0x198;
	v8 =	vadd.s32 s24, v0;
	v2 =	vld.idx.msk [tilespmem:v2+s15+$0x0], $0xffff  }
0x300: {  	s25 =	simm.s32 $0x264;
	v6 =	vadd.s32 s22, v0;
	v3 =	vld.idx.msk [tilespmem:v3+s15+$0x0], $0xffff  }
0x301: {  	s26 =	simm.s32 $0x2CA;
	v9 =	vadd.s32 s25, v0;
	v5 =	vld.idx.msk [tilespmem:v5+s15+$0x0], $0xffff  }
0x302: {  	s28 =	simm.s32 $0x330;
	v11 =	vadd.s32 s26, v0;
	v4 =	vld.idx.msk [tilespmem:v4+s15+$0x0], $0xffff  }
0x303: {  	s29 =	simm.s32 $0x3FC;
	v12 =	vadd.s32 s28, v0;
	v14 =	vld.idx.msk [tilespmem:v7+s15+$0x0], $0xffff  }
0x304: {  	s21 =	simm.s32 $0x71F0;
	s23 =	simm.s32 $0x396;
	v15 =	vadd.s32 s29, v0;
	v10 =	vld.idx.msk [tilespmem:v8+s15+$0x0], $0xffff  }
0x305: {  	s30 =	simm.s32 $0x462;
	v13 =	vadd.s32 s23, v0;
	v6 =	vld.idx.msk [tilespmem:v6+s15+$0x0], $0xffff;
	[tilespmem:s21+$0x300] =	vst v2  }
0x306: {  	s31 =	simm.s32 $0x4C8;
	v9 =	vld.idx.msk [tilespmem:v9+s15+$0x0], $0xffff;
	[tilespmem:s21+$0xFFFFFD80] =	vst v5;
	v5 =	vadd.s32 s30, v0  }
0x307: {  	s24 =	simm.s32 $0x52E;
	v8 =	vld.idx.msk [tilespmem:v11+s15+$0x0], $0xffff;
	[tilespmem:s21+$0xFFFFFC80] =	vst v3;
	v3 =	vadd.s32 s31, v0  }
0x308: {  	v7 =	vld.idx.msk [tilespmem:v12+s15+$0x0], $0xffff;
	[tilespmem:s21+$0xFFFFFD00] =	vst v4;
	v2 =	vadd.s32 s24, v0  }
0x309: {  	[tilespmem:s21+$0xFFFFFC00] =	vst v14;
	v4 =	vld.idx.msk [tilespmem:v15+s15+$0x0], $0xffff  }
0x30a: {  	s22 =	simm.s32 $0x0;
	s23 =	simm.s32 $0xC5A;
	[tilespmem:s21+$0xFFFFFE00] =	vst v6;
	v6 =	vld.idx.msk [tilespmem:v13+s15+$0x0], $0xffff  }
.LBB2_32:
0x30b: {  	s24 =	sadd.s32 $0xFFFFFA6C, s23;
	s25 =	sadd.s32 $0xFFFFFF9A, s23;
	v11 =	vadd.s32 s23, v0;
	s22 =	sadd.s32 $0x10, s22;
	[tilespmem:s21+$0xFFFFFE80] =	vst v10;
	v10 =	vld.idx.msk [tilespmem:v5+s15+$0x0], $0xffff  }
0x30c: {  	s26 =	sadd.s32 $0xFFFFFB38, s23;
	v12 =	vadd.s32 s24, v0;
	s24 =	sadd.s32 $0xFFFFFAD2, s23;
	v13 =	vadd.s32 s25, v0;
	p0 =	slt.u32 s22, $0x30;
	[tilespmem:s21+$0xFFFFFF00] =	vst v9;
	v9 =	vld.idx.msk [tilespmem:v3+s15+$0x0], $0xffff  }
0x30d: {  	v15 =	vadd.s32 s26, v0;
	s25 =	sadd.s32 $0xFFFFFC04, s23;
	s26 =	sadd.s32 $0xFFFFFC6A, s23;
	v14 =	vadd.s32 s24, v0;
	s24 =	sadd.s32 $0xFFFFFB9E, s23;
	[tilespmem:s21+$0xFFFFFF80] =	vst v8;
	v8 =	vld.idx.msk [tilespmem:v2+s15+$0x0], $0xffff  }
0x30e: {  	v17 =	vadd.s32 s25, v0;
	v18 =	vadd.s32 s26, v0;
	s25 =	sadd.s32 $0xFFFFFD36, s23;
	s26 =	sadd.s32 $0xFFFFFD9C, s23;
	v16 =	vadd.s32 s24, v0;
	s24 =	sadd.s32 $0xFFFFFCD0, s23;
	[tilespmem:s21+$0x0] =	vst v7  }
0x30f: {  	v19 =	vadd.s32 s25, v0;
	v20 =	vadd.s32 s26, v0;
	s25 =	sadd.s32 $0xFFFFFE68, s23;
	s26 =	sadd.s32 $0xFFFFFECE, s23;
	v7 =	vadd.s32 s24, v0;
	s24 =	sadd.s32 $0xFFFFFE02, s23;
	[tilespmem:s21+$0x80] =	vst v6  }
0x310: {  	s28 =	sadd.s32 $0xFFFFFA06, s23;
	v5 =	vadd.s32 s25, v0;
	v3 =	vadd.s32 s26, v0;
	v21 =	vadd.s32 s24, v0;
	s24 =	sadd.s32 $0xFFFFFF34, s23;
	v6 =	vld.idx.msk [tilespmem:v11+s15+$0x0], $0xffff  }
0x311: {  	v11 =	vadd.s32 s28, v0;
	v2 =	vadd.s32 s24, v0;
	v13 =	vld.idx.msk [tilespmem:v13+s15+$0x0], $0xffff;
	[tilespmem:s21+$0x100] =	vst v4  }
0x312: {  	v4 =	vld.idx.msk [tilespmem:v12+s15+$0x0], $0xffff;
	[tilespmem:s21+$0x180] =	vst v10  }
0x313: {  	v12 =	vld.idx.msk [tilespmem:v14+s15+$0x0], $0xffff;
	[tilespmem:s21+$0x200] =	vst v9  }
0x314: {  	v14 =	vld.idx.msk [tilespmem:v15+s15+$0x0], $0xffff;
	[tilespmem:s21+$0x280] =	vst v8  }
0x315: {  	v15 =	vld.idx.msk [tilespmem:v16+s15+$0x0], $0xffff;
	[tilespmem:s21+$0x380] =	vst v1  }
0x316: {  	s21 =	sadd.s32 $0x800, s21;
	v1 =	vmov v6;
	v11 =	vld.idx.msk [tilespmem:v11+s15+$0x0], $0xffff  }
0x317: {  	v10 =	vld.idx.msk [tilespmem:v17+s15+$0x0], $0xffff;
	[tilespmem:s21+$0x300] =	vst v13  }
.Ltmp15:
0x318: {  	[tilespmem:s21+$0xFFFFFC80] =	vst v4;
	v9 =	vld.idx.msk [tilespmem:v18+s15+$0x0], $0xffff;
	(pc) =	sbr.rel @p0 .LBB2_32-.Ltmp15, $4  }
0x319: {  	[tilespmem:s21+$0xFFFFFD00] =	vst v12;
	v8 =	vld.idx.msk [tilespmem:v7+s15+$0x0], $0xffff  }
0x31a: {  	[tilespmem:s21+$0xFFFFFD80] =	vst v14;
	v7 =	vld.idx.msk [tilespmem:v19+s15+$0x0], $0xffff  }
0x31b: {  	[tilespmem:s21+$0xFFFFFE00] =	vst v15;
	v6 =	vld.idx.msk [tilespmem:v20+s15+$0x0], $0xffff  }
0x31c: {  	s23 =	sadd.s32 $0x660, s23;
	[tilespmem:s21+$0xFFFFFC00] =	vst v11;
	v4 =	vld.idx.msk [tilespmem:v21+s15+$0x0], $0xffff  }
0x31d: {  	_ =	sdelay $0x1  }
0x31e: {  	[tilespmem:s21+$0xFFFFFE80] =	vst v10  }
0x31f: {  	[tilespmem:s21+$0xFFFFFF00] =	vst v9  }
0x320: {  	v0 =	vld.idx.msk [tilespmem:v5+s15+$0x0], $0xffff;
	[tilespmem:s21+$0x380] =	vst v1  }
0x321: {  	v3 =	vld.idx.msk [tilespmem:v3+s15+$0x0], $0xffff;
	[tilespmem:s21+$0xFFFFFF80] =	vst v8  }
0x322: {  	v2 =	vld.idx.msk [tilespmem:v2+s15+$0x0], $0xffff;
	[tilespmem:s21+$0x0] =	vst v7  }
0x323: {  	[tilespmem:s21+$0x80] =	vst v6  }
0x324: {  	[tilespmem:s21+$0x100] =	vst v4  }
0x325: {  	[tilespmem:s21+$0x180] =	vst v0  }
0x326: {  	[tilespmem:s21+$0x200] =	vst v3  }
0x327: {  	[tilespmem:s21+$0x280] =	vst v2;
	s21 =	simm.s32 $0x1  }
0x328: {  	[hbm4b:s9+s11] =	stream.strided.scatter [tilespmem:s17], [sflag:$0x2], $0x2000, s12, s11, $0x38;
	[tilespmem:$0x8D80] =	vst v63  }
.LBB2_34:
0x329: {  	_ =	swait.ge [sflag:s18], $0x2000  }
0x32a: {  	s22 =	sshll.u32 s21, $0x8;
	[sflag:s18] =	ssyncset.done $0x0  }
0x32b: {  	s22 =	sand.u32 $0x3FFFFF00, s22;
	[sflag:s18] =	ssyncadd.s32 $0xFFFFE000  }
0x32c: {  	v0 =	vld [tilespmem:s22+$0x0];
	_ =	sdelay $0x3  }
0x32d: {  	s23 =	simm.s32 $0x5FA  }
0x32e: {  	s24 =	simm.s32 $0x594;
	v1 =	vadd.s32 s23, v0  }
0x32f: {  	s25 =	simm.s32 $0x66;
	v2 =	vadd.s32 s24, v0  }
0x330: {  	s28 =	simm.s32 $0x132;
	v3 =	vadd.s32 s25, v0  }
0x331: {  	s26 =	simm.s32 $0xCC;
	v5 =	vadd.s32 s28, v0  }
0x332: {  	s29 =	simm.s32 $0x198;
	v4 =	vadd.s32 s26, v0  }
0x333: {  	s30 =	simm.s32 $0x0;
	v6 =	vadd.s32 s29, v0;
	v1 =	vld.idx.msk [tilespmem:v1+s15+$0x0], $0xffff  }
0x334: {  	s31 =	simm.s32 $0x1FE;
	v7 =	vadd.s32 s30, v0;
	v2 =	vld.idx.msk [tilespmem:v2+s15+$0x0], $0xffff  }
0x335: {  	s25 =	simm.s32 $0x264;
	v8 =	vadd.s32 s31, v0;
	v3 =	vld.idx.msk [tilespmem:v3+s15+$0x0], $0xffff  }
0x336: {  	s26 =	simm.s32 $0x2CA;
	v9 =	vadd.s32 s25, v0;
	v5 =	vld.idx.msk [tilespmem:v5+s15+$0x0], $0xffff  }
0x337: {  	s28 =	simm.s32 $0x330;
	v11 =	vadd.s32 s26, v0;
	v4 =	vld.idx.msk [tilespmem:v4+s15+$0x0], $0xffff  }
0x338: {  	s25 =	simm.s32 $0x396;
	v12 =	vadd.s32 s28, v0;
	v6 =	vld.idx.msk [tilespmem:v6+s15+$0x0], $0xffff  }
0x339: {  	s23 =	simm.s32 $0x5180;
	s29 =	simm.s32 $0x3FC;
	v13 =	vadd.s32 s25, v0;
	v14 =	vld.idx.msk [tilespmem:v7+s15+$0x0], $0xffff  }
0x33a: {  	s30 =	simm.s32 $0x462;
	v15 =	vadd.s32 s29, v0;
	v10 =	vld.idx.msk [tilespmem:v8+s15+$0x0], $0xffff;
	[tilespmem:s23+$0x300] =	vst v2  }
0x33b: {  	s31 =	simm.s32 $0x4C8;
	v9 =	vld.idx.msk [tilespmem:v9+s15+$0x0], $0xffff;
	[tilespmem:s23+$0xFFFFFD80] =	vst v5;
	v5 =	vadd.s32 s30, v0  }
0x33c: {  	s26 =	simm.s32 $0x52E;
	v8 =	vld.idx.msk [tilespmem:v11+s15+$0x0], $0xffff;
	[tilespmem:s23+$0xFFFFFC80] =	vst v3;
	v3 =	vadd.s32 s31, v0  }
0x33d: {  	v7 =	vld.idx.msk [tilespmem:v12+s15+$0x0], $0xffff;
	[tilespmem:s23+$0xFFFFFD00] =	vst v4;
	v2 =	vadd.s32 s26, v0  }
0x33e: {  	[tilespmem:s23+$0xFFFFFE00] =	vst v6;
	v6 =	vld.idx.msk [tilespmem:v13+s15+$0x0], $0xffff  }
0x33f: {  	s24 =	simm.s32 $0x0;
	s25 =	simm.s32 $0xC5A;
	[tilespmem:s23+$0xFFFFFC00] =	vst v14;
	v4 =	vld.idx.msk [tilespmem:v15+s15+$0x0], $0xffff  }
.LBB2_35:
0x340: {  	s26 =	sadd.s32 $0xFFFFFA6C, s25;
	s28 =	sadd.s32 $0xFFFFFF9A, s25;
	v11 =	vadd.s32 s25, v0;
	s24 =	sadd.s32 $0x10, s24;
	[tilespmem:s23+$0xFFFFFE80] =	vst v10;
	v10 =	vld.idx.msk [tilespmem:v5+s15+$0x0], $0xffff  }
0x341: {  	s29 =	sadd.s32 $0xFFFFFB38, s25;
	v12 =	vadd.s32 s26, v0;
	s26 =	sadd.s32 $0xFFFFFAD2, s25;
	v13 =	vadd.s32 s28, v0;
	p0 =	slt.u32 s24, $0x30;
	[tilespmem:s23+$0xFFFFFF00] =	vst v9;
	v9 =	vld.idx.msk [tilespmem:v3+s15+$0x0], $0xffff  }
0x342: {  	v15 =	vadd.s32 s29, v0;
	s28 =	sadd.s32 $0xFFFFFC04, s25;
	s29 =	sadd.s32 $0xFFFFFC6A, s25;
	v14 =	vadd.s32 s26, v0;
	s26 =	sadd.s32 $0xFFFFFB9E, s25;
	[tilespmem:s23+$0xFFFFFF80] =	vst v8;
	v8 =	vld.idx.msk [tilespmem:v2+s15+$0x0], $0xffff  }
0x343: {  	v17 =	vadd.s32 s28, v0;
	v18 =	vadd.s32 s29, v0;
	s28 =	sadd.s32 $0xFFFFFD36, s25;
	s29 =	sadd.s32 $0xFFFFFD9C, s25;
	v16 =	vadd.s32 s26, v0;
	s26 =	sadd.s32 $0xFFFFFCD0, s25;
	[tilespmem:s23+$0x0] =	vst v7  }
0x344: {  	v19 =	vadd.s32 s28, v0;
	v20 =	vadd.s32 s29, v0;
	s28 =	sadd.s32 $0xFFFFFE68, s25;
	s29 =	sadd.s32 $0xFFFFFECE, s25;
	v7 =	vadd.s32 s26, v0;
	s26 =	sadd.s32 $0xFFFFFE02, s25;
	[tilespmem:s23+$0x80] =	vst v6  }
0x345: {  	s30 =	sadd.s32 $0xFFFFFA06, s25;
	v5 =	vadd.s32 s28, v0;
	v3 =	vadd.s32 s29, v0;
	v21 =	vadd.s32 s26, v0;
	s26 =	sadd.s32 $0xFFFFFF34, s25;
	v6 =	vld.idx.msk [tilespmem:v11+s15+$0x0], $0xffff  }
0x346: {  	v11 =	vadd.s32 s30, v0;
	v2 =	vadd.s32 s26, v0;
	v13 =	vld.idx.msk [tilespmem:v13+s15+$0x0], $0xffff;
	[tilespmem:s23+$0x100] =	vst v4  }
0x347: {  	v4 =	vld.idx.msk [tilespmem:v12+s15+$0x0], $0xffff;
	[tilespmem:s23+$0x180] =	vst v10  }
0x348: {  	v12 =	vld.idx.msk [tilespmem:v14+s15+$0x0], $0xffff;
	[tilespmem:s23+$0x200] =	vst v9  }
0x349: {  	v14 =	vld.idx.msk [tilespmem:v15+s15+$0x0], $0xffff;
	[tilespmem:s23+$0x280] =	vst v8  }
0x34a: {  	v15 =	vld.idx.msk [tilespmem:v16+s15+$0x0], $0xffff;
	[tilespmem:s23+$0x380] =	vst v1  }
0x34b: {  	s23 =	sadd.s32 $0x800, s23;
	v1 =	vmov v6;
	v11 =	vld.idx.msk [tilespmem:v11+s15+$0x0], $0xffff  }
0x34c: {  	v10 =	vld.idx.msk [tilespmem:v17+s15+$0x0], $0xffff;
	[tilespmem:s23+$0x300] =	vst v13  }
.Ltmp16:
0x34d: {  	[tilespmem:s23+$0xFFFFFC80] =	vst v4;
	v9 =	vld.idx.msk [tilespmem:v18+s15+$0x0], $0xffff;
	(pc) =	sbr.rel @p0 .LBB2_35-.Ltmp16, $4  }
0x34e: {  	[tilespmem:s23+$0xFFFFFD00] =	vst v12;
	v8 =	vld.idx.msk [tilespmem:v7+s15+$0x0], $0xffff  }
0x34f: {  	[tilespmem:s23+$0xFFFFFD80] =	vst v14;
	v7 =	vld.idx.msk [tilespmem:v19+s15+$0x0], $0xffff  }
0x350: {  	[tilespmem:s23+$0xFFFFFE00] =	vst v15;
	v6 =	vld.idx.msk [tilespmem:v20+s15+$0x0], $0xffff  }
0x351: {  	s25 =	sadd.s32 $0x660, s25;
	[tilespmem:s23+$0xFFFFFC00] =	vst v11;
	v4 =	vld.idx.msk [tilespmem:v21+s15+$0x0], $0xffff  }
0x352: {  	_ =	sdelay $0x1  }
0x353: {  	[tilespmem:s23+$0xFFFFFE80] =	vst v10  }
0x354: {  	[tilespmem:s23+$0xFFFFFF00] =	vst v9  }
0x355: {  	v0 =	vld.idx.msk [tilespmem:v5+s15+$0x0], $0xffff;
	[tilespmem:s23+$0x380] =	vst v1  }
0x356: {  	v3 =	vld.idx.msk [tilespmem:v3+s15+$0x0], $0xffff;
	[tilespmem:s23+$0xFFFFFF80] =	vst v8  }
0x357: {  	v2 =	vld.idx.msk [tilespmem:v2+s15+$0x0], $0xffff;
	[tilespmem:s23+$0x0] =	vst v7  }
0x358: {  	[tilespmem:s23+$0x80] =	vst v6  }
0x359: {  	[tilespmem:s23+$0x100] =	vst v4  }
0x35a: {  	[tilespmem:s23+$0x180] =	vst v0  }
0x35b: {  	[tilespmem:s23+$0x200] =	vst v3  }
0x35c: {  	[tilespmem:s23+$0x280] =	vst v2  }
0x35d: {  	v0 =	vld [tilespmem:s22+$0x10];
	_ =	sdelay $0x3  }
0x35e: {  	s31 =	simm.s32 $0x5FA  }
0x35f: {  	s24 =	simm.s32 $0x594;
	v1 =	vadd.s32 s31, v0  }
0x360: {  	s25 =	simm.s32 $0x66;
	v2 =	vadd.s32 s24, v0  }
0x361: {  	s28 =	simm.s32 $0x132;
	v3 =	vadd.s32 s25, v0  }
0x362: {  	s26 =	simm.s32 $0xCC;
	v5 =	vadd.s32 s28, v0  }
0x363: {  	s29 =	simm.s32 $0x198;
	v4 =	vadd.s32 s26, v0  }
0x364: {  	s30 =	simm.s32 $0x0;
	v6 =	vadd.s32 s29, v0;
	v1 =	vld.idx.msk [tilespmem:v1+s15+$0x0], $0xffff  }
0x365: {  	s31 =	simm.s32 $0x1FE;
	v7 =	vadd.s32 s30, v0;
	v2 =	vld.idx.msk [tilespmem:v2+s15+$0x0], $0xffff  }
0x366: {  	s25 =	simm.s32 $0x264;
	v8 =	vadd.s32 s31, v0;
	v3 =	vld.idx.msk [tilespmem:v3+s15+$0x0], $0xffff  }
0x367: {  	s26 =	simm.s32 $0x2CA;
	v9 =	vadd.s32 s25, v0;
	v5 =	vld.idx.msk [tilespmem:v5+s15+$0x0], $0xffff  }
0x368: {  	s28 =	simm.s32 $0x330;
	v11 =	vadd.s32 s26, v0;
	v4 =	vld.idx.msk [tilespmem:v4+s15+$0x0], $0xffff  }
0x369: {  	s25 =	simm.s32 $0x396;
	v12 =	vadd.s32 s28, v0;
	v6 =	vld.idx.msk [tilespmem:v6+s15+$0x0], $0xffff  }
0x36a: {  	s23 =	simm.s32 $0x5190;
	s29 =	simm.s32 $0x3FC;
	v13 =	vadd.s32 s25, v0;
	v14 =	vld.idx.msk [tilespmem:v7+s15+$0x0], $0xffff  }
0x36b: {  	s30 =	simm.s32 $0x462;
	v15 =	vadd.s32 s29, v0;
	v10 =	vld.idx.msk [tilespmem:v8+s15+$0x0], $0xffff;
	[tilespmem:s23+$0x300] =	vst v2  }
0x36c: {  	s31 =	simm.s32 $0x4C8;
	v9 =	vld.idx.msk [tilespmem:v9+s15+$0x0], $0xffff;
	[tilespmem:s23+$0xFFFFFD80] =	vst v5;
	v5 =	vadd.s32 s30, v0  }
0x36d: {  	s26 =	simm.s32 $0x52E;
	v8 =	vld.idx.msk [tilespmem:v11+s15+$0x0], $0xffff;
	[tilespmem:s23+$0xFFFFFC80] =	vst v3;
	v3 =	vadd.s32 s31, v0  }
0x36e: {  	v7 =	vld.idx.msk [tilespmem:v12+s15+$0x0], $0xffff;
	[tilespmem:s23+$0xFFFFFD00] =	vst v4;
	v2 =	vadd.s32 s26, v0  }
0x36f: {  	[tilespmem:s23+$0xFFFFFE00] =	vst v6;
	v6 =	vld.idx.msk [tilespmem:v13+s15+$0x0], $0xffff  }
0x370: {  	s24 =	simm.s32 $0x0;
	s25 =	simm.s32 $0xC5A;
	[tilespmem:s23+$0xFFFFFC00] =	vst v14;
	v4 =	vld.idx.msk [tilespmem:v15+s15+$0x0], $0xffff  }
.LBB2_37:
0x371: {  	s26 =	sadd.s32 $0xFFFFFA6C, s25;
	s28 =	sadd.s32 $0xFFFFFF9A, s25;
	v11 =	vadd.s32 s25, v0;
	s24 =	sadd.s32 $0x10, s24;
	[tilespmem:s23+$0xFFFFFE80] =	vst v10;
	v10 =	vld.idx.msk [tilespmem:v5+s15+$0x0], $0xffff  }
0x372: {  	s29 =	sadd.s32 $0xFFFFFB38, s25;
	v12 =	vadd.s32 s26, v0;
	s26 =	sadd.s32 $0xFFFFFAD2, s25;
	v13 =	vadd.s32 s28, v0;
	p0 =	slt.u32 s24, $0x30;
	[tilespmem:s23+$0xFFFFFF00] =	vst v9;
	v9 =	vld.idx.msk [tilespmem:v3+s15+$0x0], $0xffff  }
0x373: {  	v15 =	vadd.s32 s29, v0;
	s28 =	sadd.s32 $0xFFFFFC04, s25;
	s29 =	sadd.s32 $0xFFFFFC6A, s25;
	v14 =	vadd.s32 s26, v0;
	s26 =	sadd.s32 $0xFFFFFB9E, s25;
	[tilespmem:s23+$0xFFFFFF80] =	vst v8;
	v8 =	vld.idx.msk [tilespmem:v2+s15+$0x0], $0xffff  }
0x374: {  	v17 =	vadd.s32 s28, v0;
	v18 =	vadd.s32 s29, v0;
	s28 =	sadd.s32 $0xFFFFFD36, s25;
	s29 =	sadd.s32 $0xFFFFFD9C, s25;
	v16 =	vadd.s32 s26, v0;
	s26 =	sadd.s32 $0xFFFFFCD0, s25;
	[tilespmem:s23+$0x0] =	vst v7  }
0x375: {  	v19 =	vadd.s32 s28, v0;
	v20 =	vadd.s32 s29, v0;
	s28 =	sadd.s32 $0xFFFFFE68, s25;
	s29 =	sadd.s32 $0xFFFFFECE, s25;
	v7 =	vadd.s32 s26, v0;
	s26 =	sadd.s32 $0xFFFFFE02, s25;
	[tilespmem:s23+$0x80] =	vst v6  }
0x376: {  	s30 =	sadd.s32 $0xFFFFFA06, s25;
	v5 =	vadd.s32 s28, v0;
	v3 =	vadd.s32 s29, v0;
	v21 =	vadd.s32 s26, v0;
	s26 =	sadd.s32 $0xFFFFFF34, s25;
	v6 =	vld.idx.msk [tilespmem:v11+s15+$0x0], $0xffff  }
0x377: {  	v11 =	vadd.s32 s30, v0;
	v2 =	vadd.s32 s26, v0;
	v13 =	vld.idx.msk [tilespmem:v13+s15+$0x0], $0xffff;
	[tilespmem:s23+$0x100] =	vst v4  }
0x378: {  	v4 =	vld.idx.msk [tilespmem:v12+s15+$0x0], $0xffff;
	[tilespmem:s23+$0x180] =	vst v10  }
0x379: {  	v12 =	vld.idx.msk [tilespmem:v14+s15+$0x0], $0xffff;
	[tilespmem:s23+$0x200] =	vst v9  }
0x37a: {  	v14 =	vld.idx.msk [tilespmem:v15+s15+$0x0], $0xffff;
	[tilespmem:s23+$0x280] =	vst v8  }
0x37b: {  	v15 =	vld.idx.msk [tilespmem:v16+s15+$0x0], $0xffff;
	[tilespmem:s23+$0x380] =	vst v1  }
0x37c: {  	s23 =	sadd.s32 $0x800, s23;
	v1 =	vmov v6;
	v11 =	vld.idx.msk [tilespmem:v11+s15+$0x0], $0xffff  }
0x37d: {  	v10 =	vld.idx.msk [tilespmem:v17+s15+$0x0], $0xffff;
	[tilespmem:s23+$0x300] =	vst v13  }
.Ltmp17:
0x37e: {  	[tilespmem:s23+$0xFFFFFC80] =	vst v4;
	v9 =	vld.idx.msk [tilespmem:v18+s15+$0x0], $0xffff;
	(pc) =	sbr.rel @p0 .LBB2_37-.Ltmp17, $4  }
0x37f: {  	[tilespmem:s23+$0xFFFFFD00] =	vst v12;
	v8 =	vld.idx.msk [tilespmem:v7+s15+$0x0], $0xffff  }
0x380: {  	[tilespmem:s23+$0xFFFFFD80] =	vst v14;
	v7 =	vld.idx.msk [tilespmem:v19+s15+$0x0], $0xffff  }
0x381: {  	[tilespmem:s23+$0xFFFFFE00] =	vst v15;
	v6 =	vld.idx.msk [tilespmem:v20+s15+$0x0], $0xffff  }
0x382: {  	s25 =	sadd.s32 $0x660, s25;
	[tilespmem:s23+$0xFFFFFC00] =	vst v11;
	v4 =	vld.idx.msk [tilespmem:v21+s15+$0x0], $0xffff  }
0x383: {  	_ =	sdelay $0x1  }
0x384: {  	[tilespmem:s23+$0xFFFFFE80] =	vst v10  }
0x385: {  	[tilespmem:s23+$0xFFFFFF00] =	vst v9  }
0x386: {  	v0 =	vld.idx.msk [tilespmem:v5+s15+$0x0], $0xffff;
	[tilespmem:s23+$0x380] =	vst v1  }
0x387: {  	v3 =	vld.idx.msk [tilespmem:v3+s15+$0x0], $0xffff;
	[tilespmem:s23+$0xFFFFFF80] =	vst v8  }
0x388: {  	v2 =	vld.idx.msk [tilespmem:v2+s15+$0x0], $0xffff;
	[tilespmem:s23+$0x0] =	vst v7  }
0x389: {  	[tilespmem:s23+$0x80] =	vst v6  }
0x38a: {  	[tilespmem:s23+$0x100] =	vst v4  }
0x38b: {  	[tilespmem:s23+$0x180] =	vst v0  }
0x38c: {  	[tilespmem:s23+$0x200] =	vst v3  }
0x38d: {  	[tilespmem:s23+$0x280] =	vst v2  }
0x38e: {  	v0 =	vld [tilespmem:s22+$0x20];
	_ =	sdelay $0x3  }
0x38f: {  	s31 =	simm.s32 $0x5FA  }
0x390: {  	s24 =	simm.s32 $0x594;
	v1 =	vadd.s32 s31, v0  }
0x391: {  	s25 =	simm.s32 $0x66;
	v2 =	vadd.s32 s24, v0  }
0x392: {  	s28 =	simm.s32 $0x132;
	v3 =	vadd.s32 s25, v0  }
0x393: {  	s26 =	simm.s32 $0xCC;
	v5 =	vadd.s32 s28, v0  }
0x394: {  	s29 =	simm.s32 $0x198;
	v4 =	vadd.s32 s26, v0  }
0x395: {  	s30 =	simm.s32 $0x0;
	v6 =	vadd.s32 s29, v0;
	v1 =	vld.idx.msk [tilespmem:v1+s15+$0x0], $0xffff  }
0x396: {  	s31 =	simm.s32 $0x1FE;
	v7 =	vadd.s32 s30, v0;
	v2 =	vld.idx.msk [tilespmem:v2+s15+$0x0], $0xffff  }
0x397: {  	s25 =	simm.s32 $0x264;
	v8 =	vadd.s32 s31, v0;
	v3 =	vld.idx.msk [tilespmem:v3+s15+$0x0], $0xffff  }
0x398: {  	s26 =	simm.s32 $0x2CA;
	v9 =	vadd.s32 s25, v0;
	v5 =	vld.idx.msk [tilespmem:v5+s15+$0x0], $0xffff  }
0x399: {  	s28 =	simm.s32 $0x330;
	v11 =	vadd.s32 s26, v0;
	v4 =	vld.idx.msk [tilespmem:v4+s15+$0x0], $0xffff  }
0x39a: {  	s25 =	simm.s32 $0x396;
	v12 =	vadd.s32 s28, v0;
	v6 =	vld.idx.msk [tilespmem:v6+s15+$0x0], $0xffff  }
0x39b: {  	s23 =	simm.s32 $0x51A0;
	s29 =	simm.s32 $0x3FC;
	v13 =	vadd.s32 s25, v0;
	v14 =	vld.idx.msk [tilespmem:v7+s15+$0x0], $0xffff  }
0x39c: {  	s30 =	simm.s32 $0x462;
	v15 =	vadd.s32 s29, v0;
	v10 =	vld.idx.msk [tilespmem:v8+s15+$0x0], $0xffff;
	[tilespmem:s23+$0x300] =	vst v2  }
0x39d: {  	s31 =	simm.s32 $0x4C8;
	v9 =	vld.idx.msk [tilespmem:v9+s15+$0x0], $0xffff;
	[tilespmem:s23+$0xFFFFFD80] =	vst v5;
	v5 =	vadd.s32 s30, v0  }
0x39e: {  	s26 =	simm.s32 $0x52E;
	v8 =	vld.idx.msk [tilespmem:v11+s15+$0x0], $0xffff;
	[tilespmem:s23+$0xFFFFFC80] =	vst v3;
	v3 =	vadd.s32 s31, v0  }
0x39f: {  	v7 =	vld.idx.msk [tilespmem:v12+s15+$0x0], $0xffff;
	[tilespmem:s23+$0xFFFFFD00] =	vst v4;
	v2 =	vadd.s32 s26, v0  }
0x3a0: {  	[tilespmem:s23+$0xFFFFFE00] =	vst v6;
	v6 =	vld.idx.msk [tilespmem:v13+s15+$0x0], $0xffff  }
0x3a1: {  	s24 =	simm.s32 $0x0;
	s25 =	simm.s32 $0xC5A;
	[tilespmem:s23+$0xFFFFFC00] =	vst v14;
	v4 =	vld.idx.msk [tilespmem:v15+s15+$0x0], $0xffff  }
.LBB2_39:
0x3a2: {  	s26 =	sadd.s32 $0xFFFFFA6C, s25;
	s28 =	sadd.s32 $0xFFFFFF9A, s25;
	v11 =	vadd.s32 s25, v0;
	s24 =	sadd.s32 $0x10, s24;
	[tilespmem:s23+$0xFFFFFE80] =	vst v10;
	v10 =	vld.idx.msk [tilespmem:v5+s15+$0x0], $0xffff  }
0x3a3: {  	s29 =	sadd.s32 $0xFFFFFB38, s25;
	v12 =	vadd.s32 s26, v0;
	s26 =	sadd.s32 $0xFFFFFAD2, s25;
	v13 =	vadd.s32 s28, v0;
	p0 =	slt.u32 s24, $0x30;
	[tilespmem:s23+$0xFFFFFF00] =	vst v9;
	v9 =	vld.idx.msk [tilespmem:v3+s15+$0x0], $0xffff  }
0x3a4: {  	v15 =	vadd.s32 s29, v0;
	s28 =	sadd.s32 $0xFFFFFC04, s25;
	s29 =	sadd.s32 $0xFFFFFC6A, s25;
	v14 =	vadd.s32 s26, v0;
	s26 =	sadd.s32 $0xFFFFFB9E, s25;
	[tilespmem:s23+$0xFFFFFF80] =	vst v8;
	v8 =	vld.idx.msk [tilespmem:v2+s15+$0x0], $0xffff  }
0x3a5: {  	v17 =	vadd.s32 s28, v0;
	v18 =	vadd.s32 s29, v0;
	s28 =	sadd.s32 $0xFFFFFD36, s25;
	s29 =	sadd.s32 $0xFFFFFD9C, s25;
	v16 =	vadd.s32 s26, v0;
	s26 =	sadd.s32 $0xFFFFFCD0, s25;
	[tilespmem:s23+$0x0] =	vst v7  }
0x3a6: {  	v19 =	vadd.s32 s28, v0;
	v20 =	vadd.s32 s29, v0;
	s28 =	sadd.s32 $0xFFFFFE68, s25;
	s29 =	sadd.s32 $0xFFFFFECE, s25;
	v7 =	vadd.s32 s26, v0;
	s26 =	sadd.s32 $0xFFFFFE02, s25;
	[tilespmem:s23+$0x80] =	vst v6  }
0x3a7: {  	s30 =	sadd.s32 $0xFFFFFA06, s25;
	v5 =	vadd.s32 s28, v0;
	v3 =	vadd.s32 s29, v0;
	v21 =	vadd.s32 s26, v0;
	s26 =	sadd.s32 $0xFFFFFF34, s25;
	v6 =	vld.idx.msk [tilespmem:v11+s15+$0x0], $0xffff  }
0x3a8: {  	v11 =	vadd.s32 s30, v0;
	v2 =	vadd.s32 s26, v0;
	v13 =	vld.idx.msk [tilespmem:v13+s15+$0x0], $0xffff;
	[tilespmem:s23+$0x100] =	vst v4  }
0x3a9: {  	v4 =	vld.idx.msk [tilespmem:v12+s15+$0x0], $0xffff;
	[tilespmem:s23+$0x180] =	vst v10  }
0x3aa: {  	v12 =	vld.idx.msk [tilespmem:v14+s15+$0x0], $0xffff;
	[tilespmem:s23+$0x200] =	vst v9  }
0x3ab: {  	v14 =	vld.idx.msk [tilespmem:v15+s15+$0x0], $0xffff;
	[tilespmem:s23+$0x280] =	vst v8  }
0x3ac: {  	v15 =	vld.idx.msk [tilespmem:v16+s15+$0x0], $0xffff;
	[tilespmem:s23+$0x380] =	vst v1  }
0x3ad: {  	s23 =	sadd.s32 $0x800, s23;
	v1 =	vmov v6;
	v11 =	vld.idx.msk [tilespmem:v11+s15+$0x0], $0xffff  }
0x3ae: {  	v10 =	vld.idx.msk [tilespmem:v17+s15+$0x0], $0xffff;
	[tilespmem:s23+$0x300] =	vst v13  }
.Ltmp18:
0x3af: {  	[tilespmem:s23+$0xFFFFFC80] =	vst v4;
	v9 =	vld.idx.msk [tilespmem:v18+s15+$0x0], $0xffff;
	(pc) =	sbr.rel @p0 .LBB2_39-.Ltmp18, $4  }
0x3b0: {  	[tilespmem:s23+$0xFFFFFD00] =	vst v12;
	v8 =	vld.idx.msk [tilespmem:v7+s15+$0x0], $0xffff  }
0x3b1: {  	[tilespmem:s23+$0xFFFFFD80] =	vst v14;
	v7 =	vld.idx.msk [tilespmem:v19+s15+$0x0], $0xffff  }
0x3b2: {  	[tilespmem:s23+$0xFFFFFE00] =	vst v15;
	v6 =	vld.idx.msk [tilespmem:v20+s15+$0x0], $0xffff  }
0x3b3: {  	s25 =	sadd.s32 $0x660, s25;
	[tilespmem:s23+$0xFFFFFC00] =	vst v11;
	v4 =	vld.idx.msk [tilespmem:v21+s15+$0x0], $0xffff  }
0x3b4: {  	_ =	sdelay $0x1  }
0x3b5: {  	[tilespmem:s23+$0xFFFFFE80] =	vst v10  }
0x3b6: {  	[tilespmem:s23+$0xFFFFFF00] =	vst v9  }
0x3b7: {  	v0 =	vld.idx.msk [tilespmem:v5+s15+$0x0], $0xffff;
	[tilespmem:s23+$0x380] =	vst v1  }
0x3b8: {  	v3 =	vld.idx.msk [tilespmem:v3+s15+$0x0], $0xffff;
	[tilespmem:s23+$0xFFFFFF80] =	vst v8  }
0x3b9: {  	v2 =	vld.idx.msk [tilespmem:v2+s15+$0x0], $0xffff;
	[tilespmem:s23+$0x0] =	vst v7  }
0x3ba: {  	[tilespmem:s23+$0x80] =	vst v6  }
0x3bb: {  	[tilespmem:s23+$0x100] =	vst v4  }
0x3bc: {  	[tilespmem:s23+$0x180] =	vst v0  }
0x3bd: {  	[tilespmem:s23+$0x200] =	vst v3  }
0x3be: {  	[tilespmem:s23+$0x280] =	vst v2  }
0x3bf: {  	v0 =	vld [tilespmem:s22+$0x30];
	_ =	sdelay $0x3  }
0x3c0: {  	s31 =	simm.s32 $0x5FA  }
0x3c1: {  	s24 =	simm.s32 $0x594;
	v1 =	vadd.s32 s31, v0  }
0x3c2: {  	s25 =	simm.s32 $0x66;
	v2 =	vadd.s32 s24, v0  }
0x3c3: {  	s28 =	simm.s32 $0x132;
	v3 =	vadd.s32 s25, v0  }
0x3c4: {  	s26 =	simm.s32 $0xCC;
	v5 =	vadd.s32 s28, v0  }
0x3c5: {  	s29 =	simm.s32 $0x198;
	v4 =	vadd.s32 s26, v0  }
0x3c6: {  	s30 =	simm.s32 $0x0;
	v6 =	vadd.s32 s29, v0;
	v1 =	vld.idx.msk [tilespmem:v1+s15+$0x0], $0xffff  }
0x3c7: {  	s31 =	simm.s32 $0x1FE;
	v7 =	vadd.s32 s30, v0;
	v2 =	vld.idx.msk [tilespmem:v2+s15+$0x0], $0xffff  }
0x3c8: {  	s25 =	simm.s32 $0x264;
	v8 =	vadd.s32 s31, v0;
	v3 =	vld.idx.msk [tilespmem:v3+s15+$0x0], $0xffff  }
0x3c9: {  	s26 =	simm.s32 $0x2CA;
	v9 =	vadd.s32 s25, v0;
	v5 =	vld.idx.msk [tilespmem:v5+s15+$0x0], $0xffff  }
0x3ca: {  	s28 =	simm.s32 $0x330;
	v11 =	vadd.s32 s26, v0;
	v4 =	vld.idx.msk [tilespmem:v4+s15+$0x0], $0xffff  }
0x3cb: {  	s25 =	simm.s32 $0x396;
	v12 =	vadd.s32 s28, v0;
	v6 =	vld.idx.msk [tilespmem:v6+s15+$0x0], $0xffff  }
0x3cc: {  	s23 =	simm.s32 $0x51B0;
	s29 =	simm.s32 $0x3FC;
	v13 =	vadd.s32 s25, v0;
	v14 =	vld.idx.msk [tilespmem:v7+s15+$0x0], $0xffff  }
0x3cd: {  	s30 =	simm.s32 $0x462;
	v15 =	vadd.s32 s29, v0;
	v10 =	vld.idx.msk [tilespmem:v8+s15+$0x0], $0xffff;
	[tilespmem:s23+$0x300] =	vst v2  }
0x3ce: {  	s31 =	simm.s32 $0x4C8;
	v9 =	vld.idx.msk [tilespmem:v9+s15+$0x0], $0xffff;
	[tilespmem:s23+$0xFFFFFD80] =	vst v5;
	v5 =	vadd.s32 s30, v0  }
0x3cf: {  	s26 =	simm.s32 $0x52E;
	v8 =	vld.idx.msk [tilespmem:v11+s15+$0x0], $0xffff;
	[tilespmem:s23+$0xFFFFFC80] =	vst v3;
	v3 =	vadd.s32 s31, v0  }
0x3d0: {  	v7 =	vld.idx.msk [tilespmem:v12+s15+$0x0], $0xffff;
	[tilespmem:s23+$0xFFFFFD00] =	vst v4;
	v2 =	vadd.s32 s26, v0  }
0x3d1: {  	[tilespmem:s23+$0xFFFFFE00] =	vst v6;
	v6 =	vld.idx.msk [tilespmem:v13+s15+$0x0], $0xffff  }
0x3d2: {  	s24 =	simm.s32 $0x0;
	s25 =	simm.s32 $0xC5A;
	[tilespmem:s23+$0xFFFFFC00] =	vst v14;
	v4 =	vld.idx.msk [tilespmem:v15+s15+$0x0], $0xffff  }
.LBB2_41:
0x3d3: {  	s26 =	sadd.s32 $0xFFFFFA6C, s25;
	s28 =	sadd.s32 $0xFFFFFF9A, s25;
	v11 =	vadd.s32 s25, v0;
	s24 =	sadd.s32 $0x10, s24;
	[tilespmem:s23+$0xFFFFFE80] =	vst v10;
	v10 =	vld.idx.msk [tilespmem:v5+s15+$0x0], $0xffff  }
0x3d4: {  	s29 =	sadd.s32 $0xFFFFFB38, s25;
	v12 =	vadd.s32 s26, v0;
	s26 =	sadd.s32 $0xFFFFFAD2, s25;
	v13 =	vadd.s32 s28, v0;
	p0 =	slt.u32 s24, $0x30;
	[tilespmem:s23+$0xFFFFFF00] =	vst v9;
	v9 =	vld.idx.msk [tilespmem:v3+s15+$0x0], $0xffff  }
0x3d5: {  	v15 =	vadd.s32 s29, v0;
	s28 =	sadd.s32 $0xFFFFFC04, s25;
	s29 =	sadd.s32 $0xFFFFFC6A, s25;
	v14 =	vadd.s32 s26, v0;
	s26 =	sadd.s32 $0xFFFFFB9E, s25;
	[tilespmem:s23+$0xFFFFFF80] =	vst v8;
	v8 =	vld.idx.msk [tilespmem:v2+s15+$0x0], $0xffff  }
0x3d6: {  	v17 =	vadd.s32 s28, v0;
	v18 =	vadd.s32 s29, v0;
	s28 =	sadd.s32 $0xFFFFFD36, s25;
	s29 =	sadd.s32 $0xFFFFFD9C, s25;
	v16 =	vadd.s32 s26, v0;
	s26 =	sadd.s32 $0xFFFFFCD0, s25;
	[tilespmem:s23+$0x0] =	vst v7  }
0x3d7: {  	v19 =	vadd.s32 s28, v0;
	v20 =	vadd.s32 s29, v0;
	s28 =	sadd.s32 $0xFFFFFE68, s25;
	s29 =	sadd.s32 $0xFFFFFECE, s25;
	v7 =	vadd.s32 s26, v0;
	s26 =	sadd.s32 $0xFFFFFE02, s25;
	[tilespmem:s23+$0x80] =	vst v6  }
0x3d8: {  	s30 =	sadd.s32 $0xFFFFFA06, s25;
	v5 =	vadd.s32 s28, v0;
	v3 =	vadd.s32 s29, v0;
	v21 =	vadd.s32 s26, v0;
	s26 =	sadd.s32 $0xFFFFFF34, s25;
	v6 =	vld.idx.msk [tilespmem:v11+s15+$0x0], $0xffff  }
0x3d9: {  	v11 =	vadd.s32 s30, v0;
	v2 =	vadd.s32 s26, v0;
	v13 =	vld.idx.msk [tilespmem:v13+s15+$0x0], $0xffff;
	[tilespmem:s23+$0x100] =	vst v4  }
0x3da: {  	v4 =	vld.idx.msk [tilespmem:v12+s15+$0x0], $0xffff;
	[tilespmem:s23+$0x180] =	vst v10  }
0x3db: {  	v12 =	vld.idx.msk [tilespmem:v14+s15+$0x0], $0xffff;
	[tilespmem:s23+$0x200] =	vst v9  }
0x3dc: {  	v14 =	vld.idx.msk [tilespmem:v15+s15+$0x0], $0xffff;
	[tilespmem:s23+$0x280] =	vst v8  }
0x3dd: {  	v15 =	vld.idx.msk [tilespmem:v16+s15+$0x0], $0xffff;
	[tilespmem:s23+$0x380] =	vst v1  }
0x3de: {  	s23 =	sadd.s32 $0x800, s23;
	v1 =	vmov v6;
	v11 =	vld.idx.msk [tilespmem:v11+s15+$0x0], $0xffff  }
0x3df: {  	v10 =	vld.idx.msk [tilespmem:v17+s15+$0x0], $0xffff;
	[tilespmem:s23+$0x300] =	vst v13  }
.Ltmp19:
0x3e0: {  	[tilespmem:s23+$0xFFFFFC80] =	vst v4;
	v9 =	vld.idx.msk [tilespmem:v18+s15+$0x0], $0xffff;
	(pc) =	sbr.rel @p0 .LBB2_41-.Ltmp19, $4  }
0x3e1: {  	[tilespmem:s23+$0xFFFFFD00] =	vst v12;
	v8 =	vld.idx.msk [tilespmem:v7+s15+$0x0], $0xffff  }
0x3e2: {  	[tilespmem:s23+$0xFFFFFD80] =	vst v14;
	v7 =	vld.idx.msk [tilespmem:v19+s15+$0x0], $0xffff  }
0x3e3: {  	[tilespmem:s23+$0xFFFFFE00] =	vst v15;
	v6 =	vld.idx.msk [tilespmem:v20+s15+$0x0], $0xffff  }
0x3e4: {  	s25 =	sadd.s32 $0x660, s25;
	[tilespmem:s23+$0xFFFFFC00] =	vst v11;
	v4 =	vld.idx.msk [tilespmem:v21+s15+$0x0], $0xffff  }
0x3e5: {  	_ =	sdelay $0x1  }
0x3e6: {  	[tilespmem:s23+$0xFFFFFE80] =	vst v10  }
0x3e7: {  	[tilespmem:s23+$0xFFFFFF00] =	vst v9  }
0x3e8: {  	v0 =	vld.idx.msk [tilespmem:v5+s15+$0x0], $0xffff;
	[tilespmem:s23+$0x380] =	vst v1  }
0x3e9: {  	v3 =	vld.idx.msk [tilespmem:v3+s15+$0x0], $0xffff;
	[tilespmem:s23+$0xFFFFFF80] =	vst v8  }
0x3ea: {  	v2 =	vld.idx.msk [tilespmem:v2+s15+$0x0], $0xffff;
	[tilespmem:s23+$0x0] =	vst v7  }
0x3eb: {  	[tilespmem:s23+$0x80] =	vst v6  }
0x3ec: {  	[tilespmem:s23+$0x100] =	vst v4  }
0x3ed: {  	[tilespmem:s23+$0x180] =	vst v0  }
0x3ee: {  	[tilespmem:s23+$0x200] =	vst v3  }
0x3ef: {  	[tilespmem:s23+$0x280] =	vst v2  }
0x3f0: {  	v0 =	vld [tilespmem:s22+$0x40];
	_ =	sdelay $0x3  }
0x3f1: {  	s31 =	simm.s32 $0x5FA  }
0x3f2: {  	s24 =	simm.s32 $0x594;
	v1 =	vadd.s32 s31, v0  }
0x3f3: {  	s25 =	simm.s32 $0x66;
	v2 =	vadd.s32 s24, v0  }
0x3f4: {  	s28 =	simm.s32 $0x132;
	v3 =	vadd.s32 s25, v0  }
0x3f5: {  	s26 =	simm.s32 $0xCC;
	v5 =	vadd.s32 s28, v0  }
0x3f6: {  	s29 =	simm.s32 $0x198;
	v4 =	vadd.s32 s26, v0  }
0x3f7: {  	s30 =	simm.s32 $0x0;
	v6 =	vadd.s32 s29, v0;
	v1 =	vld.idx.msk [tilespmem:v1+s15+$0x0], $0xffff  }
0x3f8: {  	s31 =	simm.s32 $0x1FE;
	v7 =	vadd.s32 s30, v0;
	v2 =	vld.idx.msk [tilespmem:v2+s15+$0x0], $0xffff  }
0x3f9: {  	s25 =	simm.s32 $0x264;
	v8 =	vadd.s32 s31, v0;
	v3 =	vld.idx.msk [tilespmem:v3+s15+$0x0], $0xffff  }
0x3fa: {  	s26 =	simm.s32 $0x2CA;
	v9 =	vadd.s32 s25, v0;
	v5 =	vld.idx.msk [tilespmem:v5+s15+$0x0], $0xffff  }
0x3fb: {  	s28 =	simm.s32 $0x330;
	v11 =	vadd.s32 s26, v0;
	v4 =	vld.idx.msk [tilespmem:v4+s15+$0x0], $0xffff  }
0x3fc: {  	s25 =	simm.s32 $0x396;
	v12 =	vadd.s32 s28, v0;
	v6 =	vld.idx.msk [tilespmem:v6+s15+$0x0], $0xffff  }
0x3fd: {  	s23 =	simm.s32 $0x51C0;
	s29 =	simm.s32 $0x3FC;
	v13 =	vadd.s32 s25, v0;
	v14 =	vld.idx.msk [tilespmem:v7+s15+$0x0], $0xffff  }
0x3fe: {  	s30 =	simm.s32 $0x462;
	v15 =	vadd.s32 s29, v0;
	v10 =	vld.idx.msk [tilespmem:v8+s15+$0x0], $0xffff;
	[tilespmem:s23+$0x300] =	vst v2  }
0x3ff: {  	s31 =	simm.s32 $0x4C8;
	v9 =	vld.idx.msk [tilespmem:v9+s15+$0x0], $0xffff;
	[tilespmem:s23+$0xFFFFFD80] =	vst v5;
	v5 =	vadd.s32 s30, v0  }
0x400: {  	s26 =	simm.s32 $0x52E;
	v8 =	vld.idx.msk [tilespmem:v11+s15+$0x0], $0xffff;
	[tilespmem:s23+$0xFFFFFC80] =	vst v3;
	v3 =	vadd.s32 s31, v0  }
0x401: {  	v7 =	vld.idx.msk [tilespmem:v12+s15+$0x0], $0xffff;
	[tilespmem:s23+$0xFFFFFD00] =	vst v4;
	v2 =	vadd.s32 s26, v0  }
0x402: {  	[tilespmem:s23+$0xFFFFFE00] =	vst v6;
	v6 =	vld.idx.msk [tilespmem:v13+s15+$0x0], $0xffff  }
0x403: {  	s24 =	simm.s32 $0x0;
	s25 =	simm.s32 $0xC5A;
	[tilespmem:s23+$0xFFFFFC00] =	vst v14;
	v4 =	vld.idx.msk [tilespmem:v15+s15+$0x0], $0xffff  }
.LBB2_43:
0x404: {  	s26 =	sadd.s32 $0xFFFFFA6C, s25;
	s28 =	sadd.s32 $0xFFFFFF9A, s25;
	v11 =	vadd.s32 s25, v0;
	s24 =	sadd.s32 $0x10, s24;
	[tilespmem:s23+$0xFFFFFE80] =	vst v10;
	v10 =	vld.idx.msk [tilespmem:v5+s15+$0x0], $0xffff  }
0x405: {  	s29 =	sadd.s32 $0xFFFFFB38, s25;
	v12 =	vadd.s32 s26, v0;
	s26 =	sadd.s32 $0xFFFFFAD2, s25;
	v13 =	vadd.s32 s28, v0;
	p0 =	slt.u32 s24, $0x30;
	[tilespmem:s23+$0xFFFFFF00] =	vst v9;
	v9 =	vld.idx.msk [tilespmem:v3+s15+$0x0], $0xffff  }
0x406: {  	v15 =	vadd.s32 s29, v0;
	s28 =	sadd.s32 $0xFFFFFC04, s25;
	s29 =	sadd.s32 $0xFFFFFC6A, s25;
	v14 =	vadd.s32 s26, v0;
	s26 =	sadd.s32 $0xFFFFFB9E, s25;
	[tilespmem:s23+$0xFFFFFF80] =	vst v8;
	v8 =	vld.idx.msk [tilespmem:v2+s15+$0x0], $0xffff  }
0x407: {  	v17 =	vadd.s32 s28, v0;
	v18 =	vadd.s32 s29, v0;
	s28 =	sadd.s32 $0xFFFFFD36, s25;
	s29 =	sadd.s32 $0xFFFFFD9C, s25;
	v16 =	vadd.s32 s26, v0;
	s26 =	sadd.s32 $0xFFFFFCD0, s25;
	[tilespmem:s23+$0x0] =	vst v7  }
0x408: {  	v19 =	vadd.s32 s28, v0;
	v20 =	vadd.s32 s29, v0;
	s28 =	sadd.s32 $0xFFFFFE68, s25;
	s29 =	sadd.s32 $0xFFFFFECE, s25;
	v7 =	vadd.s32 s26, v0;
	s26 =	sadd.s32 $0xFFFFFE02, s25;
	[tilespmem:s23+$0x80] =	vst v6  }
0x409: {  	s30 =	sadd.s32 $0xFFFFFA06, s25;
	v5 =	vadd.s32 s28, v0;
	v3 =	vadd.s32 s29, v0;
	v21 =	vadd.s32 s26, v0;
	s26 =	sadd.s32 $0xFFFFFF34, s25;
	v6 =	vld.idx.msk [tilespmem:v11+s15+$0x0], $0xffff  }
0x40a: {  	v11 =	vadd.s32 s30, v0;
	v2 =	vadd.s32 s26, v0;
	v13 =	vld.idx.msk [tilespmem:v13+s15+$0x0], $0xffff;
	[tilespmem:s23+$0x100] =	vst v4  }
0x40b: {  	v4 =	vld.idx.msk [tilespmem:v12+s15+$0x0], $0xffff;
	[tilespmem:s23+$0x180] =	vst v10  }
0x40c: {  	v12 =	vld.idx.msk [tilespmem:v14+s15+$0x0], $0xffff;
	[tilespmem:s23+$0x200] =	vst v9  }
0x40d: {  	v14 =	vld.idx.msk [tilespmem:v15+s15+$0x0], $0xffff;
	[tilespmem:s23+$0x280] =	vst v8  }
0x40e: {  	v15 =	vld.idx.msk [tilespmem:v16+s15+$0x0], $0xffff;
	[tilespmem:s23+$0x380] =	vst v1  }
0x40f: {  	s23 =	sadd.s32 $0x800, s23;
	v1 =	vmov v6;
	v11 =	vld.idx.msk [tilespmem:v11+s15+$0x0], $0xffff  }
0x410: {  	v10 =	vld.idx.msk [tilespmem:v17+s15+$0x0], $0xffff;
	[tilespmem:s23+$0x300] =	vst v13  }
.Ltmp20:
0x411: {  	[tilespmem:s23+$0xFFFFFC80] =	vst v4;
	v9 =	vld.idx.msk [tilespmem:v18+s15+$0x0], $0xffff;
	(pc) =	sbr.rel @p0 .LBB2_43-.Ltmp20, $4  }
0x412: {  	[tilespmem:s23+$0xFFFFFD00] =	vst v12;
	v8 =	vld.idx.msk [tilespmem:v7+s15+$0x0], $0xffff  }
0x413: {  	[tilespmem:s23+$0xFFFFFD80] =	vst v14;
	v7 =	vld.idx.msk [tilespmem:v19+s15+$0x0], $0xffff  }
0x414: {  	[tilespmem:s23+$0xFFFFFE00] =	vst v15;
	v6 =	vld.idx.msk [tilespmem:v20+s15+$0x0], $0xffff  }
0x415: {  	s25 =	sadd.s32 $0x660, s25;
	[tilespmem:s23+$0xFFFFFC00] =	vst v11;
	v4 =	vld.idx.msk [tilespmem:v21+s15+$0x0], $0xffff  }
0x416: {  	_ =	sdelay $0x1  }
0x417: {  	[tilespmem:s23+$0xFFFFFE80] =	vst v10  }
0x418: {  	[tilespmem:s23+$0xFFFFFF00] =	vst v9  }
0x419: {  	v0 =	vld.idx.msk [tilespmem:v5+s15+$0x0], $0xffff;
	[tilespmem:s23+$0x380] =	vst v1  }
0x41a: {  	v3 =	vld.idx.msk [tilespmem:v3+s15+$0x0], $0xffff;
	[tilespmem:s23+$0xFFFFFF80] =	vst v8  }
0x41b: {  	v2 =	vld.idx.msk [tilespmem:v2+s15+$0x0], $0xffff;
	[tilespmem:s23+$0x0] =	vst v7  }
0x41c: {  	[tilespmem:s23+$0x80] =	vst v6  }
0x41d: {  	[tilespmem:s23+$0x100] =	vst v4  }
0x41e: {  	[tilespmem:s23+$0x180] =	vst v0  }
0x41f: {  	[tilespmem:s23+$0x200] =	vst v3  }
0x420: {  	[tilespmem:s23+$0x280] =	vst v2  }
0x421: {  	v0 =	vld [tilespmem:s22+$0x50];
	_ =	sdelay $0x3  }
0x422: {  	s31 =	simm.s32 $0x5FA  }
0x423: {  	s24 =	simm.s32 $0x594;
	v1 =	vadd.s32 s31, v0  }
0x424: {  	s25 =	simm.s32 $0x66;
	v2 =	vadd.s32 s24, v0  }
0x425: {  	s28 =	simm.s32 $0x132;
	v3 =	vadd.s32 s25, v0  }
0x426: {  	s26 =	simm.s32 $0xCC;
	v5 =	vadd.s32 s28, v0  }
0x427: {  	s29 =	simm.s32 $0x198;
	v4 =	vadd.s32 s26, v0  }
0x428: {  	s30 =	simm.s32 $0x0;
	v6 =	vadd.s32 s29, v0;
	v1 =	vld.idx.msk [tilespmem:v1+s15+$0x0], $0xffff  }
0x429: {  	s31 =	simm.s32 $0x1FE;
	v7 =	vadd.s32 s30, v0;
	v2 =	vld.idx.msk [tilespmem:v2+s15+$0x0], $0xffff  }
0x42a: {  	s25 =	simm.s32 $0x264;
	v8 =	vadd.s32 s31, v0;
	v3 =	vld.idx.msk [tilespmem:v3+s15+$0x0], $0xffff  }
0x42b: {  	s26 =	simm.s32 $0x2CA;
	v9 =	vadd.s32 s25, v0;
	v5 =	vld.idx.msk [tilespmem:v5+s15+$0x0], $0xffff  }
0x42c: {  	s28 =	simm.s32 $0x330;
	v11 =	vadd.s32 s26, v0;
	v4 =	vld.idx.msk [tilespmem:v4+s15+$0x0], $0xffff  }
0x42d: {  	s25 =	simm.s32 $0x396;
	v12 =	vadd.s32 s28, v0;
	v6 =	vld.idx.msk [tilespmem:v6+s15+$0x0], $0xffff  }
0x42e: {  	s23 =	simm.s32 $0x51D0;
	s29 =	simm.s32 $0x3FC;
	v13 =	vadd.s32 s25, v0;
	v14 =	vld.idx.msk [tilespmem:v7+s15+$0x0], $0xffff  }
0x42f: {  	s30 =	simm.s32 $0x462;
	v15 =	vadd.s32 s29, v0;
	v10 =	vld.idx.msk [tilespmem:v8+s15+$0x0], $0xffff;
	[tilespmem:s23+$0x300] =	vst v2  }
0x430: {  	s31 =	simm.s32 $0x4C8;
	v9 =	vld.idx.msk [tilespmem:v9+s15+$0x0], $0xffff;
	[tilespmem:s23+$0xFFFFFD80] =	vst v5;
	v5 =	vadd.s32 s30, v0  }
0x431: {  	s26 =	simm.s32 $0x52E;
	v8 =	vld.idx.msk [tilespmem:v11+s15+$0x0], $0xffff;
	[tilespmem:s23+$0xFFFFFC80] =	vst v3;
	v3 =	vadd.s32 s31, v0  }
0x432: {  	v7 =	vld.idx.msk [tilespmem:v12+s15+$0x0], $0xffff;
	[tilespmem:s23+$0xFFFFFD00] =	vst v4;
	v2 =	vadd.s32 s26, v0  }
0x433: {  	[tilespmem:s23+$0xFFFFFE00] =	vst v6;
	v6 =	vld.idx.msk [tilespmem:v13+s15+$0x0], $0xffff  }
0x434: {  	s24 =	simm.s32 $0x0;
	s25 =	simm.s32 $0xC5A;
	[tilespmem:s23+$0xFFFFFC00] =	vst v14;
	v4 =	vld.idx.msk [tilespmem:v15+s15+$0x0], $0xffff  }
.LBB2_45:
0x435: {  	s26 =	sadd.s32 $0xFFFFFA6C, s25;
	s28 =	sadd.s32 $0xFFFFFF9A, s25;
	v11 =	vadd.s32 s25, v0;
	s24 =	sadd.s32 $0x10, s24;
	[tilespmem:s23+$0xFFFFFE80] =	vst v10;
	v10 =	vld.idx.msk [tilespmem:v5+s15+$0x0], $0xffff  }
0x436: {  	s29 =	sadd.s32 $0xFFFFFB38, s25;
	v12 =	vadd.s32 s26, v0;
	s26 =	sadd.s32 $0xFFFFFAD2, s25;
	v13 =	vadd.s32 s28, v0;
	p0 =	slt.u32 s24, $0x30;
	[tilespmem:s23+$0xFFFFFF00] =	vst v9;
	v9 =	vld.idx.msk [tilespmem:v3+s15+$0x0], $0xffff  }
0x437: {  	v15 =	vadd.s32 s29, v0;
	s28 =	sadd.s32 $0xFFFFFC04, s25;
	s29 =	sadd.s32 $0xFFFFFC6A, s25;
	v14 =	vadd.s32 s26, v0;
	s26 =	sadd.s32 $0xFFFFFB9E, s25;
	[tilespmem:s23+$0xFFFFFF80] =	vst v8;
	v8 =	vld.idx.msk [tilespmem:v2+s15+$0x0], $0xffff  }
0x438: {  	v17 =	vadd.s32 s28, v0;
	v18 =	vadd.s32 s29, v0;
	s28 =	sadd.s32 $0xFFFFFD36, s25;
	s29 =	sadd.s32 $0xFFFFFD9C, s25;
	v16 =	vadd.s32 s26, v0;
	s26 =	sadd.s32 $0xFFFFFCD0, s25;
	[tilespmem:s23+$0x0] =	vst v7  }
0x439: {  	v19 =	vadd.s32 s28, v0;
	v20 =	vadd.s32 s29, v0;
	s28 =	sadd.s32 $0xFFFFFE68, s25;
	s29 =	sadd.s32 $0xFFFFFECE, s25;
	v7 =	vadd.s32 s26, v0;
	s26 =	sadd.s32 $0xFFFFFE02, s25;
	[tilespmem:s23+$0x80] =	vst v6  }
0x43a: {  	s30 =	sadd.s32 $0xFFFFFA06, s25;
	v5 =	vadd.s32 s28, v0;
	v3 =	vadd.s32 s29, v0;
	v21 =	vadd.s32 s26, v0;
	s26 =	sadd.s32 $0xFFFFFF34, s25;
	v6 =	vld.idx.msk [tilespmem:v11+s15+$0x0], $0xffff  }
0x43b: {  	v11 =	vadd.s32 s30, v0;
	v2 =	vadd.s32 s26, v0;
	v13 =	vld.idx.msk [tilespmem:v13+s15+$0x0], $0xffff;
	[tilespmem:s23+$0x100] =	vst v4  }
0x43c: {  	v4 =	vld.idx.msk [tilespmem:v12+s15+$0x0], $0xffff;
	[tilespmem:s23+$0x180] =	vst v10  }
0x43d: {  	v12 =	vld.idx.msk [tilespmem:v14+s15+$0x0], $0xffff;
	[tilespmem:s23+$0x200] =	vst v9  }
0x43e: {  	v14 =	vld.idx.msk [tilespmem:v15+s15+$0x0], $0xffff;
	[tilespmem:s23+$0x280] =	vst v8  }
0x43f: {  	v15 =	vld.idx.msk [tilespmem:v16+s15+$0x0], $0xffff;
	[tilespmem:s23+$0x380] =	vst v1  }
0x440: {  	s23 =	sadd.s32 $0x800, s23;
	v1 =	vmov v6;
	v11 =	vld.idx.msk [tilespmem:v11+s15+$0x0], $0xffff  }
0x441: {  	v10 =	vld.idx.msk [tilespmem:v17+s15+$0x0], $0xffff;
	[tilespmem:s23+$0x300] =	vst v13  }
.Ltmp21:
0x442: {  	[tilespmem:s23+$0xFFFFFC80] =	vst v4;
	v9 =	vld.idx.msk [tilespmem:v18+s15+$0x0], $0xffff;
	(pc) =	sbr.rel @p0 .LBB2_45-.Ltmp21, $4  }
0x443: {  	[tilespmem:s23+$0xFFFFFD00] =	vst v12;
	v8 =	vld.idx.msk [tilespmem:v7+s15+$0x0], $0xffff  }
0x444: {  	[tilespmem:s23+$0xFFFFFD80] =	vst v14;
	v7 =	vld.idx.msk [tilespmem:v19+s15+$0x0], $0xffff  }
0x445: {  	[tilespmem:s23+$0xFFFFFE00] =	vst v15;
	v6 =	vld.idx.msk [tilespmem:v20+s15+$0x0], $0xffff  }
0x446: {  	s25 =	sadd.s32 $0x660, s25;
	[tilespmem:s23+$0xFFFFFC00] =	vst v11;
	v4 =	vld.idx.msk [tilespmem:v21+s15+$0x0], $0xffff  }
0x447: {  	_ =	sdelay $0x1  }
0x448: {  	[tilespmem:s23+$0xFFFFFE80] =	vst v10  }
0x449: {  	[tilespmem:s23+$0xFFFFFF00] =	vst v9  }
0x44a: {  	v0 =	vld.idx.msk [tilespmem:v5+s15+$0x0], $0xffff;
	[tilespmem:s23+$0x380] =	vst v1  }
0x44b: {  	v3 =	vld.idx.msk [tilespmem:v3+s15+$0x0], $0xffff;
	[tilespmem:s23+$0xFFFFFF80] =	vst v8  }
0x44c: {  	v2 =	vld.idx.msk [tilespmem:v2+s15+$0x0], $0xffff;
	[tilespmem:s23+$0x0] =	vst v7  }
0x44d: {  	[tilespmem:s23+$0x80] =	vst v6  }
0x44e: {  	[tilespmem:s23+$0x100] =	vst v4  }
0x44f: {  	[tilespmem:s23+$0x180] =	vst v0  }
0x450: {  	[tilespmem:s23+$0x200] =	vst v3  }
0x451: {  	[tilespmem:s23+$0x280] =	vst v2  }
0x452: {  	v0 =	vld [tilespmem:s22+$0x60];
	_ =	sdelay $0x3  }
0x453: {  	s31 =	simm.s32 $0x5FA  }
0x454: {  	s24 =	simm.s32 $0x594;
	v1 =	vadd.s32 s31, v0  }
0x455: {  	s25 =	simm.s32 $0x66;
	v2 =	vadd.s32 s24, v0  }
0x456: {  	s28 =	simm.s32 $0x132;
	v3 =	vadd.s32 s25, v0  }
0x457: {  	s26 =	simm.s32 $0xCC;
	v5 =	vadd.s32 s28, v0  }
0x458: {  	s29 =	simm.s32 $0x198;
	v4 =	vadd.s32 s26, v0  }
0x459: {  	s30 =	simm.s32 $0x0;
	v6 =	vadd.s32 s29, v0;
	v1 =	vld.idx.msk [tilespmem:v1+s15+$0x0], $0xffff  }
0x45a: {  	s31 =	simm.s32 $0x1FE;
	v7 =	vadd.s32 s30, v0;
	v2 =	vld.idx.msk [tilespmem:v2+s15+$0x0], $0xffff  }
0x45b: {  	s25 =	simm.s32 $0x264;
	v8 =	vadd.s32 s31, v0;
	v3 =	vld.idx.msk [tilespmem:v3+s15+$0x0], $0xffff  }
0x45c: {  	s26 =	simm.s32 $0x2CA;
	v9 =	vadd.s32 s25, v0;
	v5 =	vld.idx.msk [tilespmem:v5+s15+$0x0], $0xffff  }
0x45d: {  	s28 =	simm.s32 $0x330;
	v11 =	vadd.s32 s26, v0;
	v4 =	vld.idx.msk [tilespmem:v4+s15+$0x0], $0xffff  }
0x45e: {  	s25 =	simm.s32 $0x396;
	v12 =	vadd.s32 s28, v0;
	v6 =	vld.idx.msk [tilespmem:v6+s15+$0x0], $0xffff  }
0x45f: {  	s23 =	simm.s32 $0x51E0;
	s29 =	simm.s32 $0x3FC;
	v13 =	vadd.s32 s25, v0;
	v14 =	vld.idx.msk [tilespmem:v7+s15+$0x0], $0xffff  }
0x460: {  	s30 =	simm.s32 $0x462;
	v15 =	vadd.s32 s29, v0;
	v10 =	vld.idx.msk [tilespmem:v8+s15+$0x0], $0xffff;
	[tilespmem:s23+$0x300] =	vst v2  }
0x461: {  	s31 =	simm.s32 $0x4C8;
	v9 =	vld.idx.msk [tilespmem:v9+s15+$0x0], $0xffff;
	[tilespmem:s23+$0xFFFFFD80] =	vst v5;
	v5 =	vadd.s32 s30, v0  }
0x462: {  	s26 =	simm.s32 $0x52E;
	v8 =	vld.idx.msk [tilespmem:v11+s15+$0x0], $0xffff;
	[tilespmem:s23+$0xFFFFFC80] =	vst v3;
	v3 =	vadd.s32 s31, v0  }
0x463: {  	v7 =	vld.idx.msk [tilespmem:v12+s15+$0x0], $0xffff;
	[tilespmem:s23+$0xFFFFFD00] =	vst v4;
	v2 =	vadd.s32 s26, v0  }
0x464: {  	[tilespmem:s23+$0xFFFFFE00] =	vst v6;
	v6 =	vld.idx.msk [tilespmem:v13+s15+$0x0], $0xffff  }
0x465: {  	s24 =	simm.s32 $0x0;
	s25 =	simm.s32 $0xC5A;
	[tilespmem:s23+$0xFFFFFC00] =	vst v14;
	v4 =	vld.idx.msk [tilespmem:v15+s15+$0x0], $0xffff  }
.LBB2_47:
0x466: {  	s26 =	sadd.s32 $0xFFFFFA6C, s25;
	s28 =	sadd.s32 $0xFFFFFF9A, s25;
	v11 =	vadd.s32 s25, v0;
	s24 =	sadd.s32 $0x10, s24;
	[tilespmem:s23+$0xFFFFFE80] =	vst v10;
	v10 =	vld.idx.msk [tilespmem:v5+s15+$0x0], $0xffff  }
0x467: {  	s29 =	sadd.s32 $0xFFFFFB38, s25;
	v12 =	vadd.s32 s26, v0;
	s26 =	sadd.s32 $0xFFFFFAD2, s25;
	v13 =	vadd.s32 s28, v0;
	p0 =	slt.u32 s24, $0x30;
	[tilespmem:s23+$0xFFFFFF00] =	vst v9;
	v9 =	vld.idx.msk [tilespmem:v3+s15+$0x0], $0xffff  }
0x468: {  	v15 =	vadd.s32 s29, v0;
	s28 =	sadd.s32 $0xFFFFFC04, s25;
	s29 =	sadd.s32 $0xFFFFFC6A, s25;
	v14 =	vadd.s32 s26, v0;
	s26 =	sadd.s32 $0xFFFFFB9E, s25;
	[tilespmem:s23+$0xFFFFFF80] =	vst v8;
	v8 =	vld.idx.msk [tilespmem:v2+s15+$0x0], $0xffff  }
0x469: {  	v17 =	vadd.s32 s28, v0;
	v18 =	vadd.s32 s29, v0;
	s28 =	sadd.s32 $0xFFFFFD36, s25;
	s29 =	sadd.s32 $0xFFFFFD9C, s25;
	v16 =	vadd.s32 s26, v0;
	s26 =	sadd.s32 $0xFFFFFCD0, s25;
	[tilespmem:s23+$0x0] =	vst v7  }
0x46a: {  	v19 =	vadd.s32 s28, v0;
	v20 =	vadd.s32 s29, v0;
	s28 =	sadd.s32 $0xFFFFFE68, s25;
	s29 =	sadd.s32 $0xFFFFFECE, s25;
	v7 =	vadd.s32 s26, v0;
	s26 =	sadd.s32 $0xFFFFFE02, s25;
	[tilespmem:s23+$0x80] =	vst v6  }
0x46b: {  	s30 =	sadd.s32 $0xFFFFFA06, s25;
	v5 =	vadd.s32 s28, v0;
	v3 =	vadd.s32 s29, v0;
	v21 =	vadd.s32 s26, v0;
	s26 =	sadd.s32 $0xFFFFFF34, s25;
	v6 =	vld.idx.msk [tilespmem:v11+s15+$0x0], $0xffff  }
0x46c: {  	v11 =	vadd.s32 s30, v0;
	v2 =	vadd.s32 s26, v0;
	v13 =	vld.idx.msk [tilespmem:v13+s15+$0x0], $0xffff;
	[tilespmem:s23+$0x100] =	vst v4  }
0x46d: {  	v4 =	vld.idx.msk [tilespmem:v12+s15+$0x0], $0xffff;
	[tilespmem:s23+$0x180] =	vst v10  }
0x46e: {  	v12 =	vld.idx.msk [tilespmem:v14+s15+$0x0], $0xffff;
	[tilespmem:s23+$0x200] =	vst v9  }
0x46f: {  	v14 =	vld.idx.msk [tilespmem:v15+s15+$0x0], $0xffff;
	[tilespmem:s23+$0x280] =	vst v8  }
0x470: {  	v15 =	vld.idx.msk [tilespmem:v16+s15+$0x0], $0xffff;
	[tilespmem:s23+$0x380] =	vst v1  }
0x471: {  	s23 =	sadd.s32 $0x800, s23;
	v1 =	vmov v6;
	v11 =	vld.idx.msk [tilespmem:v11+s15+$0x0], $0xffff  }
0x472: {  	v10 =	vld.idx.msk [tilespmem:v17+s15+$0x0], $0xffff;
	[tilespmem:s23+$0x300] =	vst v13  }
.Ltmp22:
0x473: {  	[tilespmem:s23+$0xFFFFFC80] =	vst v4;
	v9 =	vld.idx.msk [tilespmem:v18+s15+$0x0], $0xffff;
	(pc) =	sbr.rel @p0 .LBB2_47-.Ltmp22, $4  }
0x474: {  	[tilespmem:s23+$0xFFFFFD00] =	vst v12;
	v8 =	vld.idx.msk [tilespmem:v7+s15+$0x0], $0xffff  }
0x475: {  	[tilespmem:s23+$0xFFFFFD80] =	vst v14;
	v7 =	vld.idx.msk [tilespmem:v19+s15+$0x0], $0xffff  }
0x476: {  	[tilespmem:s23+$0xFFFFFE00] =	vst v15;
	v6 =	vld.idx.msk [tilespmem:v20+s15+$0x0], $0xffff  }
0x477: {  	s25 =	sadd.s32 $0x660, s25;
	[tilespmem:s23+$0xFFFFFC00] =	vst v11;
	v4 =	vld.idx.msk [tilespmem:v21+s15+$0x0], $0xffff  }
0x478: {  	_ =	sdelay $0x1  }
0x479: {  	[tilespmem:s23+$0xFFFFFE80] =	vst v10  }
0x47a: {  	[tilespmem:s23+$0xFFFFFF00] =	vst v9  }
0x47b: {  	v0 =	vld.idx.msk [tilespmem:v5+s15+$0x0], $0xffff;
	[tilespmem:s23+$0x380] =	vst v1  }
0x47c: {  	v3 =	vld.idx.msk [tilespmem:v3+s15+$0x0], $0xffff;
	[tilespmem:s23+$0xFFFFFF80] =	vst v8  }
0x47d: {  	v2 =	vld.idx.msk [tilespmem:v2+s15+$0x0], $0xffff;
	[tilespmem:s23+$0x0] =	vst v7  }
0x47e: {  	[tilespmem:s23+$0x80] =	vst v6  }
0x47f: {  	[tilespmem:s23+$0x100] =	vst v4  }
0x480: {  	[tilespmem:s23+$0x180] =	vst v0  }
0x481: {  	[tilespmem:s23+$0x200] =	vst v3  }
0x482: {  	[tilespmem:s23+$0x280] =	vst v2  }
0x483: {  	v0 =	vld [tilespmem:s22+$0x70];
	_ =	sdelay $0x3  }
0x484: {  	s25 =	simm.s32 $0x5FA  }
0x485: {  	s26 =	simm.s32 $0x594;
	v1 =	vadd.s32 s25, v0  }
0x486: {  	s28 =	simm.s32 $0x66;
	v2 =	vadd.s32 s26, v0  }
0x487: {  	s30 =	simm.s32 $0x132;
	v3 =	vadd.s32 s28, v0  }
0x488: {  	s29 =	simm.s32 $0xCC;
	v5 =	vadd.s32 s30, v0  }
0x489: {  	s31 =	simm.s32 $0x198;
	v4 =	vadd.s32 s29, v0  }
0x48a: {  	s23 =	simm.s32 $0x0;
	v6 =	vadd.s32 s31, v0;
	v1 =	vld.idx.msk [tilespmem:v1+s15+$0x0], $0xffff  }
0x48b: {  	s24 =	simm.s32 $0x1FE;
	v7 =	vadd.s32 s23, v0;
	v2 =	vld.idx.msk [tilespmem:v2+s15+$0x0], $0xffff  }
0x48c: {  	s25 =	simm.s32 $0x264;
	v8 =	vadd.s32 s24, v0;
	v3 =	vld.idx.msk [tilespmem:v3+s15+$0x0], $0xffff  }
0x48d: {  	s26 =	simm.s32 $0x2CA;
	v9 =	vadd.s32 s25, v0;
	v5 =	vld.idx.msk [tilespmem:v5+s15+$0x0], $0xffff  }
0x48e: {  	s28 =	simm.s32 $0x330;
	v11 =	vadd.s32 s26, v0;
	v4 =	vld.idx.msk [tilespmem:v4+s15+$0x0], $0xffff  }
0x48f: {  	s24 =	simm.s32 $0x396;
	v12 =	vadd.s32 s28, v0;
	v6 =	vld.idx.msk [tilespmem:v6+s15+$0x0], $0xffff  }
0x490: {  	s22 =	simm.s32 $0x51F0;
	s29 =	simm.s32 $0x3FC;
	v13 =	vadd.s32 s24, v0;
	v14 =	vld.idx.msk [tilespmem:v7+s15+$0x0], $0xffff  }
0x491: {  	s30 =	simm.s32 $0x462;
	v15 =	vadd.s32 s29, v0;
	v10 =	vld.idx.msk [tilespmem:v8+s15+$0x0], $0xffff;
	[tilespmem:s22+$0x300] =	vst v2  }
0x492: {  	s31 =	simm.s32 $0x4C8;
	v9 =	vld.idx.msk [tilespmem:v9+s15+$0x0], $0xffff;
	[tilespmem:s22+$0xFFFFFD80] =	vst v5;
	v5 =	vadd.s32 s30, v0  }
0x493: {  	s25 =	simm.s32 $0x52E;
	v8 =	vld.idx.msk [tilespmem:v11+s15+$0x0], $0xffff;
	[tilespmem:s22+$0xFFFFFC80] =	vst v3;
	v3 =	vadd.s32 s31, v0  }
0x494: {  	v7 =	vld.idx.msk [tilespmem:v12+s15+$0x0], $0xffff;
	[tilespmem:s22+$0xFFFFFD00] =	vst v4;
	v2 =	vadd.s32 s25, v0  }
0x495: {  	[tilespmem:s22+$0xFFFFFE00] =	vst v6;
	v6 =	vld.idx.msk [tilespmem:v13+s15+$0x0], $0xffff  }
0x496: {  	s23 =	simm.s32 $0x0;
	s24 =	simm.s32 $0xC5A;
	[tilespmem:s22+$0xFFFFFC00] =	vst v14;
	v4 =	vld.idx.msk [tilespmem:v15+s15+$0x0], $0xffff  }
.LBB2_49:
0x497: {  	s25 =	sadd.s32 $0xFFFFFA6C, s24;
	s26 =	sadd.s32 $0xFFFFFF9A, s24;
	v11 =	vadd.s32 s24, v0;
	s23 =	sadd.s32 $0x10, s23;
	[tilespmem:s22+$0xFFFFFE80] =	vst v10;
	v10 =	vld.idx.msk [tilespmem:v5+s15+$0x0], $0xffff  }
0x498: {  	s28 =	sadd.s32 $0xFFFFFB38, s24;
	v12 =	vadd.s32 s25, v0;
	s25 =	sadd.s32 $0xFFFFFAD2, s24;
	v13 =	vadd.s32 s26, v0;
	p0 =	slt.u32 s23, $0x30;
	[tilespmem:s22+$0xFFFFFF00] =	vst v9;
	v9 =	vld.idx.msk [tilespmem:v3+s15+$0x0], $0xffff  }
0x499: {  	v15 =	vadd.s32 s28, v0;
	s26 =	sadd.s32 $0xFFFFFC04, s24;
	s28 =	sadd.s32 $0xFFFFFC6A, s24;
	v14 =	vadd.s32 s25, v0;
	s25 =	sadd.s32 $0xFFFFFB9E, s24;
	[tilespmem:s22+$0xFFFFFF80] =	vst v8;
	v8 =	vld.idx.msk [tilespmem:v2+s15+$0x0], $0xffff  }
0x49a: {  	v17 =	vadd.s32 s26, v0;
	v18 =	vadd.s32 s28, v0;
	s26 =	sadd.s32 $0xFFFFFD36, s24;
	s28 =	sadd.s32 $0xFFFFFD9C, s24;
	v16 =	vadd.s32 s25, v0;
	s25 =	sadd.s32 $0xFFFFFCD0, s24;
	[tilespmem:s22+$0x0] =	vst v7  }
0x49b: {  	v19 =	vadd.s32 s26, v0;
	v20 =	vadd.s32 s28, v0;
	s26 =	sadd.s32 $0xFFFFFE68, s24;
	s28 =	sadd.s32 $0xFFFFFECE, s24;
	v7 =	vadd.s32 s25, v0;
	s25 =	sadd.s32 $0xFFFFFE02, s24;
	[tilespmem:s22+$0x80] =	vst v6  }
0x49c: {  	s29 =	sadd.s32 $0xFFFFFA06, s24;
	v5 =	vadd.s32 s26, v0;
	v3 =	vadd.s32 s28, v0;
	v21 =	vadd.s32 s25, v0;
	s25 =	sadd.s32 $0xFFFFFF34, s24;
	v6 =	vld.idx.msk [tilespmem:v11+s15+$0x0], $0xffff  }
0x49d: {  	v11 =	vadd.s32 s29, v0;
	v2 =	vadd.s32 s25, v0;
	v13 =	vld.idx.msk [tilespmem:v13+s15+$0x0], $0xffff;
	[tilespmem:s22+$0x100] =	vst v4  }
0x49e: {  	v4 =	vld.idx.msk [tilespmem:v12+s15+$0x0], $0xffff;
	[tilespmem:s22+$0x180] =	vst v10  }
0x49f: {  	v12 =	vld.idx.msk [tilespmem:v14+s15+$0x0], $0xffff;
	[tilespmem:s22+$0x200] =	vst v9  }
0x4a0: {  	v14 =	vld.idx.msk [tilespmem:v15+s15+$0x0], $0xffff;
	[tilespmem:s22+$0x280] =	vst v8  }
0x4a1: {  	v15 =	vld.idx.msk [tilespmem:v16+s15+$0x0], $0xffff;
	[tilespmem:s22+$0x380] =	vst v1  }
0x4a2: {  	s22 =	sadd.s32 $0x800, s22;
	v1 =	vmov v6;
	v11 =	vld.idx.msk [tilespmem:v11+s15+$0x0], $0xffff  }
0x4a3: {  	v10 =	vld.idx.msk [tilespmem:v17+s15+$0x0], $0xffff;
	[tilespmem:s22+$0x300] =	vst v13  }
.Ltmp23:
0x4a4: {  	[tilespmem:s22+$0xFFFFFC80] =	vst v4;
	v9 =	vld.idx.msk [tilespmem:v18+s15+$0x0], $0xffff;
	(pc) =	sbr.rel @p0 .LBB2_49-.Ltmp23, $4  }
0x4a5: {  	[tilespmem:s22+$0xFFFFFD00] =	vst v12;
	v8 =	vld.idx.msk [tilespmem:v7+s15+$0x0], $0xffff  }
0x4a6: {  	[tilespmem:s22+$0xFFFFFD80] =	vst v14;
	v7 =	vld.idx.msk [tilespmem:v19+s15+$0x0], $0xffff  }
0x4a7: {  	[tilespmem:s22+$0xFFFFFE00] =	vst v15;
	v6 =	vld.idx.msk [tilespmem:v20+s15+$0x0], $0xffff  }
0x4a8: {  	s24 =	sadd.s32 $0x660, s24;
	[tilespmem:s22+$0xFFFFFC00] =	vst v11;
	v4 =	vld.idx.msk [tilespmem:v21+s15+$0x0], $0xffff  }
0x4a9: {  	_ =	sdelay $0x1  }
0x4aa: {  	[tilespmem:s22+$0xFFFFFE80] =	vst v10  }
0x4ab: {  	[tilespmem:s22+$0xFFFFFF00] =	vst v9  }
0x4ac: {  	v0 =	vld.idx.msk [tilespmem:v5+s15+$0x0], $0xffff;
	[tilespmem:s22+$0x380] =	vst v1  }
0x4ad: {  	v3 =	vld.idx.msk [tilespmem:v3+s15+$0x0], $0xffff;
	[tilespmem:s22+$0xFFFFFF80] =	vst v8  }
0x4ae: {  	v2 =	vld.idx.msk [tilespmem:v2+s15+$0x0], $0xffff;
	[tilespmem:s22+$0x0] =	vst v7  }
0x4af: {  	[tilespmem:s22+$0x80] =	vst v6  }
0x4b0: {  	s23 =	sshll.u32 s21, $0x13;
	[tilespmem:s22+$0x100] =	vst v4  }
0x4b1: {  	s23 =	sor.u32 s5, s23;
	[tilespmem:s22+$0x180] =	vst v0  }
0x4b2: {  	s23 =	sshrl.u32 s23, $0x3;
	[tilespmem:s22+$0x200] =	vst v3  }
0x4b3: {  	s29 =	sadd.s32 s3, s23;
	[tilespmem:s22+$0x280] =	vst v2  }
0x4b4: {  	[hbm4b:s29+s11] =	stream.strided.scatter [tilespmem:s16], [sflag:$0x1], $0x2000, s12, s11, $0x38;
	[tilespmem:$0x8D80] =	vst v63  }
0x4b5: {  	s22 =	sshllo.u32 s21, $0x1;
	_ =	swait.ge [sflag:s19], $0x2000  }
0x4b6: {  	s30 =	sshll.u32 s22, $0x7;
	[sflag:s19] =	ssyncset.done $0x0  }
0x4b7: {  	s23 =	sand.u32 $0x3FFFFF80, s30;
	[sflag:s19] =	ssyncadd.s32 $0xFFFFE000  }
0x4b8: {  	v0 =	vld [tilespmem:s23+$0x0];
	_ =	sdelay $0x3  }
0x4b9: {  	s24 =	simm.s32 $0x5FA  }
0x4ba: {  	s25 =	simm.s32 $0x594;
	v1 =	vadd.s32 s24, v0  }
0x4bb: {  	s31 =	simm.s32 $0x66;
	v2 =	vadd.s32 s25, v0  }
0x4bc: {  	s26 =	simm.s32 $0x132;
	v3 =	vadd.s32 s31, v0  }
0x4bd: {  	s28 =	simm.s32 $0x198;
	v5 =	vadd.s32 s26, v0  }
0x4be: {  	s29 =	simm.s32 $0x0;
	v6 =	vadd.s32 s28, v0  }
0x4bf: {  	s30 =	simm.s32 $0x1FE;
	v7 =	vadd.s32 s29, v0;
	v1 =	vld.idx.msk [tilespmem:v1+s15+$0x0], $0xffff  }
0x4c0: {  	s25 =	simm.s32 $0xCC;
	v8 =	vadd.s32 s30, v0;
	v2 =	vld.idx.msk [tilespmem:v2+s15+$0x0], $0xffff  }
0x4c1: {  	s31 =	simm.s32 $0x264;
	v4 =	vadd.s32 s25, v0;
	v3 =	vld.idx.msk [tilespmem:v3+s15+$0x0], $0xffff  }
0x4c2: {  	s26 =	simm.s32 $0x2CA;
	v9 =	vadd.s32 s31, v0;
	v5 =	vld.idx.msk [tilespmem:v5+s15+$0x0], $0xffff  }
0x4c3: {  	s28 =	simm.s32 $0x330;
	v11 =	vadd.s32 s26, v0;
	v6 =	vld.idx.msk [tilespmem:v6+s15+$0x0], $0xffff  }
0x4c4: {  	s26 =	simm.s32 $0x396;
	v12 =	vadd.s32 s28, v0;
	v14 =	vld.idx.msk [tilespmem:v7+s15+$0x0], $0xffff  }
0x4c5: {  	s24 =	simm.s32 $0x7180;
	s29 =	simm.s32 $0x3FC;
	v13 =	vadd.s32 s26, v0;
	v10 =	vld.idx.msk [tilespmem:v8+s15+$0x0], $0xffff  }
0x4c6: {  	s30 =	simm.s32 $0x462;
	v15 =	vadd.s32 s29, v0;
	v4 =	vld.idx.msk [tilespmem:v4+s15+$0x0], $0xffff;
	[tilespmem:s24+$0x300] =	vst v2  }
0x4c7: {  	s31 =	simm.s32 $0x4C8;
	v9 =	vld.idx.msk [tilespmem:v9+s15+$0x0], $0xffff;
	[tilespmem:s24+$0xFFFFFD80] =	vst v5;
	v5 =	vadd.s32 s30, v0  }
0x4c8: {  	s28 =	simm.s32 $0x52E;
	v8 =	vld.idx.msk [tilespmem:v11+s15+$0x0], $0xffff;
	[tilespmem:s24+$0xFFFFFC80] =	vst v3;
	v3 =	vadd.s32 s31, v0  }
0x4c9: {  	v7 =	vld.idx.msk [tilespmem:v12+s15+$0x0], $0xffff;
	[tilespmem:s24+$0xFFFFFE00] =	vst v6;
	v2 =	vadd.s32 s28, v0  }
0x4ca: {  	v6 =	vld.idx.msk [tilespmem:v13+s15+$0x0], $0xffff;
	[tilespmem:s24+$0xFFFFFC00] =	vst v14  }
0x4cb: {  	s25 =	simm.s32 $0x0;
	s26 =	simm.s32 $0xC5A;
	[tilespmem:s24+$0xFFFFFD00] =	vst v4;
	v4 =	vld.idx.msk [tilespmem:v15+s15+$0x0], $0xffff  }
.LBB2_51:
0x4cc: {  	s28 =	sadd.s32 $0xFFFFFA6C, s26;
	s29 =	sadd.s32 $0xFFFFFF9A, s26;
	v11 =	vadd.s32 s26, v0;
	s25 =	sadd.s32 $0x10, s25;
	[tilespmem:s24+$0xFFFFFE80] =	vst v10;
	v10 =	vld.idx.msk [tilespmem:v5+s15+$0x0], $0xffff  }
0x4cd: {  	s30 =	sadd.s32 $0xFFFFFB38, s26;
	v12 =	vadd.s32 s28, v0;
	s28 =	sadd.s32 $0xFFFFFAD2, s26;
	v13 =	vadd.s32 s29, v0;
	p0 =	slt.u32 s25, $0x30;
	[tilespmem:s24+$0xFFFFFF00] =	vst v9;
	v9 =	vld.idx.msk [tilespmem:v3+s15+$0x0], $0xffff  }
0x4ce: {  	v15 =	vadd.s32 s30, v0;
	s29 =	sadd.s32 $0xFFFFFC04, s26;
	s30 =	sadd.s32 $0xFFFFFC6A, s26;
	v14 =	vadd.s32 s28, v0;
	s28 =	sadd.s32 $0xFFFFFB9E, s26;
	[tilespmem:s24+$0xFFFFFF80] =	vst v8;
	v8 =	vld.idx.msk [tilespmem:v2+s15+$0x0], $0xffff  }
0x4cf: {  	v17 =	vadd.s32 s29, v0;
	v18 =	vadd.s32 s30, v0;
	s29 =	sadd.s32 $0xFFFFFD36, s26;
	s30 =	sadd.s32 $0xFFFFFD9C, s26;
	v16 =	vadd.s32 s28, v0;
	s28 =	sadd.s32 $0xFFFFFCD0, s26;
	[tilespmem:s24+$0x0] =	vst v7  }
0x4d0: {  	v19 =	vadd.s32 s29, v0;
	v20 =	vadd.s32 s30, v0;
	s29 =	sadd.s32 $0xFFFFFE68, s26;
	s30 =	sadd.s32 $0xFFFFFECE, s26;
	v7 =	vadd.s32 s28, v0;
	s28 =	sadd.s32 $0xFFFFFE02, s26;
	[tilespmem:s24+$0x80] =	vst v6  }
0x4d1: {  	s31 =	sadd.s32 $0xFFFFFA06, s26;
	v5 =	vadd.s32 s29, v0;
	v3 =	vadd.s32 s30, v0;
	v21 =	vadd.s32 s28, v0;
	s28 =	sadd.s32 $0xFFFFFF34, s26;
	v6 =	vld.idx.msk [tilespmem:v11+s15+$0x0], $0xffff  }
0x4d2: {  	v11 =	vadd.s32 s31, v0;
	v2 =	vadd.s32 s28, v0;
	v13 =	vld.idx.msk [tilespmem:v13+s15+$0x0], $0xffff;
	[tilespmem:s24+$0x100] =	vst v4  }
0x4d3: {  	v4 =	vld.idx.msk [tilespmem:v12+s15+$0x0], $0xffff;
	[tilespmem:s24+$0x180] =	vst v10  }
0x4d4: {  	v12 =	vld.idx.msk [tilespmem:v14+s15+$0x0], $0xffff;
	[tilespmem:s24+$0x200] =	vst v9  }
0x4d5: {  	v14 =	vld.idx.msk [tilespmem:v15+s15+$0x0], $0xffff;
	[tilespmem:s24+$0x280] =	vst v8  }
0x4d6: {  	v15 =	vld.idx.msk [tilespmem:v16+s15+$0x0], $0xffff;
	[tilespmem:s24+$0x380] =	vst v1  }
0x4d7: {  	s24 =	sadd.s32 $0x800, s24;
	v1 =	vmov v6;
	v11 =	vld.idx.msk [tilespmem:v11+s15+$0x0], $0xffff  }
0x4d8: {  	v10 =	vld.idx.msk [tilespmem:v17+s15+$0x0], $0xffff;
	[tilespmem:s24+$0x300] =	vst v13  }
.Ltmp24:
0x4d9: {  	[tilespmem:s24+$0xFFFFFC80] =	vst v4;
	v9 =	vld.idx.msk [tilespmem:v18+s15+$0x0], $0xffff;
	(pc) =	sbr.rel @p0 .LBB2_51-.Ltmp24, $4  }
0x4da: {  	[tilespmem:s24+$0xFFFFFD00] =	vst v12;
	v8 =	vld.idx.msk [tilespmem:v7+s15+$0x0], $0xffff  }
0x4db: {  	[tilespmem:s24+$0xFFFFFD80] =	vst v14;
	v7 =	vld.idx.msk [tilespmem:v19+s15+$0x0], $0xffff  }
0x4dc: {  	[tilespmem:s24+$0xFFFFFE00] =	vst v15;
	v6 =	vld.idx.msk [tilespmem:v20+s15+$0x0], $0xffff  }
0x4dd: {  	s26 =	sadd.s32 $0x660, s26;
	[tilespmem:s24+$0xFFFFFC00] =	vst v11;
	v4 =	vld.idx.msk [tilespmem:v21+s15+$0x0], $0xffff  }
0x4de: {  	_ =	sdelay $0x1  }
0x4df: {  	[tilespmem:s24+$0xFFFFFE80] =	vst v10  }
0x4e0: {  	[tilespmem:s24+$0xFFFFFF00] =	vst v9  }
0x4e1: {  	v0 =	vld.idx.msk [tilespmem:v5+s15+$0x0], $0xffff;
	[tilespmem:s24+$0x380] =	vst v1  }
0x4e2: {  	v3 =	vld.idx.msk [tilespmem:v3+s15+$0x0], $0xffff;
	[tilespmem:s24+$0xFFFFFF80] =	vst v8  }
0x4e3: {  	v2 =	vld.idx.msk [tilespmem:v2+s15+$0x0], $0xffff;
	[tilespmem:s24+$0x0] =	vst v7  }
0x4e4: {  	[tilespmem:s24+$0x80] =	vst v6  }
0x4e5: {  	[tilespmem:s24+$0x100] =	vst v4  }
0x4e6: {  	[tilespmem:s24+$0x180] =	vst v0  }
0x4e7: {  	[tilespmem:s24+$0x200] =	vst v3  }
0x4e8: {  	[tilespmem:s24+$0x280] =	vst v2  }
0x4e9: {  	v0 =	vld [tilespmem:s23+$0x10];
	_ =	sdelay $0x3  }
0x4ea: {  	s30 =	simm.s32 $0x5FA  }
0x4eb: {  	s25 =	simm.s32 $0x594;
	v1 =	vadd.s32 s30, v0  }
0x4ec: {  	s31 =	simm.s32 $0x66;
	v2 =	vadd.s32 s25, v0  }
0x4ed: {  	s26 =	simm.s32 $0x132;
	v3 =	vadd.s32 s31, v0  }
0x4ee: {  	s28 =	simm.s32 $0x198;
	v5 =	vadd.s32 s26, v0  }
0x4ef: {  	s29 =	simm.s32 $0x0;
	v6 =	vadd.s32 s28, v0  }
0x4f0: {  	s25 =	simm.s32 $0xCC;
	v7 =	vadd.s32 s29, v0;
	v1 =	vld.idx.msk [tilespmem:v1+s15+$0x0], $0xffff  }
0x4f1: {  	s30 =	simm.s32 $0x1FE;
	v4 =	vadd.s32 s25, v0;
	v2 =	vld.idx.msk [tilespmem:v2+s15+$0x0], $0xffff  }
0x4f2: {  	s31 =	simm.s32 $0x264;
	v8 =	vadd.s32 s30, v0;
	v3 =	vld.idx.msk [tilespmem:v3+s15+$0x0], $0xffff  }
0x4f3: {  	s26 =	simm.s32 $0x2CA;
	v9 =	vadd.s32 s31, v0;
	v5 =	vld.idx.msk [tilespmem:v5+s15+$0x0], $0xffff  }
0x4f4: {  	s28 =	simm.s32 $0x330;
	v11 =	vadd.s32 s26, v0;
	v6 =	vld.idx.msk [tilespmem:v6+s15+$0x0], $0xffff  }
0x4f5: {  	s26 =	simm.s32 $0x396;
	v12 =	vadd.s32 s28, v0;
	v14 =	vld.idx.msk [tilespmem:v7+s15+$0x0], $0xffff  }
0x4f6: {  	s24 =	simm.s32 $0x7190;
	s29 =	simm.s32 $0x3FC;
	v13 =	vadd.s32 s26, v0;
	v4 =	vld.idx.msk [tilespmem:v4+s15+$0x0], $0xffff  }
0x4f7: {  	v15 =	vadd.s32 s29, v0;
	s30 =	simm.s32 $0x462;
	v10 =	vld.idx.msk [tilespmem:v8+s15+$0x0], $0xffff;
	[tilespmem:s24+$0x300] =	vst v2  }
0x4f8: {  	s31 =	simm.s32 $0x4C8;
	v9 =	vld.idx.msk [tilespmem:v9+s15+$0x0], $0xffff;
	[tilespmem:s24+$0xFFFFFD80] =	vst v5;
	v5 =	vadd.s32 s30, v0  }
0x4f9: {  	s28 =	simm.s32 $0x52E;
	v8 =	vld.idx.msk [tilespmem:v11+s15+$0x0], $0xffff;
	[tilespmem:s24+$0xFFFFFC80] =	vst v3;
	v3 =	vadd.s32 s31, v0  }
0x4fa: {  	v7 =	vld.idx.msk [tilespmem:v12+s15+$0x0], $0xffff;
	[tilespmem:s24+$0xFFFFFE00] =	vst v6;
	v2 =	vadd.s32 s28, v0  }
0x4fb: {  	v6 =	vld.idx.msk [tilespmem:v13+s15+$0x0], $0xffff;
	[tilespmem:s24+$0xFFFFFC00] =	vst v14  }
0x4fc: {  	s25 =	simm.s32 $0x0;
	s26 =	simm.s32 $0xC5A;
	[tilespmem:s24+$0xFFFFFD00] =	vst v4;
	v4 =	vld.idx.msk [tilespmem:v15+s15+$0x0], $0xffff  }
.LBB2_53:
0x4fd: {  	s28 =	sadd.s32 $0xFFFFFA6C, s26;
	s29 =	sadd.s32 $0xFFFFFF9A, s26;
	v11 =	vadd.s32 s26, v0;
	s25 =	sadd.s32 $0x10, s25;
	[tilespmem:s24+$0xFFFFFE80] =	vst v10;
	v10 =	vld.idx.msk [tilespmem:v5+s15+$0x0], $0xffff  }
0x4fe: {  	s30 =	sadd.s32 $0xFFFFFB38, s26;
	v12 =	vadd.s32 s28, v0;
	s28 =	sadd.s32 $0xFFFFFAD2, s26;
	v13 =	vadd.s32 s29, v0;
	p0 =	slt.u32 s25, $0x30;
	[tilespmem:s24+$0xFFFFFF00] =	vst v9;
	v9 =	vld.idx.msk [tilespmem:v3+s15+$0x0], $0xffff  }
0x4ff: {  	v15 =	vadd.s32 s30, v0;
	s29 =	sadd.s32 $0xFFFFFC04, s26;
	s30 =	sadd.s32 $0xFFFFFC6A, s26;
	v14 =	vadd.s32 s28, v0;
	s28 =	sadd.s32 $0xFFFFFB9E, s26;
	[tilespmem:s24+$0xFFFFFF80] =	vst v8;
	v8 =	vld.idx.msk [tilespmem:v2+s15+$0x0], $0xffff  }
0x500: {  	v17 =	vadd.s32 s29, v0;
	v18 =	vadd.s32 s30, v0;
	s29 =	sadd.s32 $0xFFFFFD36, s26;
	s30 =	sadd.s32 $0xFFFFFD9C, s26;
	v16 =	vadd.s32 s28, v0;
	s28 =	sadd.s32 $0xFFFFFCD0, s26;
	[tilespmem:s24+$0x0] =	vst v7  }
0x501: {  	v19 =	vadd.s32 s29, v0;
	v20 =	vadd.s32 s30, v0;
	s29 =	sadd.s32 $0xFFFFFE68, s26;
	s30 =	sadd.s32 $0xFFFFFECE, s26;
	v7 =	vadd.s32 s28, v0;
	s28 =	sadd.s32 $0xFFFFFE02, s26;
	[tilespmem:s24+$0x80] =	vst v6  }
0x502: {  	s31 =	sadd.s32 $0xFFFFFA06, s26;
	v5 =	vadd.s32 s29, v0;
	v3 =	vadd.s32 s30, v0;
	v21 =	vadd.s32 s28, v0;
	s28 =	sadd.s32 $0xFFFFFF34, s26;
	v6 =	vld.idx.msk [tilespmem:v11+s15+$0x0], $0xffff  }
0x503: {  	v11 =	vadd.s32 s31, v0;
	v2 =	vadd.s32 s28, v0;
	v13 =	vld.idx.msk [tilespmem:v13+s15+$0x0], $0xffff;
	[tilespmem:s24+$0x100] =	vst v4  }
0x504: {  	v4 =	vld.idx.msk [tilespmem:v12+s15+$0x0], $0xffff;
	[tilespmem:s24+$0x180] =	vst v10  }
0x505: {  	v12 =	vld.idx.msk [tilespmem:v14+s15+$0x0], $0xffff;
	[tilespmem:s24+$0x200] =	vst v9  }
0x506: {  	v14 =	vld.idx.msk [tilespmem:v15+s15+$0x0], $0xffff;
	[tilespmem:s24+$0x280] =	vst v8  }
0x507: {  	v15 =	vld.idx.msk [tilespmem:v16+s15+$0x0], $0xffff;
	[tilespmem:s24+$0x380] =	vst v1  }
0x508: {  	s24 =	sadd.s32 $0x800, s24;
	v1 =	vmov v6;
	v11 =	vld.idx.msk [tilespmem:v11+s15+$0x0], $0xffff  }
0x509: {  	v10 =	vld.idx.msk [tilespmem:v17+s15+$0x0], $0xffff;
	[tilespmem:s24+$0x300] =	vst v13  }
.Ltmp25:
0x50a: {  	[tilespmem:s24+$0xFFFFFC80] =	vst v4;
	v9 =	vld.idx.msk [tilespmem:v18+s15+$0x0], $0xffff;
	(pc) =	sbr.rel @p0 .LBB2_53-.Ltmp25, $4  }
0x50b: {  	[tilespmem:s24+$0xFFFFFD00] =	vst v12;
	v8 =	vld.idx.msk [tilespmem:v7+s15+$0x0], $0xffff  }
0x50c: {  	[tilespmem:s24+$0xFFFFFD80] =	vst v14;
	v7 =	vld.idx.msk [tilespmem:v19+s15+$0x0], $0xffff  }
0x50d: {  	[tilespmem:s24+$0xFFFFFE00] =	vst v15;
	v6 =	vld.idx.msk [tilespmem:v20+s15+$0x0], $0xffff  }
0x50e: {  	s26 =	sadd.s32 $0x660, s26;
	[tilespmem:s24+$0xFFFFFC00] =	vst v11;
	v4 =	vld.idx.msk [tilespmem:v21+s15+$0x0], $0xffff  }
0x50f: {  	_ =	sdelay $0x1  }
0x510: {  	[tilespmem:s24+$0xFFFFFE80] =	vst v10  }
0x511: {  	[tilespmem:s24+$0xFFFFFF00] =	vst v9  }
0x512: {  	v0 =	vld.idx.msk [tilespmem:v5+s15+$0x0], $0xffff;
	[tilespmem:s24+$0x380] =	vst v1  }
0x513: {  	v3 =	vld.idx.msk [tilespmem:v3+s15+$0x0], $0xffff;
	[tilespmem:s24+$0xFFFFFF80] =	vst v8  }
0x514: {  	v2 =	vld.idx.msk [tilespmem:v2+s15+$0x0], $0xffff;
	[tilespmem:s24+$0x0] =	vst v7  }
0x515: {  	[tilespmem:s24+$0x80] =	vst v6  }
0x516: {  	[tilespmem:s24+$0x100] =	vst v4  }
0x517: {  	[tilespmem:s24+$0x180] =	vst v0  }
0x518: {  	[tilespmem:s24+$0x200] =	vst v3  }
0x519: {  	[tilespmem:s24+$0x280] =	vst v2  }
0x51a: {  	v0 =	vld [tilespmem:s23+$0x20];
	_ =	sdelay $0x3  }
0x51b: {  	s30 =	simm.s32 $0x5FA  }
0x51c: {  	s25 =	simm.s32 $0x594;
	v1 =	vadd.s32 s30, v0  }
0x51d: {  	s31 =	simm.s32 $0x66;
	v2 =	vadd.s32 s25, v0  }
0x51e: {  	s26 =	simm.s32 $0x132;
	v3 =	vadd.s32 s31, v0  }
0x51f: {  	s28 =	simm.s32 $0x198;
	v5 =	vadd.s32 s26, v0  }
0x520: {  	s29 =	simm.s32 $0x0;
	v6 =	vadd.s32 s28, v0  }
0x521: {  	s25 =	simm.s32 $0xCC;
	v7 =	vadd.s32 s29, v0;
	v1 =	vld.idx.msk [tilespmem:v1+s15+$0x0], $0xffff  }
0x522: {  	s30 =	simm.s32 $0x1FE;
	v4 =	vadd.s32 s25, v0;
	v2 =	vld.idx.msk [tilespmem:v2+s15+$0x0], $0xffff  }
0x523: {  	s31 =	simm.s32 $0x264;
	v8 =	vadd.s32 s30, v0;
	v3 =	vld.idx.msk [tilespmem:v3+s15+$0x0], $0xffff  }
0x524: {  	s26 =	simm.s32 $0x2CA;
	v9 =	vadd.s32 s31, v0;
	v5 =	vld.idx.msk [tilespmem:v5+s15+$0x0], $0xffff  }
0x525: {  	s28 =	simm.s32 $0x330;
	v11 =	vadd.s32 s26, v0;
	v6 =	vld.idx.msk [tilespmem:v6+s15+$0x0], $0xffff  }
0x526: {  	s26 =	simm.s32 $0x396;
	v12 =	vadd.s32 s28, v0;
	v14 =	vld.idx.msk [tilespmem:v7+s15+$0x0], $0xffff  }
0x527: {  	s24 =	simm.s32 $0x71A0;
	s29 =	simm.s32 $0x3FC;
	v13 =	vadd.s32 s26, v0;
	v4 =	vld.idx.msk [tilespmem:v4+s15+$0x0], $0xffff  }
0x528: {  	v15 =	vadd.s32 s29, v0;
	s30 =	simm.s32 $0x462;
	v10 =	vld.idx.msk [tilespmem:v8+s15+$0x0], $0xffff;
	[tilespmem:s24+$0x300] =	vst v2  }
0x529: {  	s31 =	simm.s32 $0x4C8;
	v9 =	vld.idx.msk [tilespmem:v9+s15+$0x0], $0xffff;
	[tilespmem:s24+$0xFFFFFD80] =	vst v5;
	v5 =	vadd.s32 s30, v0  }
0x52a: {  	s28 =	simm.s32 $0x52E;
	v8 =	vld.idx.msk [tilespmem:v11+s15+$0x0], $0xffff;
	[tilespmem:s24+$0xFFFFFC80] =	vst v3;
	v3 =	vadd.s32 s31, v0  }
0x52b: {  	v7 =	vld.idx.msk [tilespmem:v12+s15+$0x0], $0xffff;
	[tilespmem:s24+$0xFFFFFE00] =	vst v6;
	v2 =	vadd.s32 s28, v0  }
0x52c: {  	v6 =	vld.idx.msk [tilespmem:v13+s15+$0x0], $0xffff;
	[tilespmem:s24+$0xFFFFFC00] =	vst v14  }
0x52d: {  	s25 =	simm.s32 $0x0;
	s26 =	simm.s32 $0xC5A;
	[tilespmem:s24+$0xFFFFFD00] =	vst v4;
	v4 =	vld.idx.msk [tilespmem:v15+s15+$0x0], $0xffff  }
.LBB2_55:
0x52e: {  	s28 =	sadd.s32 $0xFFFFFA6C, s26;
	s29 =	sadd.s32 $0xFFFFFF9A, s26;
	v11 =	vadd.s32 s26, v0;
	s25 =	sadd.s32 $0x10, s25;
	[tilespmem:s24+$0xFFFFFE80] =	vst v10;
	v10 =	vld.idx.msk [tilespmem:v5+s15+$0x0], $0xffff  }
0x52f: {  	s30 =	sadd.s32 $0xFFFFFB38, s26;
	v12 =	vadd.s32 s28, v0;
	s28 =	sadd.s32 $0xFFFFFAD2, s26;
	v13 =	vadd.s32 s29, v0;
	p0 =	slt.u32 s25, $0x30;
	[tilespmem:s24+$0xFFFFFF00] =	vst v9;
	v9 =	vld.idx.msk [tilespmem:v3+s15+$0x0], $0xffff  }
0x530: {  	v15 =	vadd.s32 s30, v0;
	s29 =	sadd.s32 $0xFFFFFC04, s26;
	s30 =	sadd.s32 $0xFFFFFC6A, s26;
	v14 =	vadd.s32 s28, v0;
	s28 =	sadd.s32 $0xFFFFFB9E, s26;
	[tilespmem:s24+$0xFFFFFF80] =	vst v8;
	v8 =	vld.idx.msk [tilespmem:v2+s15+$0x0], $0xffff  }
0x531: {  	v17 =	vadd.s32 s29, v0;
	v18 =	vadd.s32 s30, v0;
	s29 =	sadd.s32 $0xFFFFFD36, s26;
	s30 =	sadd.s32 $0xFFFFFD9C, s26;
	v16 =	vadd.s32 s28, v0;
	s28 =	sadd.s32 $0xFFFFFCD0, s26;
	[tilespmem:s24+$0x0] =	vst v7  }
0x532: {  	v19 =	vadd.s32 s29, v0;
	v20 =	vadd.s32 s30, v0;
	s29 =	sadd.s32 $0xFFFFFE68, s26;
	s30 =	sadd.s32 $0xFFFFFECE, s26;
	v7 =	vadd.s32 s28, v0;
	s28 =	sadd.s32 $0xFFFFFE02, s26;
	[tilespmem:s24+$0x80] =	vst v6  }
0x533: {  	s31 =	sadd.s32 $0xFFFFFA06, s26;
	v5 =	vadd.s32 s29, v0;
	v3 =	vadd.s32 s30, v0;
	v21 =	vadd.s32 s28, v0;
	s28 =	sadd.s32 $0xFFFFFF34, s26;
	v6 =	vld.idx.msk [tilespmem:v11+s15+$0x0], $0xffff  }
0x534: {  	v11 =	vadd.s32 s31, v0;
	v2 =	vadd.s32 s28, v0;
	v13 =	vld.idx.msk [tilespmem:v13+s15+$0x0], $0xffff;
	[tilespmem:s24+$0x100] =	vst v4  }
0x535: {  	v4 =	vld.idx.msk [tilespmem:v12+s15+$0x0], $0xffff;
	[tilespmem:s24+$0x180] =	vst v10  }
0x536: {  	v12 =	vld.idx.msk [tilespmem:v14+s15+$0x0], $0xffff;
	[tilespmem:s24+$0x200] =	vst v9  }
0x537: {  	v14 =	vld.idx.msk [tilespmem:v15+s15+$0x0], $0xffff;
	[tilespmem:s24+$0x280] =	vst v8  }
0x538: {  	v15 =	vld.idx.msk [tilespmem:v16+s15+$0x0], $0xffff;
	[tilespmem:s24+$0x380] =	vst v1  }
0x539: {  	s24 =	sadd.s32 $0x800, s24;
	v1 =	vmov v6;
	v11 =	vld.idx.msk [tilespmem:v11+s15+$0x0], $0xffff  }
0x53a: {  	v10 =	vld.idx.msk [tilespmem:v17+s15+$0x0], $0xffff;
	[tilespmem:s24+$0x300] =	vst v13  }
.Ltmp26:
0x53b: {  	[tilespmem:s24+$0xFFFFFC80] =	vst v4;
	v9 =	vld.idx.msk [tilespmem:v18+s15+$0x0], $0xffff;
	(pc) =	sbr.rel @p0 .LBB2_55-.Ltmp26, $4  }
0x53c: {  	[tilespmem:s24+$0xFFFFFD00] =	vst v12;
	v8 =	vld.idx.msk [tilespmem:v7+s15+$0x0], $0xffff  }
0x53d: {  	[tilespmem:s24+$0xFFFFFD80] =	vst v14;
	v7 =	vld.idx.msk [tilespmem:v19+s15+$0x0], $0xffff  }
0x53e: {  	[tilespmem:s24+$0xFFFFFE00] =	vst v15;
	v6 =	vld.idx.msk [tilespmem:v20+s15+$0x0], $0xffff  }
0x53f: {  	s26 =	sadd.s32 $0x660, s26;
	[tilespmem:s24+$0xFFFFFC00] =	vst v11;
	v4 =	vld.idx.msk [tilespmem:v21+s15+$0x0], $0xffff  }
0x540: {  	_ =	sdelay $0x1  }
0x541: {  	[tilespmem:s24+$0xFFFFFE80] =	vst v10  }
0x542: {  	[tilespmem:s24+$0xFFFFFF00] =	vst v9  }
0x543: {  	v0 =	vld.idx.msk [tilespmem:v5+s15+$0x0], $0xffff;
	[tilespmem:s24+$0x380] =	vst v1  }
0x544: {  	v3 =	vld.idx.msk [tilespmem:v3+s15+$0x0], $0xffff;
	[tilespmem:s24+$0xFFFFFF80] =	vst v8  }
0x545: {  	v2 =	vld.idx.msk [tilespmem:v2+s15+$0x0], $0xffff;
	[tilespmem:s24+$0x0] =	vst v7  }
0x546: {  	[tilespmem:s24+$0x80] =	vst v6  }
0x547: {  	[tilespmem:s24+$0x100] =	vst v4  }
0x548: {  	[tilespmem:s24+$0x180] =	vst v0  }
0x549: {  	[tilespmem:s24+$0x200] =	vst v3  }
0x54a: {  	[tilespmem:s24+$0x280] =	vst v2  }
0x54b: {  	v0 =	vld [tilespmem:s23+$0x30];
	_ =	sdelay $0x3  }
0x54c: {  	s30 =	simm.s32 $0x5FA  }
0x54d: {  	s25 =	simm.s32 $0x594;
	v1 =	vadd.s32 s30, v0  }
0x54e: {  	s31 =	simm.s32 $0x66;
	v2 =	vadd.s32 s25, v0  }
0x54f: {  	s26 =	simm.s32 $0x132;
	v3 =	vadd.s32 s31, v0  }
0x550: {  	s28 =	simm.s32 $0x198;
	v5 =	vadd.s32 s26, v0  }
0x551: {  	s29 =	simm.s32 $0x0;
	v6 =	vadd.s32 s28, v0  }
0x552: {  	s25 =	simm.s32 $0xCC;
	v7 =	vadd.s32 s29, v0;
	v1 =	vld.idx.msk [tilespmem:v1+s15+$0x0], $0xffff  }
0x553: {  	s30 =	simm.s32 $0x1FE;
	v4 =	vadd.s32 s25, v0;
	v2 =	vld.idx.msk [tilespmem:v2+s15+$0x0], $0xffff  }
0x554: {  	s31 =	simm.s32 $0x264;
	v8 =	vadd.s32 s30, v0;
	v3 =	vld.idx.msk [tilespmem:v3+s15+$0x0], $0xffff  }
0x555: {  	s26 =	simm.s32 $0x2CA;
	v9 =	vadd.s32 s31, v0;
	v5 =	vld.idx.msk [tilespmem:v5+s15+$0x0], $0xffff  }
0x556: {  	s28 =	simm.s32 $0x330;
	v11 =	vadd.s32 s26, v0;
	v6 =	vld.idx.msk [tilespmem:v6+s15+$0x0], $0xffff  }
0x557: {  	s26 =	simm.s32 $0x396;
	v12 =	vadd.s32 s28, v0;
	v14 =	vld.idx.msk [tilespmem:v7+s15+$0x0], $0xffff  }
0x558: {  	s24 =	simm.s32 $0x71B0;
	s29 =	simm.s32 $0x3FC;
	v13 =	vadd.s32 s26, v0;
	v4 =	vld.idx.msk [tilespmem:v4+s15+$0x0], $0xffff  }
0x559: {  	v15 =	vadd.s32 s29, v0;
	s30 =	simm.s32 $0x462;
	v10 =	vld.idx.msk [tilespmem:v8+s15+$0x0], $0xffff;
	[tilespmem:s24+$0x300] =	vst v2  }
0x55a: {  	s31 =	simm.s32 $0x4C8;
	v9 =	vld.idx.msk [tilespmem:v9+s15+$0x0], $0xffff;
	[tilespmem:s24+$0xFFFFFD80] =	vst v5;
	v5 =	vadd.s32 s30, v0  }
0x55b: {  	s28 =	simm.s32 $0x52E;
	v8 =	vld.idx.msk [tilespmem:v11+s15+$0x0], $0xffff;
	[tilespmem:s24+$0xFFFFFC80] =	vst v3;
	v3 =	vadd.s32 s31, v0  }
0x55c: {  	v7 =	vld.idx.msk [tilespmem:v12+s15+$0x0], $0xffff;
	[tilespmem:s24+$0xFFFFFE00] =	vst v6;
	v2 =	vadd.s32 s28, v0  }
0x55d: {  	v6 =	vld.idx.msk [tilespmem:v13+s15+$0x0], $0xffff;
	[tilespmem:s24+$0xFFFFFC00] =	vst v14  }
0x55e: {  	s25 =	simm.s32 $0x0;
	s26 =	simm.s32 $0xC5A;
	[tilespmem:s24+$0xFFFFFD00] =	vst v4;
	v4 =	vld.idx.msk [tilespmem:v15+s15+$0x0], $0xffff  }
.LBB2_57:
0x55f: {  	s28 =	sadd.s32 $0xFFFFFA6C, s26;
	s29 =	sadd.s32 $0xFFFFFF9A, s26;
	v11 =	vadd.s32 s26, v0;
	s25 =	sadd.s32 $0x10, s25;
	[tilespmem:s24+$0xFFFFFE80] =	vst v10;
	v10 =	vld.idx.msk [tilespmem:v5+s15+$0x0], $0xffff  }
0x560: {  	s30 =	sadd.s32 $0xFFFFFB38, s26;
	v12 =	vadd.s32 s28, v0;
	s28 =	sadd.s32 $0xFFFFFAD2, s26;
	v13 =	vadd.s32 s29, v0;
	p0 =	slt.u32 s25, $0x30;
	[tilespmem:s24+$0xFFFFFF00] =	vst v9;
	v9 =	vld.idx.msk [tilespmem:v3+s15+$0x0], $0xffff  }
0x561: {  	v15 =	vadd.s32 s30, v0;
	s29 =	sadd.s32 $0xFFFFFC04, s26;
	s30 =	sadd.s32 $0xFFFFFC6A, s26;
	v14 =	vadd.s32 s28, v0;
	s28 =	sadd.s32 $0xFFFFFB9E, s26;
	[tilespmem:s24+$0xFFFFFF80] =	vst v8;
	v8 =	vld.idx.msk [tilespmem:v2+s15+$0x0], $0xffff  }
0x562: {  	v17 =	vadd.s32 s29, v0;
	v18 =	vadd.s32 s30, v0;
	s29 =	sadd.s32 $0xFFFFFD36, s26;
	s30 =	sadd.s32 $0xFFFFFD9C, s26;
	v16 =	vadd.s32 s28, v0;
	s28 =	sadd.s32 $0xFFFFFCD0, s26;
	[tilespmem:s24+$0x0] =	vst v7  }
0x563: {  	v19 =	vadd.s32 s29, v0;
	v20 =	vadd.s32 s30, v0;
	s29 =	sadd.s32 $0xFFFFFE68, s26;
	s30 =	sadd.s32 $0xFFFFFECE, s26;
	v7 =	vadd.s32 s28, v0;
	s28 =	sadd.s32 $0xFFFFFE02, s26;
	[tilespmem:s24+$0x80] =	vst v6  }
0x564: {  	s31 =	sadd.s32 $0xFFFFFA06, s26;
	v5 =	vadd.s32 s29, v0;
	v3 =	vadd.s32 s30, v0;
	v21 =	vadd.s32 s28, v0;
	s28 =	sadd.s32 $0xFFFFFF34, s26;
	v6 =	vld.idx.msk [tilespmem:v11+s15+$0x0], $0xffff  }
0x565: {  	v11 =	vadd.s32 s31, v0;
	v2 =	vadd.s32 s28, v0;
	v13 =	vld.idx.msk [tilespmem:v13+s15+$0x0], $0xffff;
	[tilespmem:s24+$0x100] =	vst v4  }
0x566: {  	v4 =	vld.idx.msk [tilespmem:v12+s15+$0x0], $0xffff;
	[tilespmem:s24+$0x180] =	vst v10  }
0x567: {  	v12 =	vld.idx.msk [tilespmem:v14+s15+$0x0], $0xffff;
	[tilespmem:s24+$0x200] =	vst v9  }
0x568: {  	v14 =	vld.idx.msk [tilespmem:v15+s15+$0x0], $0xffff;
	[tilespmem:s24+$0x280] =	vst v8  }
0x569: {  	v15 =	vld.idx.msk [tilespmem:v16+s15+$0x0], $0xffff;
	[tilespmem:s24+$0x380] =	vst v1  }
0x56a: {  	s24 =	sadd.s32 $0x800, s24;
	v1 =	vmov v6;
	v11 =	vld.idx.msk [tilespmem:v11+s15+$0x0], $0xffff  }
0x56b: {  	v10 =	vld.idx.msk [tilespmem:v17+s15+$0x0], $0xffff;
	[tilespmem:s24+$0x300] =	vst v13  }
.Ltmp27:
0x56c: {  	[tilespmem:s24+$0xFFFFFC80] =	vst v4;
	v9 =	vld.idx.msk [tilespmem:v18+s15+$0x0], $0xffff;
	(pc) =	sbr.rel @p0 .LBB2_57-.Ltmp27, $4  }
0x56d: {  	[tilespmem:s24+$0xFFFFFD00] =	vst v12;
	v8 =	vld.idx.msk [tilespmem:v7+s15+$0x0], $0xffff  }
0x56e: {  	[tilespmem:s24+$0xFFFFFD80] =	vst v14;
	v7 =	vld.idx.msk [tilespmem:v19+s15+$0x0], $0xffff  }
0x56f: {  	[tilespmem:s24+$0xFFFFFE00] =	vst v15;
	v6 =	vld.idx.msk [tilespmem:v20+s15+$0x0], $0xffff  }
0x570: {  	s26 =	sadd.s32 $0x660, s26;
	[tilespmem:s24+$0xFFFFFC00] =	vst v11;
	v4 =	vld.idx.msk [tilespmem:v21+s15+$0x0], $0xffff  }
0x571: {  	_ =	sdelay $0x1  }
0x572: {  	[tilespmem:s24+$0xFFFFFE80] =	vst v10  }
0x573: {  	[tilespmem:s24+$0xFFFFFF00] =	vst v9  }
0x574: {  	v0 =	vld.idx.msk [tilespmem:v5+s15+$0x0], $0xffff;
	[tilespmem:s24+$0x380] =	vst v1  }
0x575: {  	v3 =	vld.idx.msk [tilespmem:v3+s15+$0x0], $0xffff;
	[tilespmem:s24+$0xFFFFFF80] =	vst v8  }
0x576: {  	v2 =	vld.idx.msk [tilespmem:v2+s15+$0x0], $0xffff;
	[tilespmem:s24+$0x0] =	vst v7  }
0x577: {  	[tilespmem:s24+$0x80] =	vst v6  }
0x578: {  	[tilespmem:s24+$0x100] =	vst v4  }
0x579: {  	[tilespmem:s24+$0x180] =	vst v0  }
0x57a: {  	[tilespmem:s24+$0x200] =	vst v3  }
0x57b: {  	[tilespmem:s24+$0x280] =	vst v2  }
0x57c: {  	v0 =	vld [tilespmem:s23+$0x40];
	_ =	sdelay $0x3  }
0x57d: {  	s30 =	simm.s32 $0x5FA  }
0x57e: {  	s25 =	simm.s32 $0x594;
	v1 =	vadd.s32 s30, v0  }
0x57f: {  	s31 =	simm.s32 $0x66;
	v2 =	vadd.s32 s25, v0  }
0x580: {  	s26 =	simm.s32 $0x132;
	v3 =	vadd.s32 s31, v0  }
0x581: {  	s28 =	simm.s32 $0x198;
	v5 =	vadd.s32 s26, v0  }
0x582: {  	s29 =	simm.s32 $0x0;
	v6 =	vadd.s32 s28, v0  }
0x583: {  	s25 =	simm.s32 $0xCC;
	v7 =	vadd.s32 s29, v0;
	v1 =	vld.idx.msk [tilespmem:v1+s15+$0x0], $0xffff  }
0x584: {  	s30 =	simm.s32 $0x1FE;
	v4 =	vadd.s32 s25, v0;
	v2 =	vld.idx.msk [tilespmem:v2+s15+$0x0], $0xffff  }
0x585: {  	s31 =	simm.s32 $0x264;
	v8 =	vadd.s32 s30, v0;
	v3 =	vld.idx.msk [tilespmem:v3+s15+$0x0], $0xffff  }
0x586: {  	s26 =	simm.s32 $0x2CA;
	v9 =	vadd.s32 s31, v0;
	v5 =	vld.idx.msk [tilespmem:v5+s15+$0x0], $0xffff  }
0x587: {  	s28 =	simm.s32 $0x330;
	v11 =	vadd.s32 s26, v0;
	v6 =	vld.idx.msk [tilespmem:v6+s15+$0x0], $0xffff  }
0x588: {  	s26 =	simm.s32 $0x396;
	v12 =	vadd.s32 s28, v0;
	v14 =	vld.idx.msk [tilespmem:v7+s15+$0x0], $0xffff  }
0x589: {  	s24 =	simm.s32 $0x71C0;
	s29 =	simm.s32 $0x3FC;
	v13 =	vadd.s32 s26, v0;
	v4 =	vld.idx.msk [tilespmem:v4+s15+$0x0], $0xffff  }
0x58a: {  	v15 =	vadd.s32 s29, v0;
	s30 =	simm.s32 $0x462;
	v10 =	vld.idx.msk [tilespmem:v8+s15+$0x0], $0xffff;
	[tilespmem:s24+$0x300] =	vst v2  }
0x58b: {  	s31 =	simm.s32 $0x4C8;
	v9 =	vld.idx.msk [tilespmem:v9+s15+$0x0], $0xffff;
	[tilespmem:s24+$0xFFFFFD80] =	vst v5;
	v5 =	vadd.s32 s30, v0  }
0x58c: {  	s28 =	simm.s32 $0x52E;
	v8 =	vld.idx.msk [tilespmem:v11+s15+$0x0], $0xffff;
	[tilespmem:s24+$0xFFFFFC80] =	vst v3;
	v3 =	vadd.s32 s31, v0  }
0x58d: {  	v7 =	vld.idx.msk [tilespmem:v12+s15+$0x0], $0xffff;
	[tilespmem:s24+$0xFFFFFE00] =	vst v6;
	v2 =	vadd.s32 s28, v0  }
0x58e: {  	v6 =	vld.idx.msk [tilespmem:v13+s15+$0x0], $0xffff;
	[tilespmem:s24+$0xFFFFFC00] =	vst v14  }
0x58f: {  	s25 =	simm.s32 $0x0;
	s26 =	simm.s32 $0xC5A;
	[tilespmem:s24+$0xFFFFFD00] =	vst v4;
	v4 =	vld.idx.msk [tilespmem:v15+s15+$0x0], $0xffff  }
.LBB2_59:
0x590: {  	s28 =	sadd.s32 $0xFFFFFA6C, s26;
	s29 =	sadd.s32 $0xFFFFFF9A, s26;
	v11 =	vadd.s32 s26, v0;
	s25 =	sadd.s32 $0x10, s25;
	[tilespmem:s24+$0xFFFFFE80] =	vst v10;
	v10 =	vld.idx.msk [tilespmem:v5+s15+$0x0], $0xffff  }
0x591: {  	s30 =	sadd.s32 $0xFFFFFB38, s26;
	v12 =	vadd.s32 s28, v0;
	s28 =	sadd.s32 $0xFFFFFAD2, s26;
	v13 =	vadd.s32 s29, v0;
	p0 =	slt.u32 s25, $0x30;
	[tilespmem:s24+$0xFFFFFF00] =	vst v9;
	v9 =	vld.idx.msk [tilespmem:v3+s15+$0x0], $0xffff  }
0x592: {  	v15 =	vadd.s32 s30, v0;
	s29 =	sadd.s32 $0xFFFFFC04, s26;
	s30 =	sadd.s32 $0xFFFFFC6A, s26;
	v14 =	vadd.s32 s28, v0;
	s28 =	sadd.s32 $0xFFFFFB9E, s26;
	[tilespmem:s24+$0xFFFFFF80] =	vst v8;
	v8 =	vld.idx.msk [tilespmem:v2+s15+$0x0], $0xffff  }
0x593: {  	v17 =	vadd.s32 s29, v0;
	v18 =	vadd.s32 s30, v0;
	s29 =	sadd.s32 $0xFFFFFD36, s26;
	s30 =	sadd.s32 $0xFFFFFD9C, s26;
	v16 =	vadd.s32 s28, v0;
	s28 =	sadd.s32 $0xFFFFFCD0, s26;
	[tilespmem:s24+$0x0] =	vst v7  }
0x594: {  	v19 =	vadd.s32 s29, v0;
	v20 =	vadd.s32 s30, v0;
	s29 =	sadd.s32 $0xFFFFFE68, s26;
	s30 =	sadd.s32 $0xFFFFFECE, s26;
	v7 =	vadd.s32 s28, v0;
	s28 =	sadd.s32 $0xFFFFFE02, s26;
	[tilespmem:s24+$0x80] =	vst v6  }
0x595: {  	s31 =	sadd.s32 $0xFFFFFA06, s26;
	v5 =	vadd.s32 s29, v0;
	v3 =	vadd.s32 s30, v0;
	v21 =	vadd.s32 s28, v0;
	s28 =	sadd.s32 $0xFFFFFF34, s26;
	v6 =	vld.idx.msk [tilespmem:v11+s15+$0x0], $0xffff  }
0x596: {  	v11 =	vadd.s32 s31, v0;
	v2 =	vadd.s32 s28, v0;
	v13 =	vld.idx.msk [tilespmem:v13+s15+$0x0], $0xffff;
	[tilespmem:s24+$0x100] =	vst v4  }
0x597: {  	v4 =	vld.idx.msk [tilespmem:v12+s15+$0x0], $0xffff;
	[tilespmem:s24+$0x180] =	vst v10  }
0x598: {  	v12 =	vld.idx.msk [tilespmem:v14+s15+$0x0], $0xffff;
	[tilespmem:s24+$0x200] =	vst v9  }
0x599: {  	v14 =	vld.idx.msk [tilespmem:v15+s15+$0x0], $0xffff;
	[tilespmem:s24+$0x280] =	vst v8  }
0x59a: {  	v15 =	vld.idx.msk [tilespmem:v16+s15+$0x0], $0xffff;
	[tilespmem:s24+$0x380] =	vst v1  }
0x59b: {  	s24 =	sadd.s32 $0x800, s24;
	v1 =	vmov v6;
	v11 =	vld.idx.msk [tilespmem:v11+s15+$0x0], $0xffff  }
0x59c: {  	v10 =	vld.idx.msk [tilespmem:v17+s15+$0x0], $0xffff;
	[tilespmem:s24+$0x300] =	vst v13  }
.Ltmp28:
0x59d: {  	[tilespmem:s24+$0xFFFFFC80] =	vst v4;
	v9 =	vld.idx.msk [tilespmem:v18+s15+$0x0], $0xffff;
	(pc) =	sbr.rel @p0 .LBB2_59-.Ltmp28, $4  }
0x59e: {  	[tilespmem:s24+$0xFFFFFD00] =	vst v12;
	v8 =	vld.idx.msk [tilespmem:v7+s15+$0x0], $0xffff  }
0x59f: {  	[tilespmem:s24+$0xFFFFFD80] =	vst v14;
	v7 =	vld.idx.msk [tilespmem:v19+s15+$0x0], $0xffff  }
0x5a0: {  	[tilespmem:s24+$0xFFFFFE00] =	vst v15;
	v6 =	vld.idx.msk [tilespmem:v20+s15+$0x0], $0xffff  }
0x5a1: {  	s26 =	sadd.s32 $0x660, s26;
	[tilespmem:s24+$0xFFFFFC00] =	vst v11;
	v4 =	vld.idx.msk [tilespmem:v21+s15+$0x0], $0xffff  }
0x5a2: {  	_ =	sdelay $0x1  }
0x5a3: {  	[tilespmem:s24+$0xFFFFFE80] =	vst v10  }
0x5a4: {  	[tilespmem:s24+$0xFFFFFF00] =	vst v9  }
0x5a5: {  	v0 =	vld.idx.msk [tilespmem:v5+s15+$0x0], $0xffff;
	[tilespmem:s24+$0x380] =	vst v1  }
0x5a6: {  	v3 =	vld.idx.msk [tilespmem:v3+s15+$0x0], $0xffff;
	[tilespmem:s24+$0xFFFFFF80] =	vst v8  }
0x5a7: {  	v2 =	vld.idx.msk [tilespmem:v2+s15+$0x0], $0xffff;
	[tilespmem:s24+$0x0] =	vst v7  }
0x5a8: {  	[tilespmem:s24+$0x80] =	vst v6  }
0x5a9: {  	[tilespmem:s24+$0x100] =	vst v4  }
0x5aa: {  	[tilespmem:s24+$0x180] =	vst v0  }
0x5ab: {  	[tilespmem:s24+$0x200] =	vst v3  }
0x5ac: {  	[tilespmem:s24+$0x280] =	vst v2  }
0x5ad: {  	v0 =	vld [tilespmem:s23+$0x50];
	_ =	sdelay $0x3  }
0x5ae: {  	s30 =	simm.s32 $0x5FA  }
0x5af: {  	s25 =	simm.s32 $0x594;
	v1 =	vadd.s32 s30, v0  }
0x5b0: {  	s31 =	simm.s32 $0x66;
	v2 =	vadd.s32 s25, v0  }
0x5b1: {  	s26 =	simm.s32 $0x132;
	v3 =	vadd.s32 s31, v0  }
0x5b2: {  	s28 =	simm.s32 $0x198;
	v5 =	vadd.s32 s26, v0  }
0x5b3: {  	s29 =	simm.s32 $0x0;
	v6 =	vadd.s32 s28, v0  }
0x5b4: {  	s25 =	simm.s32 $0xCC;
	v7 =	vadd.s32 s29, v0;
	v1 =	vld.idx.msk [tilespmem:v1+s15+$0x0], $0xffff  }
0x5b5: {  	s30 =	simm.s32 $0x1FE;
	v4 =	vadd.s32 s25, v0;
	v2 =	vld.idx.msk [tilespmem:v2+s15+$0x0], $0xffff  }
0x5b6: {  	s31 =	simm.s32 $0x264;
	v8 =	vadd.s32 s30, v0;
	v3 =	vld.idx.msk [tilespmem:v3+s15+$0x0], $0xffff  }
0x5b7: {  	s26 =	simm.s32 $0x2CA;
	v9 =	vadd.s32 s31, v0;
	v5 =	vld.idx.msk [tilespmem:v5+s15+$0x0], $0xffff  }
0x5b8: {  	s28 =	simm.s32 $0x330;
	v11 =	vadd.s32 s26, v0;
	v6 =	vld.idx.msk [tilespmem:v6+s15+$0x0], $0xffff  }
0x5b9: {  	s26 =	simm.s32 $0x396;
	v12 =	vadd.s32 s28, v0;
	v14 =	vld.idx.msk [tilespmem:v7+s15+$0x0], $0xffff  }
0x5ba: {  	s24 =	simm.s32 $0x71D0;
	s29 =	simm.s32 $0x3FC;
	v13 =	vadd.s32 s26, v0;
	v4 =	vld.idx.msk [tilespmem:v4+s15+$0x0], $0xffff  }
0x5bb: {  	v15 =	vadd.s32 s29, v0;
	s30 =	simm.s32 $0x462;
	v10 =	vld.idx.msk [tilespmem:v8+s15+$0x0], $0xffff;
	[tilespmem:s24+$0x300] =	vst v2  }
0x5bc: {  	s31 =	simm.s32 $0x4C8;
	v9 =	vld.idx.msk [tilespmem:v9+s15+$0x0], $0xffff;
	[tilespmem:s24+$0xFFFFFD80] =	vst v5;
	v5 =	vadd.s32 s30, v0  }
0x5bd: {  	s28 =	simm.s32 $0x52E;
	v8 =	vld.idx.msk [tilespmem:v11+s15+$0x0], $0xffff;
	[tilespmem:s24+$0xFFFFFC80] =	vst v3;
	v3 =	vadd.s32 s31, v0  }
0x5be: {  	v7 =	vld.idx.msk [tilespmem:v12+s15+$0x0], $0xffff;
	[tilespmem:s24+$0xFFFFFE00] =	vst v6;
	v2 =	vadd.s32 s28, v0  }
0x5bf: {  	v6 =	vld.idx.msk [tilespmem:v13+s15+$0x0], $0xffff;
	[tilespmem:s24+$0xFFFFFC00] =	vst v14  }
0x5c0: {  	s25 =	simm.s32 $0x0;
	s26 =	simm.s32 $0xC5A;
	[tilespmem:s24+$0xFFFFFD00] =	vst v4;
	v4 =	vld.idx.msk [tilespmem:v15+s15+$0x0], $0xffff  }
.LBB2_61:
0x5c1: {  	s28 =	sadd.s32 $0xFFFFFA6C, s26;
	s29 =	sadd.s32 $0xFFFFFF9A, s26;
	v11 =	vadd.s32 s26, v0;
	s25 =	sadd.s32 $0x10, s25;
	[tilespmem:s24+$0xFFFFFE80] =	vst v10;
	v10 =	vld.idx.msk [tilespmem:v5+s15+$0x0], $0xffff  }
0x5c2: {  	s30 =	sadd.s32 $0xFFFFFB38, s26;
	v12 =	vadd.s32 s28, v0;
	s28 =	sadd.s32 $0xFFFFFAD2, s26;
	v13 =	vadd.s32 s29, v0;
	p0 =	slt.u32 s25, $0x30;
	[tilespmem:s24+$0xFFFFFF00] =	vst v9;
	v9 =	vld.idx.msk [tilespmem:v3+s15+$0x0], $0xffff  }
0x5c3: {  	v15 =	vadd.s32 s30, v0;
	s29 =	sadd.s32 $0xFFFFFC04, s26;
	s30 =	sadd.s32 $0xFFFFFC6A, s26;
	v14 =	vadd.s32 s28, v0;
	s28 =	sadd.s32 $0xFFFFFB9E, s26;
	[tilespmem:s24+$0xFFFFFF80] =	vst v8;
	v8 =	vld.idx.msk [tilespmem:v2+s15+$0x0], $0xffff  }
0x5c4: {  	v17 =	vadd.s32 s29, v0;
	v18 =	vadd.s32 s30, v0;
	s29 =	sadd.s32 $0xFFFFFD36, s26;
	s30 =	sadd.s32 $0xFFFFFD9C, s26;
	v16 =	vadd.s32 s28, v0;
	s28 =	sadd.s32 $0xFFFFFCD0, s26;
	[tilespmem:s24+$0x0] =	vst v7  }
0x5c5: {  	v19 =	vadd.s32 s29, v0;
	v20 =	vadd.s32 s30, v0;
	s29 =	sadd.s32 $0xFFFFFE68, s26;
	s30 =	sadd.s32 $0xFFFFFECE, s26;
	v7 =	vadd.s32 s28, v0;
	s28 =	sadd.s32 $0xFFFFFE02, s26;
	[tilespmem:s24+$0x80] =	vst v6  }
0x5c6: {  	s31 =	sadd.s32 $0xFFFFFA06, s26;
	v5 =	vadd.s32 s29, v0;
	v3 =	vadd.s32 s30, v0;
	v21 =	vadd.s32 s28, v0;
	s28 =	sadd.s32 $0xFFFFFF34, s26;
	v6 =	vld.idx.msk [tilespmem:v11+s15+$0x0], $0xffff  }
0x5c7: {  	v11 =	vadd.s32 s31, v0;
	v2 =	vadd.s32 s28, v0;
	v13 =	vld.idx.msk [tilespmem:v13+s15+$0x0], $0xffff;
	[tilespmem:s24+$0x100] =	vst v4  }
0x5c8: {  	v4 =	vld.idx.msk [tilespmem:v12+s15+$0x0], $0xffff;
	[tilespmem:s24+$0x180] =	vst v10  }
0x5c9: {  	v12 =	vld.idx.msk [tilespmem:v14+s15+$0x0], $0xffff;
	[tilespmem:s24+$0x200] =	vst v9  }
0x5ca: {  	v14 =	vld.idx.msk [tilespmem:v15+s15+$0x0], $0xffff;
	[tilespmem:s24+$0x280] =	vst v8  }
0x5cb: {  	v15 =	vld.idx.msk [tilespmem:v16+s15+$0x0], $0xffff;
	[tilespmem:s24+$0x380] =	vst v1  }
0x5cc: {  	s24 =	sadd.s32 $0x800, s24;
	v1 =	vmov v6;
	v11 =	vld.idx.msk [tilespmem:v11+s15+$0x0], $0xffff  }
0x5cd: {  	v10 =	vld.idx.msk [tilespmem:v17+s15+$0x0], $0xffff;
	[tilespmem:s24+$0x300] =	vst v13  }
.Ltmp29:
0x5ce: {  	[tilespmem:s24+$0xFFFFFC80] =	vst v4;
	v9 =	vld.idx.msk [tilespmem:v18+s15+$0x0], $0xffff;
	(pc) =	sbr.rel @p0 .LBB2_61-.Ltmp29, $4  }
0x5cf: {  	[tilespmem:s24+$0xFFFFFD00] =	vst v12;
	v8 =	vld.idx.msk [tilespmem:v7+s15+$0x0], $0xffff  }
0x5d0: {  	[tilespmem:s24+$0xFFFFFD80] =	vst v14;
	v7 =	vld.idx.msk [tilespmem:v19+s15+$0x0], $0xffff  }
0x5d1: {  	[tilespmem:s24+$0xFFFFFE00] =	vst v15;
	v6 =	vld.idx.msk [tilespmem:v20+s15+$0x0], $0xffff  }
0x5d2: {  	s26 =	sadd.s32 $0x660, s26;
	[tilespmem:s24+$0xFFFFFC00] =	vst v11;
	v4 =	vld.idx.msk [tilespmem:v21+s15+$0x0], $0xffff  }
0x5d3: {  	_ =	sdelay $0x1  }
0x5d4: {  	[tilespmem:s24+$0xFFFFFE80] =	vst v10  }
0x5d5: {  	[tilespmem:s24+$0xFFFFFF00] =	vst v9  }
0x5d6: {  	v0 =	vld.idx.msk [tilespmem:v5+s15+$0x0], $0xffff;
	[tilespmem:s24+$0x380] =	vst v1  }
0x5d7: {  	v3 =	vld.idx.msk [tilespmem:v3+s15+$0x0], $0xffff;
	[tilespmem:s24+$0xFFFFFF80] =	vst v8  }
0x5d8: {  	v2 =	vld.idx.msk [tilespmem:v2+s15+$0x0], $0xffff;
	[tilespmem:s24+$0x0] =	vst v7  }
0x5d9: {  	[tilespmem:s24+$0x80] =	vst v6  }
0x5da: {  	[tilespmem:s24+$0x100] =	vst v4  }
0x5db: {  	[tilespmem:s24+$0x180] =	vst v0  }
0x5dc: {  	[tilespmem:s24+$0x200] =	vst v3  }
0x5dd: {  	[tilespmem:s24+$0x280] =	vst v2  }
0x5de: {  	v0 =	vld [tilespmem:s23+$0x60];
	_ =	sdelay $0x3  }
0x5df: {  	s30 =	simm.s32 $0x5FA  }
0x5e0: {  	s25 =	simm.s32 $0x594;
	v1 =	vadd.s32 s30, v0  }
0x5e1: {  	s31 =	simm.s32 $0x66;
	v2 =	vadd.s32 s25, v0  }
0x5e2: {  	s26 =	simm.s32 $0x132;
	v3 =	vadd.s32 s31, v0  }
0x5e3: {  	s28 =	simm.s32 $0x198;
	v5 =	vadd.s32 s26, v0  }
0x5e4: {  	s29 =	simm.s32 $0x0;
	v6 =	vadd.s32 s28, v0  }
0x5e5: {  	s25 =	simm.s32 $0xCC;
	v7 =	vadd.s32 s29, v0;
	v1 =	vld.idx.msk [tilespmem:v1+s15+$0x0], $0xffff  }
0x5e6: {  	s30 =	simm.s32 $0x1FE;
	v4 =	vadd.s32 s25, v0;
	v2 =	vld.idx.msk [tilespmem:v2+s15+$0x0], $0xffff  }
0x5e7: {  	s31 =	simm.s32 $0x264;
	v8 =	vadd.s32 s30, v0;
	v3 =	vld.idx.msk [tilespmem:v3+s15+$0x0], $0xffff  }
0x5e8: {  	s26 =	simm.s32 $0x2CA;
	v9 =	vadd.s32 s31, v0;
	v5 =	vld.idx.msk [tilespmem:v5+s15+$0x0], $0xffff  }
0x5e9: {  	s28 =	simm.s32 $0x330;
	v11 =	vadd.s32 s26, v0;
	v6 =	vld.idx.msk [tilespmem:v6+s15+$0x0], $0xffff  }
0x5ea: {  	s26 =	simm.s32 $0x396;
	v12 =	vadd.s32 s28, v0;
	v14 =	vld.idx.msk [tilespmem:v7+s15+$0x0], $0xffff  }
0x5eb: {  	s24 =	simm.s32 $0x71E0;
	s29 =	simm.s32 $0x3FC;
	v13 =	vadd.s32 s26, v0;
	v4 =	vld.idx.msk [tilespmem:v4+s15+$0x0], $0xffff  }
0x5ec: {  	v15 =	vadd.s32 s29, v0;
	s30 =	simm.s32 $0x462;
	v10 =	vld.idx.msk [tilespmem:v8+s15+$0x0], $0xffff;
	[tilespmem:s24+$0x300] =	vst v2  }
0x5ed: {  	s31 =	simm.s32 $0x4C8;
	v9 =	vld.idx.msk [tilespmem:v9+s15+$0x0], $0xffff;
	[tilespmem:s24+$0xFFFFFD80] =	vst v5;
	v5 =	vadd.s32 s30, v0  }
0x5ee: {  	s28 =	simm.s32 $0x52E;
	v8 =	vld.idx.msk [tilespmem:v11+s15+$0x0], $0xffff;
	[tilespmem:s24+$0xFFFFFC80] =	vst v3;
	v3 =	vadd.s32 s31, v0  }
0x5ef: {  	v7 =	vld.idx.msk [tilespmem:v12+s15+$0x0], $0xffff;
	[tilespmem:s24+$0xFFFFFE00] =	vst v6;
	v2 =	vadd.s32 s28, v0  }
0x5f0: {  	v6 =	vld.idx.msk [tilespmem:v13+s15+$0x0], $0xffff;
	[tilespmem:s24+$0xFFFFFC00] =	vst v14  }
0x5f1: {  	s25 =	simm.s32 $0x0;
	s26 =	simm.s32 $0xC5A;
	[tilespmem:s24+$0xFFFFFD00] =	vst v4;
	v4 =	vld.idx.msk [tilespmem:v15+s15+$0x0], $0xffff  }
.LBB2_63:
0x5f2: {  	s28 =	sadd.s32 $0xFFFFFA6C, s26;
	s29 =	sadd.s32 $0xFFFFFF9A, s26;
	v11 =	vadd.s32 s26, v0;
	s25 =	sadd.s32 $0x10, s25;
	[tilespmem:s24+$0xFFFFFE80] =	vst v10;
	v10 =	vld.idx.msk [tilespmem:v5+s15+$0x0], $0xffff  }
0x5f3: {  	s30 =	sadd.s32 $0xFFFFFB38, s26;
	v12 =	vadd.s32 s28, v0;
	s28 =	sadd.s32 $0xFFFFFAD2, s26;
	v13 =	vadd.s32 s29, v0;
	p0 =	slt.u32 s25, $0x30;
	[tilespmem:s24+$0xFFFFFF00] =	vst v9;
	v9 =	vld.idx.msk [tilespmem:v3+s15+$0x0], $0xffff  }
0x5f4: {  	v15 =	vadd.s32 s30, v0;
	s29 =	sadd.s32 $0xFFFFFC04, s26;
	s30 =	sadd.s32 $0xFFFFFC6A, s26;
	v14 =	vadd.s32 s28, v0;
	s28 =	sadd.s32 $0xFFFFFB9E, s26;
	[tilespmem:s24+$0xFFFFFF80] =	vst v8;
	v8 =	vld.idx.msk [tilespmem:v2+s15+$0x0], $0xffff  }
0x5f5: {  	v17 =	vadd.s32 s29, v0;
	v18 =	vadd.s32 s30, v0;
	s29 =	sadd.s32 $0xFFFFFD36, s26;
	s30 =	sadd.s32 $0xFFFFFD9C, s26;
	v16 =	vadd.s32 s28, v0;
	s28 =	sadd.s32 $0xFFFFFCD0, s26;
	[tilespmem:s24+$0x0] =	vst v7  }
0x5f6: {  	v19 =	vadd.s32 s29, v0;
	v20 =	vadd.s32 s30, v0;
	s29 =	sadd.s32 $0xFFFFFE68, s26;
	s30 =	sadd.s32 $0xFFFFFECE, s26;
	v7 =	vadd.s32 s28, v0;
	s28 =	sadd.s32 $0xFFFFFE02, s26;
	[tilespmem:s24+$0x80] =	vst v6  }
0x5f7: {  	s31 =	sadd.s32 $0xFFFFFA06, s26;
	v5 =	vadd.s32 s29, v0;
	v3 =	vadd.s32 s30, v0;
	v21 =	vadd.s32 s28, v0;
	s28 =	sadd.s32 $0xFFFFFF34, s26;
	v6 =	vld.idx.msk [tilespmem:v11+s15+$0x0], $0xffff  }
0x5f8: {  	v11 =	vadd.s32 s31, v0;
	v2 =	vadd.s32 s28, v0;
	v13 =	vld.idx.msk [tilespmem:v13+s15+$0x0], $0xffff;
	[tilespmem:s24+$0x100] =	vst v4  }
0x5f9: {  	v4 =	vld.idx.msk [tilespmem:v12+s15+$0x0], $0xffff;
	[tilespmem:s24+$0x180] =	vst v10  }
0x5fa: {  	v12 =	vld.idx.msk [tilespmem:v14+s15+$0x0], $0xffff;
	[tilespmem:s24+$0x200] =	vst v9  }
0x5fb: {  	v14 =	vld.idx.msk [tilespmem:v15+s15+$0x0], $0xffff;
	[tilespmem:s24+$0x280] =	vst v8  }
0x5fc: {  	v15 =	vld.idx.msk [tilespmem:v16+s15+$0x0], $0xffff;
	[tilespmem:s24+$0x380] =	vst v1  }
0x5fd: {  	s24 =	sadd.s32 $0x800, s24;
	v1 =	vmov v6;
	v11 =	vld.idx.msk [tilespmem:v11+s15+$0x0], $0xffff  }
0x5fe: {  	v10 =	vld.idx.msk [tilespmem:v17+s15+$0x0], $0xffff;
	[tilespmem:s24+$0x300] =	vst v13  }
.Ltmp30:
0x5ff: {  	[tilespmem:s24+$0xFFFFFC80] =	vst v4;
	v9 =	vld.idx.msk [tilespmem:v18+s15+$0x0], $0xffff;
	(pc) =	sbr.rel @p0 .LBB2_63-.Ltmp30, $4  }
0x600: {  	[tilespmem:s24+$0xFFFFFD00] =	vst v12;
	v8 =	vld.idx.msk [tilespmem:v7+s15+$0x0], $0xffff  }
0x601: {  	[tilespmem:s24+$0xFFFFFD80] =	vst v14;
	v7 =	vld.idx.msk [tilespmem:v19+s15+$0x0], $0xffff  }
0x602: {  	[tilespmem:s24+$0xFFFFFE00] =	vst v15;
	v6 =	vld.idx.msk [tilespmem:v20+s15+$0x0], $0xffff  }
0x603: {  	s26 =	sadd.s32 $0x660, s26;
	[tilespmem:s24+$0xFFFFFC00] =	vst v11;
	v4 =	vld.idx.msk [tilespmem:v21+s15+$0x0], $0xffff  }
0x604: {  	_ =	sdelay $0x1  }
0x605: {  	[tilespmem:s24+$0xFFFFFE80] =	vst v10  }
0x606: {  	[tilespmem:s24+$0xFFFFFF00] =	vst v9  }
0x607: {  	v0 =	vld.idx.msk [tilespmem:v5+s15+$0x0], $0xffff;
	[tilespmem:s24+$0x380] =	vst v1  }
0x608: {  	v3 =	vld.idx.msk [tilespmem:v3+s15+$0x0], $0xffff;
	[tilespmem:s24+$0xFFFFFF80] =	vst v8  }
0x609: {  	v2 =	vld.idx.msk [tilespmem:v2+s15+$0x0], $0xffff;
	[tilespmem:s24+$0x0] =	vst v7  }
0x60a: {  	[tilespmem:s24+$0x80] =	vst v6  }
0x60b: {  	[tilespmem:s24+$0x100] =	vst v4  }
0x60c: {  	[tilespmem:s24+$0x180] =	vst v0  }
0x60d: {  	[tilespmem:s24+$0x200] =	vst v3  }
0x60e: {  	[tilespmem:s24+$0x280] =	vst v2  }
0x60f: {  	v0 =	vld [tilespmem:s23+$0x70];
	_ =	sdelay $0x3  }
0x610: {  	s30 =	simm.s32 $0x5FA  }
0x611: {  	s31 =	simm.s32 $0x594;
	v1 =	vadd.s32 s30, v0  }
0x612: {  	s25 =	simm.s32 $0x66;
	v2 =	vadd.s32 s31, v0  }
0x613: {  	s28 =	simm.s32 $0x132;
	v3 =	vadd.s32 s25, v0  }
0x614: {  	s26 =	simm.s32 $0xCC;
	v5 =	vadd.s32 s28, v0  }
0x615: {  	s29 =	simm.s32 $0x198;
	v4 =	vadd.s32 s26, v0  }
0x616: {  	v6 =	vadd.s32 s29, v0;
	s30 =	simm.s32 $0x0;
	v1 =	vld.idx.msk [tilespmem:v1+s15+$0x0], $0xffff  }
0x617: {  	s31 =	simm.s32 $0x1FE;
	v7 =	vadd.s32 s30, v0;
	v2 =	vld.idx.msk [tilespmem:v2+s15+$0x0], $0xffff  }
0x618: {  	s25 =	simm.s32 $0x264;
	v8 =	vadd.s32 s31, v0;
	v3 =	vld.idx.msk [tilespmem:v3+s15+$0x0], $0xffff  }
0x619: {  	s26 =	simm.s32 $0x2CA;
	v9 =	vadd.s32 s25, v0;
	v5 =	vld.idx.msk [tilespmem:v5+s15+$0x0], $0xffff  }
0x61a: {  	s28 =	simm.s32 $0x330;
	v11 =	vadd.s32 s26, v0;
	v4 =	vld.idx.msk [tilespmem:v4+s15+$0x0], $0xffff  }
0x61b: {  	s25 =	simm.s32 $0x396;
	v12 =	vadd.s32 s28, v0;
	v6 =	vld.idx.msk [tilespmem:v6+s15+$0x0], $0xffff  }
0x61c: {  	s23 =	simm.s32 $0x71F0;
	s29 =	simm.s32 $0x3FC;
	v13 =	vadd.s32 s25, v0;
	v14 =	vld.idx.msk [tilespmem:v7+s15+$0x0], $0xffff  }
0x61d: {  	v15 =	vadd.s32 s29, v0;
	s30 =	simm.s32 $0x462;
	v10 =	vld.idx.msk [tilespmem:v8+s15+$0x0], $0xffff;
	[tilespmem:s23+$0x300] =	vst v2  }
0x61e: {  	s31 =	simm.s32 $0x4C8;
	v9 =	vld.idx.msk [tilespmem:v9+s15+$0x0], $0xffff;
	[tilespmem:s23+$0xFFFFFD80] =	vst v5;
	v5 =	vadd.s32 s30, v0  }
0x61f: {  	s26 =	simm.s32 $0x52E;
	v8 =	vld.idx.msk [tilespmem:v11+s15+$0x0], $0xffff;
	[tilespmem:s23+$0xFFFFFC80] =	vst v3;
	v3 =	vadd.s32 s31, v0  }
0x620: {  	v7 =	vld.idx.msk [tilespmem:v12+s15+$0x0], $0xffff;
	[tilespmem:s23+$0xFFFFFD00] =	vst v4;
	v2 =	vadd.s32 s26, v0  }
0x621: {  	[tilespmem:s23+$0xFFFFFE00] =	vst v6;
	v6 =	vld.idx.msk [tilespmem:v13+s15+$0x0], $0xffff  }
0x622: {  	s24 =	simm.s32 $0x0;
	s25 =	simm.s32 $0xC5A;
	v4 =	vld.idx.msk [tilespmem:v15+s15+$0x0], $0xffff;
	[tilespmem:s23+$0xFFFFFC00] =	vst v14  }
.LBB2_65:
0x623: {  	s26 =	sadd.s32 $0xFFFFFA6C, s25;
	s28 =	sadd.s32 $0xFFFFFF9A, s25;
	v11 =	vadd.s32 s25, v0;
	s24 =	sadd.s32 $0x10, s24;
	[tilespmem:s23+$0xFFFFFE80] =	vst v10;
	v10 =	vld.idx.msk [tilespmem:v5+s15+$0x0], $0xffff  }
0x624: {  	s29 =	sadd.s32 $0xFFFFFB38, s25;
	v12 =	vadd.s32 s26, v0;
	s26 =	sadd.s32 $0xFFFFFAD2, s25;
	v13 =	vadd.s32 s28, v0;
	p0 =	slt.u32 s24, $0x30;
	[tilespmem:s23+$0xFFFFFF00] =	vst v9;
	v9 =	vld.idx.msk [tilespmem:v3+s15+$0x0], $0xffff  }
0x625: {  	v15 =	vadd.s32 s29, v0;
	s28 =	sadd.s32 $0xFFFFFC04, s25;
	s29 =	sadd.s32 $0xFFFFFC6A, s25;
	v14 =	vadd.s32 s26, v0;
	s26 =	sadd.s32 $0xFFFFFB9E, s25;
	[tilespmem:s23+$0xFFFFFF80] =	vst v8;
	v8 =	vld.idx.msk [tilespmem:v2+s15+$0x0], $0xffff  }
0x626: {  	v17 =	vadd.s32 s28, v0;
	v18 =	vadd.s32 s29, v0;
	s28 =	sadd.s32 $0xFFFFFD36, s25;
	s29 =	sadd.s32 $0xFFFFFD9C, s25;
	v16 =	vadd.s32 s26, v0;
	s26 =	sadd.s32 $0xFFFFFCD0, s25;
	[tilespmem:s23+$0x0] =	vst v7  }
0x627: {  	v19 =	vadd.s32 s28, v0;
	v20 =	vadd.s32 s29, v0;
	s28 =	sadd.s32 $0xFFFFFE68, s25;
	s29 =	sadd.s32 $0xFFFFFECE, s25;
	v7 =	vadd.s32 s26, v0;
	s26 =	sadd.s32 $0xFFFFFE02, s25;
	[tilespmem:s23+$0x80] =	vst v6  }
0x628: {  	s30 =	sadd.s32 $0xFFFFFA06, s25;
	v5 =	vadd.s32 s28, v0;
	v3 =	vadd.s32 s29, v0;
	v21 =	vadd.s32 s26, v0;
	s26 =	sadd.s32 $0xFFFFFF34, s25;
	v6 =	vld.idx.msk [tilespmem:v11+s15+$0x0], $0xffff  }
0x629: {  	v11 =	vadd.s32 s30, v0;
	v2 =	vadd.s32 s26, v0;
	v13 =	vld.idx.msk [tilespmem:v13+s15+$0x0], $0xffff;
	[tilespmem:s23+$0x100] =	vst v4  }
0x62a: {  	v4 =	vld.idx.msk [tilespmem:v12+s15+$0x0], $0xffff;
	[tilespmem:s23+$0x180] =	vst v10  }
0x62b: {  	v12 =	vld.idx.msk [tilespmem:v14+s15+$0x0], $0xffff;
	[tilespmem:s23+$0x200] =	vst v9  }
0x62c: {  	v14 =	vld.idx.msk [tilespmem:v15+s15+$0x0], $0xffff;
	[tilespmem:s23+$0x280] =	vst v8  }
0x62d: {  	v15 =	vld.idx.msk [tilespmem:v16+s15+$0x0], $0xffff;
	[tilespmem:s23+$0x380] =	vst v1  }
0x62e: {  	s23 =	sadd.s32 $0x800, s23;
	v1 =	vmov v6;
	v11 =	vld.idx.msk [tilespmem:v11+s15+$0x0], $0xffff  }
0x62f: {  	v10 =	vld.idx.msk [tilespmem:v17+s15+$0x0], $0xffff;
	[tilespmem:s23+$0x300] =	vst v13  }
.Ltmp31:
0x630: {  	[tilespmem:s23+$0xFFFFFC80] =	vst v4;
	v9 =	vld.idx.msk [tilespmem:v18+s15+$0x0], $0xffff;
	(pc) =	sbr.rel @p0 .LBB2_65-.Ltmp31, $4  }
0x631: {  	[tilespmem:s23+$0xFFFFFD00] =	vst v12;
	v8 =	vld.idx.msk [tilespmem:v7+s15+$0x0], $0xffff  }
0x632: {  	[tilespmem:s23+$0xFFFFFD80] =	vst v14;
	v7 =	vld.idx.msk [tilespmem:v19+s15+$0x0], $0xffff  }
0x633: {  	[tilespmem:s23+$0xFFFFFE00] =	vst v15;
	v6 =	vld.idx.msk [tilespmem:v20+s15+$0x0], $0xffff  }
0x634: {  	s25 =	sadd.s32 $0x660, s25;
	[tilespmem:s23+$0xFFFFFC00] =	vst v11;
	v4 =	vld.idx.msk [tilespmem:v21+s15+$0x0], $0xffff  }
0x635: {  	_ =	sdelay $0x1  }
0x636: {  	[tilespmem:s23+$0xFFFFFE80] =	vst v10  }
0x637: {  	[tilespmem:s23+$0xFFFFFF00] =	vst v9  }
0x638: {  	v0 =	vld.idx.msk [tilespmem:v5+s15+$0x0], $0xffff;
	[tilespmem:s23+$0x380] =	vst v1  }
0x639: {  	v3 =	vld.idx.msk [tilespmem:v3+s15+$0x0], $0xffff;
	[tilespmem:s23+$0xFFFFFF80] =	vst v8  }
0x63a: {  	v2 =	vld.idx.msk [tilespmem:v2+s15+$0x0], $0xffff;
	s21 =	sadd.s32 $0x1, s21;
	[tilespmem:s23+$0x0] =	vst v7  }
0x63b: {  	p0 =	sne.s32 s21, $0x33;
	[tilespmem:s23+$0x80] =	vst v6  }
.Ltmp32:
0x63c: {  	s22 =	sshll.u32 s22, $0x12;
	[tilespmem:s23+$0x100] =	vst v4;
	(pc) =	sbr.rel @p0 .LBB2_34-.Ltmp32, $4  }
0x63d: {  	s22 =	sor.u32 s5, s22;
	[tilespmem:s23+$0x180] =	vst v0  }
0x63e: {  	s22 =	sshrl.u32 s22, $0x3;
	[tilespmem:s23+$0x200] =	vst v3  }
0x63f: {  	s22 =	sadd.s32 s3, s22;
	[tilespmem:s23+$0x280] =	vst v2  }
0x640: {  	[hbm4b:s22+s11] =	stream.strided.scatter [tilespmem:s17], [sflag:$0x2], $0x2000, s12, s11, $0x38;
	[tilespmem:$0x8D80] =	vst v63  }
0x641: {  	s20 =	sadd.s32 $0x1, s20  }
0x642: {  	_ =	swait.ge [sflag:s18], $0x2000;
	p0 =	sne.s32 s20, s10  }
.Ltmp33:
0x643: {  	[sflag:s18] =	ssyncset.done $0x0;
	(pc) =	sbr.rel @p0 .LBB2_1-.Ltmp33, $4  }
0x644: {  	[sflag:s18] =	ssyncadd.s32 $0xFFFFE000  }
0x645: {  	_ =	swait.ge [sflag:s19], $0x2000  }
0x646: {  	[sflag:s19] =	ssyncset.done $0x0  }
0x647: {  	[sflag:s19] =	ssyncadd.s32 $0xFFFFE000  }
0x648: {  	_ =	sfence.sel $0x180000  }
0x649: {  	[bflag:$0x0] =	sbarrier.arrive $0xFFFF  }
0x64a: {  	p0 =	sne.s32 s0, $0x0;
	_ =	strace $0x90000047  }
0x64b: {  	s0 =	sadd.s32 @!p0 $0x100000, s1;
	[bflag:$0x2] =	sbarrier.arrive $0xFFFF  }
0x64c: {  	[sflag:s0] =	ssyncadd.tile.s32 @!p0 $0x1;
	_ =	shalt  }
.Lfunc_end2:
_tile_overlayer_lowered:
.L_overlay_start_2:
0x64d: {  	(tag) =	ssettag $0x2  }
0x64e: {  	s0 =	rddreg [dreg:$0x0];
	s2 =	stileid.u32  }
0x64f: {  	s1 =	rddreg [dreg:$0x1];
	p0 =	sne.s32 s2, $0x0  }
0x650: {  	s3 =	rddreg [dreg:$0x2];
	[bflag:$0x3] =	sbarrier.arrive $0xFFFF;
	s2 =	simm.s32 @!p0 $0x1C03  }
0x651: {  	[timem:s3], [sflag:s2] =	dma.local @!p0 [hbm:s0], s1  }
0x652: {  	s0 =	simm.s32 @!p0 $0x3  }
0x653: {  	_ =	swait.ge @!p0 [sflag:s0], s1  }
0x654: {  	s1 =	ssub.s32 @!p0 $0x0, s1;
	[sflag:s0] =	ssyncset.done @!p0 $0x0  }
0x655: {  	[sflag:s0] =	ssyncadd.s32 @!p0 s1  }
0x656: {  	[bflag:$0x3] =	sbarrier.arrive $0xFFFF  }
0x657: {  	_ =	shalt  }

</sc_bundles>
